<compile_context>
chip_gen: v7x
topology: tpu7x:2x2x1
jax: 0.10.2.dev20260603
libtpu: 0.0.44.dev20260713+nightly
codegen_flags: <defaults>
</compile_context>

<pallas_src>
import dataclasses
import functools

import jax
import jax.numpy as jnp
from jax import lax
from jax.experimental import pallas as pl
from jax.experimental.pallas import tpu as pltpu
from jax.experimental.pallas import tpu_sc as plsc

TT = 32768
DD = 128
NSEG = 16
LANES = 16
NVEC = DD // LANES
NC = 2
NS = 16
NW = NC * NS
RPW = TT // NW
C1 = 256
C3 = 128
CU_PAD = 32
SPLIT = 16384
RPW1 = SPLIT // NW
TCR = TT - SPLIT


def _sc_compiler_params():
    cp = pltpu.CompilerParams()
    if "needs_layout_passes" in pltpu.CompilerParams.__dataclass_fields__:
        cp = dataclasses.replace(cp, needs_layout_passes=False)
    return cp


def _cu_scalars(cu_v):
    cu_vec = cu_v[pl.ds(0, LANES)]
    lane_ids = lax.iota(jnp.int32, LANES)
    cus = [jnp.int32(0)]
    for s in range(1, NSEG):
        cus.append(jnp.sum(jnp.where(lane_ids == s, cu_vec, 0)))
    cus.append(jnp.int32(TT))
    return cus


def _pass1_body(flat_hbm, cu_hbm, part_hbm, buf, zbuf, cu_v, idx_v,
                acc_sh, isem0, isem1):
    isems = (isem0, isem1)
    cid = lax.axis_index("c")
    tid = lax.axis_index("s")
    base = (cid * NS + tid) * RPW1
    nch = RPW1 // C1
    pltpu.async_copy(flat_hbm.at[pl.ds(base, C1)], buf.at[0], isems[0])
    pltpu.async_copy(flat_hbm.at[pl.ds(base + C1, C1)], buf.at[1], isems[1])
    pltpu.sync_copy(cu_hbm, cu_v)
    cus = _cu_scalars(cu_v)
    zero = jnp.zeros((LANES,), jnp.float32)
    for j in range(NVEC):
        for s in range(NSEG):
            zbuf[s, pl.ds(j * LANES, LANES)] = zero

    @pl.when(tid == 0)
    def _zero_acc():
        pltpu.sync_copy(zbuf, acc_sh)

    plsc.subcore_barrier()
    lane_ids = lax.iota(jnp.int32, LANES)
    ngrp = C1 // LANES

    for k in range(nch):
        b = k % 2
        chunk_lo = base + k * C1
        pltpu.make_async_copy(flat_hbm.at[pl.ds(chunk_lo, C1)],
                              buf.at[b], isems[b]).wait()

        @pl.loop(0, ngrp)
        def _grp(g, chunk_lo=chunk_lo):
            row_ids = lane_ids + (chunk_lo + g * LANES)
            seg = jnp.zeros((LANES,), jnp.int32)
            for s in range(1, NSEG):
                seg = seg + jnp.where(row_ids >= cus[s], 1, 0)
            idx_v[g // 8, pl.ds((g % 8) * LANES, LANES)] = seg

        for h in range(C1 // 128):
            pltpu.sync_copy(buf.at[b, pl.ds(h * 128, 128)],
                            acc_sh.at[idx_v.at[h]], add=True)
        if k + 2 < nch:
            pltpu.async_copy(flat_hbm.at[pl.ds(chunk_lo + 2 * C1, C1)],
                             buf.at[b], isems[b])
    plsc.subcore_barrier()

    @pl.when(tid == 0)
    def _emit():
        pltpu.sync_copy(acc_sh, part_hbm.at[cid])


def _pass1_tc_body(cu_smem, flat_ref, part_ref):
    rows1 = lax.broadcasted_iota(jnp.int32, (NSEG, 1), 0)
    lower = jnp.zeros((NSEG, 1), jnp.int32)
    upper = jnp.zeros((NSEG, 1), jnp.int32)
    for s in range(NSEG):
        lower = jnp.where(rows1 == s, cu_smem[s], lower)
        upper = jnp.where(rows1 == s, cu_smem[s + 1], upper)
    cols = lax.broadcasted_iota(jnp.int32, (NSEG, TCR), 1) + SPLIT
    sel = ((cols >= lower) & (cols < upper)).astype(jnp.float32)
    part_ref[...] = jnp.dot(sel, flat_ref[...],
                            preferred_element_type=jnp.float32)


def _cu_at_dyn(cu_v, idx):
    lane_ids = lax.iota(jnp.int32, LANES)
    v0 = cu_v[pl.ds(0, LANES)]
    v1 = cu_v[pl.ds(LANES, LANES)]
    return (jnp.sum(jnp.where(lane_ids == idx, v0, 0))
            + jnp.sum(jnp.where(lane_ids == idx - LANES, v1, 0)))


def _pass3_body(flat_hbm, cu_hbm, part_hbm, ptc_hbm, w_hbm, out_hbm,
                ibuf, obuf, gate_v, cu_v, pbuf, ptc, wbuf, pooled_v, grow_v,
                gate_sh, isem0, isem1, osem0, osem1, psem):
    isems = (isem0, isem1)
    osems = (osem0, osem1)
    cid = lax.axis_index("c")
    tid = lax.axis_index("s")
    wid = cid * NS + tid
    base = wid * RPW
    nch = RPW // C3
    pltpu.async_copy(flat_hbm.at[pl.ds(base, C3)],
                     ibuf.at[pl.ds(0, C3)], isems[0])
    pltpu.async_copy(flat_hbm.at[pl.ds(base + C3, C3)],
                     ibuf.at[pl.ds(C3, C3)], isems[1])
    pw = pltpu.async_copy(w_hbm, wbuf, osems[1])
    pp = pltpu.async_copy(part_hbm, pbuf, osems[0])
    pt = pltpu.async_copy(ptc_hbm, ptc, psem)
    pltpu.sync_copy(cu_hbm, cu_v)
    pp.wait()
    pw.wait()
    pt.wait()
    zero = jnp.zeros((LANES,), jnp.float32)
    psum = tuple(pbuf[0, tid, pl.ds(j * LANES, LANES)]
                 + pbuf[1, tid, pl.ds(j * LANES, LANES)]
                 + ptc[tid, pl.ds(j * LANES, LANES)]
                 for j in range(NVEC))
    cnt = _cu_at_dyn(cu_v, tid + 1) - _cu_at_dyn(cu_v, tid)
    cnt_vec = jnp.zeros((LANES,), jnp.float32) + cnt.astype(jnp.float32)
    inv = 1.0 / jnp.maximum(cnt_vec, 1.0)
    for j in range(NVEC):
        pooled_v[pl.ds(j * LANES, LANES)] = psum[j] * inv

    def _fma(k, c):
        pk = plsc.load_gather(pooled_v, [jnp.full((LANES,), 0, jnp.int32) + k])
        return tuple(c[j] + pk * wbuf[k, pl.ds(j * LANES, LANES)]
                     for j in range(NVEC))

    macc = plsc.parallel_loop(0, DD, unroll=2,
                              carry=tuple(zero for _ in range(NVEC)))(_fma)
    for j in range(NVEC):
        g = 1.0 / (1.0 + jnp.exp(-macc[j]))
        grow_v[pl.ds(j * LANES, LANES)] = g
    pltpu.sync_copy(grow_v, gate_sh.at[tid])
    plsc.subcore_barrier()
    pltpu.sync_copy(gate_sh, gate_v)

    @pl.loop(0, nch)
    def _chunks(k):
        par = lax.rem(k, 2)
        roff = par * C3
        chunk_lo = base + k * C3
        for b in range(2):
            @pl.when(par == b)
            def _wait_in(b=b, chunk_lo=chunk_lo):
                pltpu.make_async_copy(flat_hbm.at[pl.ds(chunk_lo, C3)],
                                      ibuf.at[pl.ds(b * C3, C3)],
                                      isems[b]).wait()

            @pl.when((par == b) & (k >= 2))
            def _wait_out(b=b, chunk_lo=chunk_lo):
                pltpu.make_async_copy(
                    obuf.at[pl.ds(b * C3, C3)],
                    out_hbm.at[pl.ds(chunk_lo - 2 * C3, C3)],
                    osems[b]).wait()

        @pl.loop(0, NSEG)
        def _seg(s, chunk_lo=chunk_lo, roff=roff):
            c_lo = _cu_at_dyn(cu_v, s)
            c_hi = _cu_at_dyn(cu_v, s + 1)
            lo = jnp.clip(c_lo, chunk_lo, chunk_lo + C3) - chunk_lo
            hi = jnp.clip(c_hi, chunk_lo, chunk_lo + C3) - chunk_lo

            @pl.when(hi > lo)
            def _run():
                gvecs = [gate_v[s, pl.ds(j * LANES, LANES)]
                         for j in range(NVEC)]

                def row(i):
                    for j in range(NVEC):
                        sl = pl.ds(j * LANES, LANES)
                        obuf[roff + i, sl] = ibuf[roff + i, sl] * gvecs[j]

                plsc.parallel_loop(lo, hi, unroll=4)(row)

        for b in range(2):
            @pl.when(par == b)
            def _issue(b=b, chunk_lo=chunk_lo):
                pltpu.async_copy(obuf.at[pl.ds(b * C3, C3)],
                                 out_hbm.at[pl.ds(chunk_lo, C3)], osems[b])

            @pl.when((par == b) & (k + 2 < nch))
            def _next_in(b=b, chunk_lo=chunk_lo):
                pltpu.async_copy(flat_hbm.at[pl.ds(chunk_lo + 2 * C3, C3)],
                                 ibuf.at[pl.ds(b * C3, C3)], isems[b])

    for b in range(2):
        pltpu.make_async_copy(
            obuf.at[pl.ds(b * C3, C3)],
            out_hbm.at[pl.ds(base + (nch - 2 + b) * C3, C3)],
            osems[b]).wait()


def kernel(flat, cu_seqlens, W):
    cu_pad = jnp.concatenate([
        cu_seqlens.astype(jnp.int32),
        jnp.full((CU_PAD - NSEG - 1,), TT, dtype=jnp.int32),
    ])

    mesh1 = plsc.VectorSubcoreMesh(core_axis_name="c", subcore_axis_name="s")
    pass1 = functools.partial(
        pl.kernel,
        out_type=jax.ShapeDtypeStruct((NC, NSEG, DD), jnp.float32),
        mesh=mesh1,
        compiler_params=_sc_compiler_params(),
        scratch_types=[
            pltpu.VMEM((2, C1, DD), jnp.float32),
            pltpu.VMEM((NSEG, DD), jnp.float32),
            pltpu.VMEM((CU_PAD,), jnp.int32),
            pltpu.VMEM((C1 // 128, 128), jnp.int32),
            pltpu.VMEM_SHARED((NSEG, DD), jnp.float32),
            pltpu.SemaphoreType.DMA,
            pltpu.SemaphoreType.DMA,
        ],
    )(_pass1_body)
    partials = pass1(flat, cu_pad)

    part_tc = pl.pallas_call(
        _pass1_tc_body,
        grid=(1,),
        out_shape=jax.ShapeDtypeStruct((NSEG, DD), jnp.float32),
        in_specs=[
            pl.BlockSpec(memory_space=pltpu.SMEM),
            pl.BlockSpec((TCR, DD), lambda i: (SPLIT // TCR, 0)),
        ],
        out_specs=pl.BlockSpec((NSEG, DD), lambda i: (0, 0)),
    )(cu_pad, flat)

    mesh3 = plsc.VectorSubcoreMesh(core_axis_name="c", subcore_axis_name="s")
    pass3 = functools.partial(
        pl.kernel,
        out_type=jax.ShapeDtypeStruct((TT, DD), jnp.float32),
        mesh=mesh3,
        compiler_params=_sc_compiler_params(),
        scratch_types=[
            pltpu.VMEM((2 * C3, DD), jnp.float32),
            pltpu.VMEM((2 * C3, DD), jnp.float32),
            pltpu.VMEM((NSEG, DD), jnp.float32),
            pltpu.VMEM((CU_PAD,), jnp.int32),
            pltpu.VMEM((NC, NSEG, DD), jnp.float32),
            pltpu.VMEM((NSEG, DD), jnp.float32),
            pltpu.VMEM((DD, DD), jnp.float32),
            pltpu.VMEM((DD,), jnp.float32),
            pltpu.VMEM((DD,), jnp.float32),
            pltpu.VMEM_SHARED((NSEG, DD), jnp.float32),
            pltpu.SemaphoreType.DMA,
            pltpu.SemaphoreType.DMA,
            pltpu.SemaphoreType.DMA,
            pltpu.SemaphoreType.DMA,
            pltpu.SemaphoreType.DMA,
        ],
    )(_pass3_body)
    return pass3(flat, cu_pad, partials, part_tc, W)

# --- scband reference (transcript-rebuilt; emitter-appended) ---
"""Pipeline reference for scband-bcgrounder-28630251995231 (READ-ONLY COPY).

The authoritative reference and input builder live on the scoring server;
editing this copy changes nothing except your own understanding.
"""

import jax, jax.numpy as jnp
import numpy as np

B = 16
T = 32768
D = 128


def setup_inputs(seed: int = 0) -> dict:
    key = jax.random.key(seed)
    k1, k2, k3 = jax.random.split(key, 3)
    flat = jax.random.normal(k1, (T, D), dtype=jnp.float32)
    inner = jnp.sort(jax.random.randint(k2, (B - 1,), 0, T)).astype(jnp.int32)
    cu_seqlens = jnp.concatenate([
        jnp.zeros((1,), dtype=jnp.int32),
        inner,
        jnp.full((1,), T, dtype=jnp.int32),
    ])
    W = jax.random.normal(k3, (D, D), dtype=jnp.float32) * 0.02
    return {"flat": flat, "cu_seqlens": cu_seqlens, "W": W}


def reference(flat, cu_seqlens, W):
    # Ragged per-segment grounding-style pass:
    #  1) map each flat token to its segment (ragged batch element)
    #  2) segment-reduce (scatter-add) to pool per-segment state
    #  3) gate each token by its pooled segment state (gather)
    T_, D_ = flat.shape
    nseg = cu_seqlens.shape[0] - 1
    positions = jnp.arange(T_, dtype=jnp.int32)
    # segment id of each token: first boundary in cu_seqlens[1:] strictly greater than pos
    seg = jnp.searchsorted(cu_seqlens[1:], positions, side="right").astype(jnp.int32)
    ones = jnp.ones((T_,), dtype=jnp.float32)
    counts = jax.ops.segment_sum(ones, seg, num_segments=nseg)
    pooled_sum = jax.ops.segment_sum(flat, seg, num_segments=nseg)
    pooled = pooled_sum / jnp.maximum(counts, 1.0)[:, None]
    gate = jax.nn.sigmoid(pooled @ W)            # [nseg, D]
    out = flat * jnp.take(gate, seg, axis=0)     # gather per token
    return out


if False:  # reference __main__ guard neutralized (emitter)
    inp = setup_inputs()
    out = reference(**inp)
    print(out.shape, out.dtype)

if __name__ == "__main__":
    import jax
    _d = setup_inputs()
    print(jax.jit(kernel)(*tuple(_d.values())))

</pallas_src>

<mosaic_0001>
#map = affine_map<(d0, d1) -> (0, 0)>
#map1 = affine_map<(d0, d1) -> (0)>
#map2 = affine_map<(d0, d1) -> (0, 0, 0)>
module attributes {stable_mosaic.version = 14 : i64} {
  func.func @_pass1_body(%arg0: i32, %arg1: i32, %arg2: memref<32768x128xf32, #tpu.memory_space<hbm>>, %arg3: memref<32xi32, #tpu.memory_space<hbm>>, %arg4: memref<2x16x128xf32, #tpu.memory_space<hbm>>, %arg5: memref<2x256x128xf32, #tpu.memory_space<vmem>>, %arg6: memref<16x128xf32, #tpu.memory_space<vmem>>, %arg7: memref<32xi32, #tpu.memory_space<vmem>>, %arg8: memref<2x128xi32, #tpu.memory_space<vmem>>, %arg9: memref<16x128xf32, #tpu.memory_space<vmem_shared>>, %arg10: memref<!tpu.dma_semaphore, #tpu.memory_space<semaphore_mem>>, %arg11: memref<!tpu.dma_semaphore, #tpu.memory_space<semaphore_mem>>) attributes {dimension_semantics = [#tpu.dimension_semantics<core_parallel>, #tpu.dimension_semantics<subcore_parallel>], iteration_bounds = array<i64: 2, 16>, scalar_prefetch = 0 : i64, scratch_operands = 7 : i64, tpu.core_type = #tpu.core_type<sc_vector_subcore>, window_params = [{transform_indices = #map}, {transform_indices = #map1}, {transform_indices = #map2}]} {
    %mul3A = arith.constant 16 : i32
    %mul3A_0 = arith.muli %arg0, %mul3A : i32
    %add3A = arith.addi %mul3A_0, %arg1 : i32
    %mul3A_1 = arith.constant 512 : i32
    %mul3A_2 = arith.muli %add3A, %mul3A_1 : i32
    %dma_start3A = arith.constant 0 : i32
    %dma_start3A_3 = arith.constant 0 : i32
    %dma_start3A_4 = arith.constant 0 : i32
    %dma_start3A_5 = tpu.memref_slice %arg5[%dma_start3A, %dma_start3A_3, %dma_start3A_4] : memref<2x256x128xf32, #tpu.memory_space<vmem>> -> memref<1x256x128xf32, #tpu.memory_space<vmem>>
    %dma_start3A_6 = tpu.memref_squeeze %dma_start3A_5 : memref<1x256x128xf32, #tpu.memory_space<vmem>> -> memref<256x128xf32, #tpu.memory_space<vmem>>
    %dma_start3A_7 = arith.constant 0 : i32
    %dma_start3A_8 = tpu.memref_slice %arg2[%mul3A_2, %dma_start3A_7] : memref<32768x128xf32, #tpu.memory_space<hbm>> -> memref<256x128xf32, #tpu.memory_space<hbm>>
    %dma_start3A_9 = arith.constant 0 : i32
    %dma_start3A_10 = arith.constant 0 : i32
    %dma_start3A_11 = tpu.memref_slice %arg5[%dma_start3A, %dma_start3A_9, %dma_start3A_10] : memref<2x256x128xf32, #tpu.memory_space<vmem>> -> memref<1x256x128xf32, #tpu.memory_space<vmem>>
    %dma_start3A_12 = tpu.memref_squeeze %dma_start3A_11 : memref<1x256x128xf32, #tpu.memory_space<vmem>> -> memref<256x128xf32, #tpu.memory_space<vmem>>
    %dma_start3A_13 = arith.constant 0 : i32
    %dma_start3A_14 = tpu.memref_slice %arg2[%mul3A_2, %dma_start3A_13] : memref<32768x128xf32, #tpu.memory_space<hbm>> -> memref<256x128xf32, #tpu.memory_space<hbm>>
    tpu.enqueue_dma source(%dma_start3A_14 : memref<256x128xf32, #tpu.memory_space<hbm>>) target(%dma_start3A_12 : memref<256x128xf32, #tpu.memory_space<vmem>>) target_semaphore(%arg10 : memref<!tpu.dma_semaphore, #tpu.memory_space<semaphore_mem>>)
    %add3A_15 = arith.constant 256 : i32
    %add3A_16 = arith.addi %mul3A_2, %add3A_15 : i32
    %dma_start3A_17 = arith.constant 1 : i32
    %dma_start3A_18 = arith.constant 0 : i32
    %dma_start3A_19 = arith.constant 0 : i32
    %dma_start3A_20 = tpu.memref_slice %arg5[%dma_start3A_17, %dma_start3A_18, %dma_start3A_19] : memref<2x256x128xf32, #tpu.memory_space<vmem>> -> memref<1x256x128xf32, #tpu.memory_space<vmem>>
    %dma_start3A_21 = tpu.memref_squeeze %dma_start3A_20 : memref<1x256x128xf32, #tpu.memory_space<vmem>> -> memref<256x128xf32, #tpu.memory_space<vmem>>
    %dma_start3A_22 = arith.constant 0 : i32
    %dma_start3A_23 = tpu.memref_slice %arg2[%add3A_16, %dma_start3A_22] : memref<32768x128xf32, #tpu.memory_space<hbm>> -> memref<256x128xf32, #tpu.memory_space<hbm>>
    %dma_start3A_24 = arith.constant 0 : i32
    %dma_start3A_25 = arith.constant 0 : i32
    %dma_start3A_26 = tpu.memref_slice %arg5[%dma_start3A_17, %dma_start3A_24, %dma_start3A_25] : memref<2x256x128xf32, #tpu.memory_space<vmem>> -> memref<1x256x128xf32, #tpu.memory_space<vmem>>
    %dma_start3A_27 = tpu.memref_squeeze %dma_start3A_26 : memref<1x256x128xf32, #tpu.memory_space<vmem>> -> memref<256x128xf32, #tpu.memory_space<vmem>>
    %dma_start3A_28 = arith.constant 0 : i32
    %dma_start3A_29 = tpu.memref_slice %arg2[%add3A_16, %dma_start3A_28] : memref<32768x128xf32, #tpu.memory_space<hbm>> -> memref<256x128xf32, #tpu.memory_space<hbm>>
    tpu.enqueue_dma source(%dma_start3A_29 : memref<256x128xf32, #tpu.memory_space<hbm>>) target(%dma_start3A_27 : memref<256x128xf32, #tpu.memory_space<vmem>>) target_semaphore(%arg11 : memref<!tpu.dma_semaphore, #tpu.memory_space<semaphore_mem>>)
    "tpu.region"() ({
      %run_scoped3A_744 = tpu.sem_alloc : memref<!tpu.dma_semaphore, #tpu.memory_space<semaphore_mem>>
      tpu.enqueue_dma source(%arg3 : memref<32xi32, #tpu.memory_space<hbm>>) target(%arg7 : memref<32xi32, #tpu.memory_space<vmem>>) target_semaphore(%run_scoped3A_744 : memref<!tpu.dma_semaphore, #tpu.memory_space<semaphore_mem>>)
      tpu.wait_dma2 semaphore(%run_scoped3A_744 : memref<!tpu.dma_semaphore, #tpu.memory_space<semaphore_mem>>) src(%arg3 : memref<32xi32, #tpu.memory_space<hbm>>) dst(%arg7 : memref<32xi32, #tpu.memory_space<vmem>>)
      tpu.yield
    }) : () -> ()
    %get3A = arith.constant 0 : index
    %get3A_30 = tpu.vector_load %arg7[%get3A] {strides = array<i32>} : memref<32xi32, #tpu.memory_space<vmem>>, vector<16xi32>,
    %iota3A = tpu.iota {dimensions = array<i32: 0>} : vector<16xi32>
    %eq3A = arith.constant 1 : i32
    %eq3A_31 = vector.broadcast %eq3A : i32 to vector<16xi32>
    %eq3A_32 = arith.cmpi eq, %iota3A, %eq3A_31 : vector<16xi32>
    %jit3A = arith.constant 0 : i32
    %broadcast_in_dim3A = vector.broadcast %jit3A : i32 to vector<16xi32>
    %select_n3A = arith.select %eq3A_32, %get3A_30, %broadcast_in_dim3A : vector<16xi1>, vector<16xi32>
    %reduce_sum3A = arith.constant true
    %reduce_sum3A_33 = vector.broadcast %reduce_sum3A : i1 to vector<16xi1>
    %reduce_sum3A_34 = tpu.scan <sum>, %select_n3A masked %reduce_sum3A_33 : vector<16xi32>, vector<16xi1> -> vector<16xi32>
    %reduce_sum3A_35 = vector.extract %reduce_sum3A_34[15] : i32 from vector<16xi32>
    %eq3A_36 = arith.constant 2 : i32
    %eq3A_37 = vector.broadcast %eq3A_36 : i32 to vector<16xi32>
    %eq3A_38 = arith.cmpi eq, %iota3A, %eq3A_37 : vector<16xi32>
    %jit3A_39 = arith.constant 0 : i32
    %broadcast_in_dim3A_40 = vector.broadcast %jit3A_39 : i32 to vector<16xi32>
    %select_n3A_41 = arith.select %eq3A_38, %get3A_30, %broadcast_in_dim3A_40 : vector<16xi1>, vector<16xi32>
    %reduce_sum3A_42 = arith.constant true
    %reduce_sum3A_43 = vector.broadcast %reduce_sum3A_42 : i1 to vector<16xi1>
    %reduce_sum3A_44 = tpu.scan <sum>, %select_n3A_41 masked %reduce_sum3A_43 : vector<16xi32>, vector<16xi1> -> vector<16xi32>
    %reduce_sum3A_45 = vector.extract %reduce_sum3A_44[15] : i32 from vector<16xi32>
    %eq3A_46 = arith.constant 3 : i32
    %eq3A_47 = vector.broadcast %eq3A_46 : i32 to vector<16xi32>
    %eq3A_48 = arith.cmpi eq, %iota3A, %eq3A_47 : vector<16xi32>
    %jit3A_49 = arith.constant 0 : i32
    %broadcast_in_dim3A_50 = vector.broadcast %jit3A_49 : i32 to vector<16xi32>
    %select_n3A_51 = arith.select %eq3A_48, %get3A_30, %broadcast_in_dim3A_50 : vector<16xi1>, vector<16xi32>
    %reduce_sum3A_52 = arith.constant true
    %reduce_sum3A_53 = vector.broadcast %reduce_sum3A_52 : i1 to vector<16xi1>
    %reduce_sum3A_54 = tpu.scan <sum>, %select_n3A_51 masked %reduce_sum3A_53 : vector<16xi32>, vector<16xi1> -> vector<16xi32>
    %reduce_sum3A_55 = vector.extract %reduce_sum3A_54[15] : i32 from vector<16xi32>
    %eq3A_56 = arith.constant 4 : i32
    %eq3A_57 = vector.broadcast %eq3A_56 : i32 to vector<16xi32>
    %eq3A_58 = arith.cmpi eq, %iota3A, %eq3A_57 : vector<16xi32>
    %jit3A_59 = arith.constant 0 : i32
    %broadcast_in_dim3A_60 = vector.broadcast %jit3A_59 : i32 to vector<16xi32>
    %select_n3A_61 = arith.select %eq3A_58, %get3A_30, %broadcast_in_dim3A_60 : vector<16xi1>, vector<16xi32>
    %reduce_sum3A_62 = arith.constant true
    %reduce_sum3A_63 = vector.broadcast %reduce_sum3A_62 : i1 to vector<16xi1>
    %reduce_sum3A_64 = tpu.scan <sum>, %select_n3A_61 masked %reduce_sum3A_63 : vector<16xi32>, vector<16xi1> -> vector<16xi32>
    %reduce_sum3A_65 = vector.extract %reduce_sum3A_64[15] : i32 from vector<16xi32>
    %eq3A_66 = arith.constant 5 : i32
    %eq3A_67 = vector.broadcast %eq3A_66 : i32 to vector<16xi32>
    %eq3A_68 = arith.cmpi eq, %iota3A, %eq3A_67 : vector<16xi32>
    %jit3A_69 = arith.constant 0 : i32
    %broadcast_in_dim3A_70 = vector.broadcast %jit3A_69 : i32 to vector<16xi32>
    %select_n3A_71 = arith.select %eq3A_68, %get3A_30, %broadcast_in_dim3A_70 : vector<16xi1>, vector<16xi32>
    %reduce_sum3A_72 = arith.constant true
    %reduce_sum3A_73 = vector.broadcast %reduce_sum3A_72 : i1 to vector<16xi1>
    %reduce_sum3A_74 = tpu.scan <sum>, %select_n3A_71 masked %reduce_sum3A_73 : vector<16xi32>, vector<16xi1> -> vector<16xi32>
    %reduce_sum3A_75 = vector.extract %reduce_sum3A_74[15] : i32 from vector<16xi32>
    %eq3A_76 = arith.constant 6 : i32
    %eq3A_77 = vector.broadcast %eq3A_76 : i32 to vector<16xi32>
    %eq3A_78 = arith.cmpi eq, %iota3A, %eq3A_77 : vector<16xi32>
    %jit3A_79 = arith.constant 0 : i32
    %broadcast_in_dim3A_80 = vector.broadcast %jit3A_79 : i32 to vector<16xi32>
    %select_n3A_81 = arith.select %eq3A_78, %get3A_30, %broadcast_in_dim3A_80 : vector<16xi1>, vector<16xi32>
    %reduce_sum3A_82 = arith.constant true
    %reduce_sum3A_83 = vector.broadcast %reduce_sum3A_82 : i1 to vector<16xi1>
    %reduce_sum3A_84 = tpu.scan <sum>, %select_n3A_81 masked %reduce_sum3A_83 : vector<16xi32>, vector<16xi1> -> vector<16xi32>
    %reduce_sum3A_85 = vector.extract %reduce_sum3A_84[15] : i32 from vector<16xi32>
    %eq3A_86 = arith.constant 7 : i32
    %eq3A_87 = vector.broadcast %eq3A_86 : i32 to vector<16xi32>
    %eq3A_88 = arith.cmpi eq, %iota3A, %eq3A_87 : vector<16xi32>
    %jit3A_89 = arith.constant 0 : i32
    %broadcast_in_dim3A_90 = vector.broadcast %jit3A_89 : i32 to vector<16xi32>
    %select_n3A_91 = arith.select %eq3A_88, %get3A_30, %broadcast_in_dim3A_90 : vector<16xi1>, vector<16xi32>
    %reduce_sum3A_92 = arith.constant true
    %reduce_sum3A_93 = vector.broadcast %reduce_sum3A_92 : i1 to vector<16xi1>
    %reduce_sum3A_94 = tpu.scan <sum>, %select_n3A_91 masked %reduce_sum3A_93 : vector<16xi32>, vector<16xi1> -> vector<16xi32>
    %reduce_sum3A_95 = vector.extract %reduce_sum3A_94[15] : i32 from vector<16xi32>
    %eq3A_96 = arith.constant 8 : i32
    %eq3A_97 = vector.broadcast %eq3A_96 : i32 to vector<16xi32>
    %eq3A_98 = arith.cmpi eq, %iota3A, %eq3A_97 : vector<16xi32>
    %jit3A_99 = arith.constant 0 : i32
    %broadcast_in_dim3A_100 = vector.broadcast %jit3A_99 : i32 to vector<16xi32>
    %select_n3A_101 = arith.select %eq3A_98, %get3A_30, %broadcast_in_dim3A_100 : vector<16xi1>, vector<16xi32>
    %reduce_sum3A_102 = arith.constant true
    %reduce_sum3A_103 = vector.broadcast %reduce_sum3A_102 : i1 to vector<16xi1>
    %reduce_sum3A_104 = tpu.scan <sum>, %select_n3A_101 masked %reduce_sum3A_103 : vector<16xi32>, vector<16xi1> -> vector<16xi32>
    %reduce_sum3A_105 = vector.extract %reduce_sum3A_104[15] : i32 from vector<16xi32>
    %eq3A_106 = arith.constant 9 : i32
    %eq3A_107 = vector.broadcast %eq3A_106 : i32 to vector<16xi32>
    %eq3A_108 = arith.cmpi eq, %iota3A, %eq3A_107 : vector<16xi32>
    %jit3A_109 = arith.constant 0 : i32
    %broadcast_in_dim3A_110 = vector.broadcast %jit3A_109 : i32 to vector<16xi32>
    %select_n3A_111 = arith.select %eq3A_108, %get3A_30, %broadcast_in_dim3A_110 : vector<16xi1>, vector<16xi32>
    %reduce_sum3A_112 = arith.constant true
    %reduce_sum3A_113 = vector.broadcast %reduce_sum3A_112 : i1 to vector<16xi1>
    %reduce_sum3A_114 = tpu.scan <sum>, %select_n3A_111 masked %reduce_sum3A_113 : vector<16xi32>, vector<16xi1> -> vector<16xi32>
    %reduce_sum3A_115 = vector.extract %reduce_sum3A_114[15] : i32 from vector<16xi32>
    %eq3A_116 = arith.constant 10 : i32
    %eq3A_117 = vector.broadcast %eq3A_116 : i32 to vector<16xi32>
    %eq3A_118 = arith.cmpi eq, %iota3A, %eq3A_117 : vector<16xi32>
    %jit3A_119 = arith.constant 0 : i32
    %broadcast_in_dim3A_120 = vector.broadcast %jit3A_119 : i32 to vector<16xi32>
    %select_n3A_121 = arith.select %eq3A_118, %get3A_30, %broadcast_in_dim3A_120 : vector<16xi1>, vector<16xi32>
    %reduce_sum3A_122 = arith.constant true
    %reduce_sum3A_123 = vector.broadcast %reduce_sum3A_122 : i1 to vector<16xi1>
    %reduce_sum3A_124 = tpu.scan <sum>, %select_n3A_121 masked %reduce_sum3A_123 : vector<16xi32>, vector<16xi1> -> vector<16xi32>
    %reduce_sum3A_125 = vector.extract %reduce_sum3A_124[15] : i32 from vector<16xi32>
    %eq3A_126 = arith.constant 11 : i32
    %eq3A_127 = vector.broadcast %eq3A_126 : i32 to vector<16xi32>
    %eq3A_128 = arith.cmpi eq, %iota3A, %eq3A_127 : vector<16xi32>
    %jit3A_129 = arith.constant 0 : i32
    %broadcast_in_dim3A_130 = vector.broadcast %jit3A_129 : i32 to vector<16xi32>
    %select_n3A_131 = arith.select %eq3A_128, %get3A_30, %broadcast_in_dim3A_130 : vector<16xi1>, vector<16xi32>
    %reduce_sum3A_132 = arith.constant true
    %reduce_sum3A_133 = vector.broadcast %reduce_sum3A_132 : i1 to vector<16xi1>
    %reduce_sum3A_134 = tpu.scan <sum>, %select_n3A_131 masked %reduce_sum3A_133 : vector<16xi32>, vector<16xi1> -> vector<16xi32>
    %reduce_sum3A_135 = vector.extract %reduce_sum3A_134[15] : i32 from vector<16xi32>
    %eq3A_136 = arith.constant 12 : i32
    %eq3A_137 = vector.broadcast %eq3A_136 : i32 to vector<16xi32>
    %eq3A_138 = arith.cmpi eq, %iota3A, %eq3A_137 : vector<16xi32>
    %jit3A_139 = arith.constant 0 : i32
    %broadcast_in_dim3A_140 = vector.broadcast %jit3A_139 : i32 to vector<16xi32>
    %select_n3A_141 = arith.select %eq3A_138, %get3A_30, %broadcast_in_dim3A_140 : vector<16xi1>, vector<16xi32>
    %reduce_sum3A_142 = arith.constant true
    %reduce_sum3A_143 = vector.broadcast %reduce_sum3A_142 : i1 to vector<16xi1>
    %reduce_sum3A_144 = tpu.scan <sum>, %select_n3A_141 masked %reduce_sum3A_143 : vector<16xi32>, vector<16xi1> -> vector<16xi32>
    %reduce_sum3A_145 = vector.extract %reduce_sum3A_144[15] : i32 from vector<16xi32>
    %eq3A_146 = arith.constant 13 : i32
    %eq3A_147 = vector.broadcast %eq3A_146 : i32 to vector<16xi32>
    %eq3A_148 = arith.cmpi eq, %iota3A, %eq3A_147 : vector<16xi32>
    %jit3A_149 = arith.constant 0 : i32
    %broadcast_in_dim3A_150 = vector.broadcast %jit3A_149 : i32 to vector<16xi32>
    %select_n3A_151 = arith.select %eq3A_148, %get3A_30, %broadcast_in_dim3A_150 : vector<16xi1>, vector<16xi32>
    %reduce_sum3A_152 = arith.constant true
    %reduce_sum3A_153 = vector.broadcast %reduce_sum3A_152 : i1 to vector<16xi1>
    %reduce_sum3A_154 = tpu.scan <sum>, %select_n3A_151 masked %reduce_sum3A_153 : vector<16xi32>, vector<16xi1> -> vector<16xi32>
    %reduce_sum3A_155 = vector.extract %reduce_sum3A_154[15] : i32 from vector<16xi32>
    %eq3A_156 = arith.constant 14 : i32
    %eq3A_157 = vector.broadcast %eq3A_156 : i32 to vector<16xi32>
    %eq3A_158 = arith.cmpi eq, %iota3A, %eq3A_157 : vector<16xi32>
    %jit3A_159 = arith.constant 0 : i32
    %broadcast_in_dim3A_160 = vector.broadcast %jit3A_159 : i32 to vector<16xi32>
    %select_n3A_161 = arith.select %eq3A_158, %get3A_30, %broadcast_in_dim3A_160 : vector<16xi1>, vector<16xi32>
    %reduce_sum3A_162 = arith.constant true
    %reduce_sum3A_163 = vector.broadcast %reduce_sum3A_162 : i1 to vector<16xi1>
    %reduce_sum3A_164 = tpu.scan <sum>, %select_n3A_161 masked %reduce_sum3A_163 : vector<16xi32>, vector<16xi1> -> vector<16xi32>
    %reduce_sum3A_165 = vector.extract %reduce_sum3A_164[15] : i32 from vector<16xi32>
    %eq3A_166 = arith.constant 15 : i32
    %eq3A_167 = vector.broadcast %eq3A_166 : i32 to vector<16xi32>
    %eq3A_168 = arith.cmpi eq, %iota3A, %eq3A_167 : vector<16xi32>
    %jit3A_169 = arith.constant 0 : i32
    %broadcast_in_dim3A_170 = vector.broadcast %jit3A_169 : i32 to vector<16xi32>
    %select_n3A_171 = arith.select %eq3A_168, %get3A_30, %broadcast_in_dim3A_170 : vector<16xi1>, vector<16xi32>
    %reduce_sum3A_172 = arith.constant true
    %reduce_sum3A_173 = vector.broadcast %reduce_sum3A_172 : i1 to vector<16xi1>
    %reduce_sum3A_174 = tpu.scan <sum>, %select_n3A_171 masked %reduce_sum3A_173 : vector<16xi32>, vector<16xi1> -> vector<16xi32>
    %reduce_sum3A_175 = vector.extract %reduce_sum3A_174[15] : i32 from vector<16xi32>
    %broadcast_in_dim3A_176 = arith.constant 0.000000e+00 : f32
    %broadcast_in_dim3A_177 = vector.broadcast %broadcast_in_dim3A_176 : f32 to vector<16xf32>
    %swap3A = arith.constant 0 : i32
    %swap3A_178 = arith.index_cast %swap3A : i32 to index
    %swap3A_179 = arith.constant 0 : index
    %swap3A_180 = tpu.vector_load %arg6[%swap3A_178, %swap3A_179] {strides = array<i32>} : memref<16x128xf32, #tpu.memory_space<vmem>>, vector<16xf32>,
    tpu.vector_store %arg6[%swap3A_178, %swap3A_179], %broadcast_in_dim3A_177 {strides = array<i32>} : memref<16x128xf32, #tpu.memory_space<vmem>>, vector<16xf32>,
    %swap3A_181 = arith.constant 1 : i32
    %swap3A_182 = arith.index_cast %swap3A_181 : i32 to index
    %swap3A_183 = arith.constant 0 : index
    %swap3A_184 = tpu.vector_load %arg6[%swap3A_182, %swap3A_183] {strides = array<i32>} : memref<16x128xf32, #tpu.memory_space<vmem>>, vector<16xf32>,
    tpu.vector_store %arg6[%swap3A_182, %swap3A_183], %broadcast_in_dim3A_177 {strides = array<i32>} : memref<16x128xf32, #tpu.memory_space<vmem>>, vector<16xf32>,
    %swap3A_185 = arith.constant 2 : i32
    %swap3A_186 = arith.index_cast %swap3A_185 : i32 to index
    %swap3A_187 = arith.constant 0 : index
    %swap3A_188 = tpu.vector_load %arg6[%swap3A_186, %swap3A_187] {strides = array<i32>} : memref<16x128xf32, #tpu.memory_space<vmem>>, vector<16xf32>,
    tpu.vector_store %arg6[%swap3A_186, %swap3A_187], %broadcast_in_dim3A_177 {strides = array<i32>} : memref<16x128xf32, #tpu.memory_space<vmem>>, vector<16xf32>,
    %swap3A_189 = arith.constant 3 : i32
    %swap3A_190 = arith.index_cast %swap3A_189 : i32 to index
    %swap3A_191 = arith.constant 0 : index
    %swap3A_192 = tpu.vector_load %arg6[%swap3A_190, %swap3A_191] {strides = array<i32>} : memref<16x128xf32, #tpu.memory_space<vmem>>, vector<16xf32>,
    tpu.vector_store %arg6[%swap3A_190, %swap3A_191], %broadcast_in_dim3A_177 {strides = array<i32>} : memref<16x128xf32, #tpu.memory_space<vmem>>, vector<16xf32>,
    %swap3A_193 = arith.constant 4 : i32
    %swap3A_194 = arith.index_cast %swap3A_193 : i32 to index
    %swap3A_195 = arith.constant 0 : index
    %swap3A_196 = tpu.vector_load %arg6[%swap3A_194, %swap3A_195] {strides = array<i32>} : memref<16x128xf32, #tpu.memory_space<vmem>>, vector<16xf32>,
    tpu.vector_store %arg6[%swap3A_194, %swap3A_195], %broadcast_in_dim3A_177 {strides = array<i32>} : memref<16x128xf32, #tpu.memory_space<vmem>>, vector<16xf32>,
    %swap3A_197 = arith.constant 5 : i32
    %swap3A_198 = arith.index_cast %swap3A_197 : i32 to index
    %swap3A_199 = arith.constant 0 : index
    %swap3A_200 = tpu.vector_load %arg6[%swap3A_198, %swap3A_199] {strides = array<i32>} : memref<16x128xf32, #tpu.memory_space<vmem>>, vector<16xf32>,
    tpu.vector_store %arg6[%swap3A_198, %swap3A_199], %broadcast_in_dim3A_177 {strides = array<i32>} : memref<16x128xf32, #tpu.memory_space<vmem>>, vector<16xf32>,
    %swap3A_201 = arith.constant 6 : i32
    %swap3A_202 = arith.index_cast %swap3A_201 : i32 to index
    %swap3A_203 = arith.constant 0 : index
    %swap3A_204 = tpu.vector_load %arg6[%swap3A_202, %swap3A_203] {strides = array<i32>} : memref<16x128xf32, #tpu.memory_space<vmem>>, vector<16xf32>,
    tpu.vector_store %arg6[%swap3A_202, %swap3A_203], %broadcast_in_dim3A_177 {strides = array<i32>} : memref<16x128xf32, #tpu.memory_space<vmem>>, vector<16xf32>,
    %swap3A_205 = arith.constant 7 : i32
    %swap3A_206 = arith.index_cast %swap3A_205 : i32 to index
    %swap3A_207 = arith.constant 0 : index
    %swap3A_208 = tpu.vector_load %arg6[%swap3A_206, %swap3A_207] {strides = array<i32>} : memref<16x128xf32, #tpu.memory_space<vmem>>, vector<16xf32>,
    tpu.vector_store %arg6[%swap3A_206, %swap3A_207], %broadcast_in_dim3A_177 {strides = array<i32>} : memref<16x128xf32, #tpu.memory_space<vmem>>, vector<16xf32>,
    %swap3A_209 = arith.constant 8 : i32
    %swap3A_210 = arith.index_cast %swap3A_209 : i32 to index
    %swap3A_211 = arith.constant 0 : index
    %swap3A_212 = tpu.vector_load %arg6[%swap3A_210, %swap3A_211] {strides = array<i32>} : memref<16x128xf32, #tpu.memory_space<vmem>>, vector<16xf32>,
    tpu.vector_store %arg6[%swap3A_210, %swap3A_211], %broadcast_in_dim3A_177 {strides = array<i32>} : memref<16x128xf32, #tpu.memory_space<vmem>>, vector<16xf32>,
    %swap3A_213 = arith.constant 9 : i32
    %swap3A_214 = arith.index_cast %swap3A_213 : i32 to index
    %swap3A_215 = arith.constant 0 : index
    %swap3A_216 = tpu.vector_load %arg6[%swap3A_214, %swap3A_215] {strides = array<i32>} : memref<16x128xf32, #tpu.memory_space<vmem>>, vector<16xf32>,
    tpu.vector_store %arg6[%swap3A_214, %swap3A_215], %broadcast_in_dim3A_177 {strides = array<i32>} : memref<16x128xf32, #tpu.memory_space<vmem>>, vector<16xf32>,
    %swap3A_217 = arith.constant 10 : i32
    %swap3A_218 = arith.index_cast %swap3A_217 : i32 to index
    %swap3A_219 = arith.constant 0 : index
    %swap3A_220 = tpu.vector_load %arg6[%swap3A_218, %swap3A_219] {strides = array<i32>} : memref<16x128xf32, #tpu.memory_space<vmem>>, vector<16xf32>,
    tpu.vector_store %arg6[%swap3A_218, %swap3A_219], %broadcast_in_dim3A_177 {strides = array<i32>} : memref<16x128xf32, #tpu.memory_space<vmem>>, vector<16xf32>,
    %swap3A_221 = arith.constant 11 : i32
    %swap3A_222 = arith.index_cast %swap3A_221 : i32 to index
    %swap3A_223 = arith.constant 0 : index
    %swap3A_224 = tpu.vector_load %arg6[%swap3A_222, %swap3A_223] {strides = array<i32>} : memref<16x128xf32, #tpu.memory_space<vmem>>, vector<16xf32>,
    tpu.vector_store %arg6[%swap3A_222, %swap3A_223], %broadcast_in_dim3A_177 {strides = array<i32>} : memref<16x128xf32, #tpu.memory_space<vmem>>, vector<16xf32>,
    %swap3A_225 = arith.constant 12 : i32
    %swap3A_226 = arith.index_cast %swap3A_225 : i32 to index
    %swap3A_227 = arith.constant 0 : index
    %swap3A_228 = tpu.vector_load %arg6[%swap3A_226, %swap3A_227] {strides = array<i32>} : memref<16x128xf32, #tpu.memory_space<vmem>>, vector<16xf32>,
    tpu.vector_store %arg6[%swap3A_226, %swap3A_227], %broadcast_in_dim3A_177 {strides = array<i32>} : memref<16x128xf32, #tpu.memory_space<vmem>>, vector<16xf32>,
    %swap3A_229 = arith.constant 13 : i32
    %swap3A_230 = arith.index_cast %swap3A_229 : i32 to index
    %swap3A_231 = arith.constant 0 : index
    %swap3A_232 = tpu.vector_load %arg6[%swap3A_230, %swap3A_231] {strides = array<i32>} : memref<16x128xf32, #tpu.memory_space<vmem>>, vector<16xf32>,
    tpu.vector_store %arg6[%swap3A_230, %swap3A_231], %broadcast_in_dim3A_177 {strides = array<i32>} : memref<16x128xf32, #tpu.memory_space<vmem>>, vector<16xf32>,
    %swap3A_233 = arith.constant 14 : i32
    %swap3A_234 = arith.index_cast %swap3A_233 : i32 to index
    %swap3A_235 = arith.constant 0 : index
    %swap3A_236 = tpu.vector_load %arg6[%swap3A_234, %swap3A_235] {strides = array<i32>} : memref<16x128xf32, #tpu.memory_space<vmem>>, vector<16xf32>,
    tpu.vector_store %arg6[%swap3A_234, %swap3A_235], %broadcast_in_dim3A_177 {strides = array<i32>} : memref<16x128xf32, #tpu.memory_space<vmem>>, vector<16xf32>,
    %swap3A_237 = arith.constant 15 : i32
    %swap3A_238 = arith.index_cast %swap3A_237 : i32 to index
    %swap3A_239 = arith.constant 0 : index
    %swap3A_240 = tpu.vector_load %arg6[%swap3A_238, %swap3A_239] {strides = array<i32>} : memref<16x128xf32, #tpu.memory_space<vmem>>, vector<16xf32>,
    tpu.vector_store %arg6[%swap3A_238, %swap3A_239], %broadcast_in_dim3A_177 {strides = array<i32>} : memref<16x128xf32, #tpu.memory_space<vmem>>, vector<16xf32>,
    %swap3A_241 = arith.constant 0 : i32
    %swap3A_242 = arith.index_cast %swap3A_241 : i32 to index
    %swap3A_243 = arith.constant 16 : index
    %swap3A_244 = tpu.vector_load %arg6[%swap3A_242, %swap3A_243] {strides = array<i32>} : memref<16x128xf32, #tpu.memory_space<vmem>>, vector<16xf32>,
    tpu.vector_store %arg6[%swap3A_242, %swap3A_243], %broadcast_in_dim3A_177 {strides = array<i32>} : memref<16x128xf32, #tpu.memory_space<vmem>>, vector<16xf32>,
    %swap3A_245 = arith.constant 1 : i32
    %swap3A_246 = arith.index_cast %swap3A_245 : i32 to index
    %swap3A_247 = arith.constant 16 : index
    %swap3A_248 = tpu.vector_load %arg6[%swap3A_246, %swap3A_247] {strides = array<i32>} : memref<16x128xf32, #tpu.memory_space<vmem>>, vector<16xf32>,
    tpu.vector_store %arg6[%swap3A_246, %swap3A_247], %broadcast_in_dim3A_177 {strides = array<i32>} : memref<16x128xf32, #tpu.memory_space<vmem>>, vector<16xf32>,
    %swap3A_249 = arith.constant 2 : i32
    %swap3A_250 = arith.index_cast %swap3A_249 : i32 to index
    %swap3A_251 = arith.constant 16 : index
    %swap3A_252 = tpu.vector_load %arg6[%swap3A_250, %swap3A_251] {strides = array<i32>} : memref<16x128xf32, #tpu.memory_space<vmem>>, vector<16xf32>,
    tpu.vector_store %arg6[%swap3A_250, %swap3A_251], %broadcast_in_dim3A_177 {strides = array<i32>} : memref<16x128xf32, #tpu.memory_space<vmem>>, vector<16xf32>,
    %swap3A_253 = arith.constant 3 : i32
    %swap3A_254 = arith.index_cast %swap3A_253 : i32 to index
    %swap3A_255 = arith.constant 16 : index
    %swap3A_256 = tpu.vector_load %arg6[%swap3A_254, %swap3A_255] {strides = array<i32>} : memref<16x128xf32, #tpu.memory_space<vmem>>, vector<16xf32>,
    tpu.vector_store %arg6[%swap3A_254, %swap3A_255], %broadcast_in_dim3A_177 {strides = array<i32>} : memref<16x128xf32, #tpu.memory_space<vmem>>, vector<16xf32>,
    %swap3A_257 = arith.constant 4 : i32
    %swap3A_258 = arith.index_cast %swap3A_257 : i32 to index
    %swap3A_259 = arith.constant 16 : index
    %swap3A_260 = tpu.vector_load %arg6[%swap3A_258, %swap3A_259] {strides = array<i32>} : memref<16x128xf32, #tpu.memory_space<vmem>>, vector<16xf32>,
    tpu.vector_store %arg6[%swap3A_258, %swap3A_259], %broadcast_in_dim3A_177 {strides = array<i32>} : memref<16x128xf32, #tpu.memory_space<vmem>>, vector<16xf32>,
    %swap3A_261 = arith.constant 5 : i32
    %swap3A_262 = arith.index_cast %swap3A_261 : i32 to index
    %swap3A_263 = arith.constant 16 : index
    %swap3A_264 = tpu.vector_load %arg6[%swap3A_262, %swap3A_263] {strides = array<i32>} : memref<16x128xf32, #tpu.memory_space<vmem>>, vector<16xf32>,
    tpu.vector_store %arg6[%swap3A_262, %swap3A_263], %broadcast_in_dim3A_177 {strides = array<i32>} : memref<16x128xf32, #tpu.memory_space<vmem>>, vector<16xf32>,
    %swap3A_265 = arith.constant 6 : i32
    %swap3A_266 = arith.index_cast %swap3A_265 : i32 to index
    %swap3A_267 = arith.constant 16 : index
    %swap3A_268 = tpu.vector_load %arg6[%swap3A_266, %swap3A_267] {strides = array<i32>} : memref<16x128xf32, #tpu.memory_space<vmem>>, vector<16xf32>,
    tpu.vector_store %arg6[%swap3A_266, %swap3A_267], %broadcast_in_dim3A_177 {strides = array<i32>} : memref<16x128xf32, #tpu.memory_space<vmem>>, vector<16xf32>,
    %swap3A_269 = arith.constant 7 : i32
    %swap3A_270 = arith.index_cast %swap3A_269 : i32 to index
    %swap3A_271 = arith.constant 16 : index
    %swap3A_272 = tpu.vector_load %arg6[%swap3A_270, %swap3A_271] {strides = array<i32>} : memref<16x128xf32, #tpu.memory_space<vmem>>, vector<16xf32>,
    tpu.vector_store %arg6[%swap3A_270, %swap3A_271], %broadcast_in_dim3A_177 {strides = array<i32>} : memref<16x128xf32, #tpu.memory_space<vmem>>, vector<16xf32>,
    %swap3A_273 = arith.constant 8 : i32
    %swap3A_274 = arith.index_cast %swap3A_273 : i32 to index
    %swap3A_275 = arith.constant 16 : index
    %swap3A_276 = tpu.vector_load %arg6[%swap3A_274, %swap3A_275] {strides = array<i32>} : memref<16x128xf32, #tpu.memory_space<vmem>>, vector<16xf32>,
    tpu.vector_store %arg6[%swap3A_274, %swap3A_275], %broadcast_in_dim3A_177 {strides = array<i32>} : memref<16x128xf32, #tpu.memory_space<vmem>>, vector<16xf32>,
    %swap3A_277 = arith.constant 9 : i32
    %swap3A_278 = arith.index_cast %swap3A_277 : i32 to index
    %swap3A_279 = arith.constant 16 : index
    %swap3A_280 = tpu.vector_load %arg6[%swap3A_278, %swap3A_279] {strides = array<i32>} : memref<16x128xf32, #tpu.memory_space<vmem>>, vector<16xf32>,
    tpu.vector_store %arg6[%swap3A_278, %swap3A_279], %broadcast_in_dim3A_177 {strides = array<i32>} : memref<16x128xf32, #tpu.memory_space<vmem>>, vector<16xf32>,
    %swap3A_281 = arith.constant 10 : i32
    %swap3A_282 = arith.index_cast %swap3A_281 : i32 to index
    %swap3A_283 = arith.constant 16 : index
    %swap3A_284 = tpu.vector_load %arg6[%swap3A_282, %swap3A_283] {strides = array<i32>} : memref<16x128xf32, #tpu.memory_space<vmem>>, vector<16xf32>,
    tpu.vector_store %arg6[%swap3A_282, %swap3A_283], %broadcast_in_dim3A_177 {strides = array<i32>} : memref<16x128xf32, #tpu.memory_space<vmem>>, vector<16xf32>,
    %swap3A_285 = arith.constant 11 : i32
    %swap3A_286 = arith.index_cast %swap3A_285 : i32 to index
    %swap3A_287 = arith.constant 16 : index
    %swap3A_288 = tpu.vector_load %arg6[%swap3A_286, %swap3A_287] {strides = array<i32>} : memref<16x128xf32, #tpu.memory_space<vmem>>, vector<16xf32>,
    tpu.vector_store %arg6[%swap3A_286, %swap3A_287], %broadcast_in_dim3A_177 {strides = array<i32>} : memref<16x128xf32, #tpu.memory_space<vmem>>, vector<16xf32>,
    %swap3A_289 = arith.constant 12 : i32
    %swap3A_290 = arith.index_cast %swap3A_289 : i32 to index
    %swap3A_291 = arith.constant 16 : index
    %swap3A_292 = tpu.vector_load %arg6[%swap3A_290, %swap3A_291] {strides = array<i32>} : memref<16x128xf32, #tpu.memory_space<vmem>>, vector<16xf32>,
    tpu.vector_store %arg6[%swap3A_290, %swap3A_291], %broadcast_in_dim3A_177 {strides = array<i32>} : memref<16x128xf32, #tpu.memory_space<vmem>>, vector<16xf32>,
    %swap3A_293 = arith.constant 13 : i32
    %swap3A_294 = arith.index_cast %swap3A_293 : i32 to index
    %swap3A_295 = arith.constant 16 : index
    %swap3A_296 = tpu.vector_load %arg6[%swap3A_294, %swap3A_295] {strides = array<i32>} : memref<16x128xf32, #tpu.memory_space<vmem>>, vector<16xf32>,
    tpu.vector_store %arg6[%swap3A_294, %swap3A_295], %broadcast_in_dim3A_177 {strides = array<i32>} : memref<16x128xf32, #tpu.memory_space<vmem>>, vector<16xf32>,
    %swap3A_297 = arith.constant 14 : i32
    %swap3A_298 = arith.index_cast %swap3A_297 : i32 to index
    %swap3A_299 = arith.constant 16 : index
    %swap3A_300 = tpu.vector_load %arg6[%swap3A_298, %swap3A_299] {strides = array<i32>} : memref<16x128xf32, #tpu.memory_space<vmem>>, vector<16xf32>,
    tpu.vector_store %arg6[%swap3A_298, %swap3A_299], %broadcast_in_dim3A_177 {strides = array<i32>} : memref<16x128xf32, #tpu.memory_space<vmem>>, vector<16xf32>,
    %swap3A_301 = arith.constant 15 : i32
    %swap3A_302 = arith.index_cast %swap3A_301 : i32 to index
    %swap3A_303 = arith.constant 16 : index
    %swap3A_304 = tpu.vector_load %arg6[%swap3A_302, %swap3A_303] {strides = array<i32>} : memref<16x128xf32, #tpu.memory_space<vmem>>, vector<16xf32>,
    tpu.vector_store %arg6[%swap3A_302, %swap3A_303], %broadcast_in_dim3A_177 {strides = array<i32>} : memref<16x128xf32, #tpu.memory_space<vmem>>, vector<16xf32>,
    %swap3A_305 = arith.constant 0 : i32
    %swap3A_306 = arith.index_cast %swap3A_305 : i32 to index
    %swap3A_307 = arith.constant 32 : index
    %swap3A_308 = tpu.vector_load %arg6[%swap3A_306, %swap3A_307] {strides = array<i32>} : memref<16x128xf32, #tpu.memory_space<vmem>>, vector<16xf32>,
    tpu.vector_store %arg6[%swap3A_306, %swap3A_307], %broadcast_in_dim3A_177 {strides = array<i32>} : memref<16x128xf32, #tpu.memory_space<vmem>>, vector<16xf32>,
    %swap3A_309 = arith.constant 1 : i32
    %swap3A_310 = arith.index_cast %swap3A_309 : i32 to index
    %swap3A_311 = arith.constant 32 : index
    %swap3A_312 = tpu.vector_load %arg6[%swap3A_310, %swap3A_311] {strides = array<i32>} : memref<16x128xf32, #tpu.memory_space<vmem>>, vector<16xf32>,
    tpu.vector_store %arg6[%swap3A_310, %swap3A_311], %broadcast_in_dim3A_177 {strides = array<i32>} : memref<16x128xf32, #tpu.memory_space<vmem>>, vector<16xf32>,
    %swap3A_313 = arith.constant 2 : i32
    %swap3A_314 = arith.index_cast %swap3A_313 : i32 to index
    %swap3A_315 = arith.constant 32 : index
    %swap3A_316 = tpu.vector_load %arg6[%swap3A_314, %swap3A_315] {strides = array<i32>} : memref<16x128xf32, #tpu.memory_space<vmem>>, vector<16xf32>,
    tpu.vector_store %arg6[%swap3A_314, %swap3A_315], %broadcast_in_dim3A_177 {strides = array<i32>} : memref<16x128xf32, #tpu.memory_space<vmem>>, vector<16xf32>,
    %swap3A_317 = arith.constant 3 : i32
    %swap3A_318 = arith.index_cast %swap3A_317 : i32 to index
    %swap3A_319 = arith.constant 32 : index
    %swap3A_320 = tpu.vector_load %arg6[%swap3A_318, %swap3A_319] {strides = array<i32>} : memref<16x128xf32, #tpu.memory_space<vmem>>, vector<16xf32>,
    tpu.vector_store %arg6[%swap3A_318, %swap3A_319], %broadcast_in_dim3A_177 {strides = array<i32>} : memref<16x128xf32, #tpu.memory_space<vmem>>, vector<16xf32>,
    %swap3A_321 = arith.constant 4 : i32
    %swap3A_322 = arith.index_cast %swap3A_321 : i32 to index
    %swap3A_323 = arith.constant 32 : index
    %swap3A_324 = tpu.vector_load %arg6[%swap3A_322, %swap3A_323] {strides = array<i32>} : memref<16x128xf32, #tpu.memory_space<vmem>>, vector<16xf32>,
    tpu.vector_store %arg6[%swap3A_322, %swap3A_323], %broadcast_in_dim3A_177 {strides = array<i32>} : memref<16x128xf32, #tpu.memory_space<vmem>>, vector<16xf32>,
    %swap3A_325 = arith.constant 5 : i32
    %swap3A_326 = arith.index_cast %swap3A_325 : i32 to index
    %swap3A_327 = arith.constant 32 : index
    %swap3A_328 = tpu.vector_load %arg6[%swap3A_326, %swap3A_327] {strides = array<i32>} : memref<16x128xf32, #tpu.memory_space<vmem>>, vector<16xf32>,
    tpu.vector_store %arg6[%swap3A_326, %swap3A_327], %broadcast_in_dim3A_177 {strides = array<i32>} : memref<16x128xf32, #tpu.memory_space<vmem>>, vector<16xf32>,
    %swap3A_329 = arith.constant 6 : i32
    %swap3A_330 = arith.index_cast %swap3A_329 : i32 to index
    %swap3A_331 = arith.constant 32 : index
    %swap3A_332 = tpu.vector_load %arg6[%swap3A_330, %swap3A_331] {strides = array<i32>} : memref<16x128xf32, #tpu.memory_space<vmem>>, vector<16xf32>,
    tpu.vector_store %arg6[%swap3A_330, %swap3A_331], %broadcast_in_dim3A_177 {strides = array<i32>} : memref<16x128xf32, #tpu.memory_space<vmem>>, vector<16xf32>,
    %swap3A_333 = arith.constant 7 : i32
    %swap3A_334 = arith.index_cast %swap3A_333 : i32 to index
    %swap3A_335 = arith.constant 32 : index
    %swap3A_336 = tpu.vector_load %arg6[%swap3A_334, %swap3A_335] {strides = array<i32>} : memref<16x128xf32, #tpu.memory_space<vmem>>, vector<16xf32>,
    tpu.vector_store %arg6[%swap3A_334, %swap3A_335], %broadcast_in_dim3A_177 {strides = array<i32>} : memref<16x128xf32, #tpu.memory_space<vmem>>, vector<16xf32>,
    %swap3A_337 = arith.constant 8 : i32
    %swap3A_338 = arith.index_cast %swap3A_337 : i32 to index
    %swap3A_339 = arith.constant 32 : index
    %swap3A_340 = tpu.vector_load %arg6[%swap3A_338, %swap3A_339] {strides = array<i32>} : memref<16x128xf32, #tpu.memory_space<vmem>>, vector<16xf32>,
    tpu.vector_store %arg6[%swap3A_338, %swap3A_339], %broadcast_in_dim3A_177 {strides = array<i32>} : memref<16x128xf32, #tpu.memory_space<vmem>>, vector<16xf32>,
    %swap3A_341 = arith.constant 9 : i32
    %swap3A_342 = arith.index_cast %swap3A_341 : i32 to index
    %swap3A_343 = arith.constant 32 : index
    %swap3A_344 = tpu.vector_load %arg6[%swap3A_342, %swap3A_343] {strides = array<i32>} : memref<16x128xf32, #tpu.memory_space<vmem>>, vector<16xf32>,
    tpu.vector_store %arg6[%swap3A_342, %swap3A_343], %broadcast_in_dim3A_177 {strides = array<i32>} : memref<16x128xf32, #tpu.memory_space<vmem>>, vector<16xf32>,
    %swap3A_345 = arith.constant 10 : i32
    %swap3A_346 = arith.index_cast %swap3A_345 : i32 to index
    %swap3A_347 = arith.constant 32 : index
    %swap3A_348 = tpu.vector_load %arg6[%swap3A_346, %swap3A_347] {strides = array<i32>} : memref<16x128xf32, #tpu.memory_space<vmem>>, vector<16xf32>,
    tpu.vector_store %arg6[%swap3A_346, %swap3A_347], %broadcast_in_dim3A_177 {strides = array<i32>} : memref<16x128xf32, #tpu.memory_space<vmem>>, vector<16xf32>,
    %swap3A_349 = arith.constant 11 : i32
    %swap3A_350 = arith.index_cast %swap3A_349 : i32 to index
    %swap3A_351 = arith.constant 32 : index
    %swap3A_352 = tpu.vector_load %arg6[%swap3A_350, %swap3A_351] {strides = array<i32>} : memref<16x128xf32, #tpu.memory_space<vmem>>, vector<16xf32>,
    tpu.vector_store %arg6[%swap3A_350, %swap3A_351], %broadcast_in_dim3A_177 {strides = array<i32>} : memref<16x128xf32, #tpu.memory_space<vmem>>, vector<16xf32>,
    %swap3A_353 = arith.constant 12 : i32
    %swap3A_354 = arith.index_cast %swap3A_353 : i32 to index
    %swap3A_355 = arith.constant 32 : index
    %swap3A_356 = tpu.vector_load %arg6[%swap3A_354, %swap3A_355] {strides = array<i32>} : memref<16x128xf32, #tpu.memory_space<vmem>>, vector<16xf32>,
    tpu.vector_store %arg6[%swap3A_354, %swap3A_355], %broadcast_in_dim3A_177 {strides = array<i32>} : memref<16x128xf32, #tpu.memory_space<vmem>>, vector<16xf32>,
    %swap3A_357 = arith.constant 13 : i32
    %swap3A_358 = arith.index_cast %swap3A_357 : i32 to index
    %swap3A_359 = arith.constant 32 : index
    %swap3A_360 = tpu.vector_load %arg6[%swap3A_358, %swap3A_359] {strides = array<i32>} : memref<16x128xf32, #tpu.memory_space<vmem>>, vector<16xf32>,
    tpu.vector_store %arg6[%swap3A_358, %swap3A_359], %broadcast_in_dim3A_177 {strides = array<i32>} : memref<16x128xf32, #tpu.memory_space<vmem>>, vector<16xf32>,
    %swap3A_361 = arith.constant 14 : i32
    %swap3A_362 = arith.index_cast %swap3A_361 : i32 to index
    %swap3A_363 = arith.constant 32 : index
    %swap3A_364 = tpu.vector_load %arg6[%swap3A_362, %swap3A_363] {strides = array<i32>} : memref<16x128xf32, #tpu.memory_space<vmem>>, vector<16xf32>,
    tpu.vector_store %arg6[%swap3A_362, %swap3A_363], %broadcast_in_dim3A_177 {strides = array<i32>} : memref<16x128xf32, #tpu.memory_space<vmem>>, vector<16xf32>,
    %swap3A_365 = arith.constant 15 : i32
    %swap3A_366 = arith.index_cast %swap3A_365 : i32 to index
    %swap3A_367 = arith.constant 32 : index
    %swap3A_368 = tpu.vector_load %arg6[%swap3A_366, %swap3A_367] {strides = array<i32>} : memref<16x128xf32, #tpu.memory_space<vmem>>, vector<16xf32>,
    tpu.vector_store %arg6[%swap3A_366, %swap3A_367], %broadcast_in_dim3A_177 {strides = array<i32>} : memref<16x128xf32, #tpu.memory_space<vmem>>, vector<16xf32>,
    %swap3A_369 = arith.constant 0 : i32
    %swap3A_370 = arith.index_cast %swap3A_369 : i32 to index
    %swap3A_371 = arith.constant 48 : index
    %swap3A_372 = tpu.vector_load %arg6[%swap3A_370, %swap3A_371] {strides = array<i32>} : memref<16x128xf32, #tpu.memory_space<vmem>>, vector<16xf32>,
    tpu.vector_store %arg6[%swap3A_370, %swap3A_371], %broadcast_in_dim3A_177 {strides = array<i32>} : memref<16x128xf32, #tpu.memory_space<vmem>>, vector<16xf32>,
    %swap3A_373 = arith.constant 1 : i32
    %swap3A_374 = arith.index_cast %swap3A_373 : i32 to index
    %swap3A_375 = arith.constant 48 : index
    %swap3A_376 = tpu.vector_load %arg6[%swap3A_374, %swap3A_375] {strides = array<i32>} : memref<16x128xf32, #tpu.memory_space<vmem>>, vector<16xf32>,
    tpu.vector_store %arg6[%swap3A_374, %swap3A_375], %broadcast_in_dim3A_177 {strides = array<i32>} : memref<16x128xf32, #tpu.memory_space<vmem>>, vector<16xf32>,
    %swap3A_377 = arith.constant 2 : i32
    %swap3A_378 = arith.index_cast %swap3A_377 : i32 to index
    %swap3A_379 = arith.constant 48 : index
    %swap3A_380 = tpu.vector_load %arg6[%swap3A_378, %swap3A_379] {strides = array<i32>} : memref<16x128xf32, #tpu.memory_space<vmem>>, vector<16xf32>,
    tpu.vector_store %arg6[%swap3A_378, %swap3A_379], %broadcast_in_dim3A_177 {strides = array<i32>} : memref<16x128xf32, #tpu.memory_space<vmem>>, vector<16xf32>,
    %swap3A_381 = arith.constant 3 : i32
    %swap3A_382 = arith.index_cast %swap3A_381 : i32 to index
    %swap3A_383 = arith.constant 48 : index
    %swap3A_384 = tpu.vector_load %arg6[%swap3A_382, %swap3A_383] {strides = array<i32>} : memref<16x128xf32, #tpu.memory_space<vmem>>, vector<16xf32>,
    tpu.vector_store %arg6[%swap3A_382, %swap3A_383], %broadcast_in_dim3A_177 {strides = array<i32>} : memref<16x128xf32, #tpu.memory_space<vmem>>, vector<16xf32>,
    %swap3A_385 = arith.constant 4 : i32
    %swap3A_386 = arith.index_cast %swap3A_385 : i32 to index
    %swap3A_387 = arith.constant 48 : index
    %swap3A_388 = tpu.vector_load %arg6[%swap3A_386, %swap3A_387] {strides = array<i32>} : memref<16x128xf32, #tpu.memory_space<vmem>>, vector<16xf32>,
    tpu.vector_store %arg6[%swap3A_386, %swap3A_387], %broadcast_in_dim3A_177 {strides = array<i32>} : memref<16x128xf32, #tpu.memory_space<vmem>>, vector<16xf32>,
    %swap3A_389 = arith.constant 5 : i32
    %swap3A_390 = arith.index_cast %swap3A_389 : i32 to index
    %swap3A_391 = arith.constant 48 : index
    %swap3A_392 = tpu.vector_load %arg6[%swap3A_390, %swap3A_391] {strides = array<i32>} : memref<16x128xf32, #tpu.memory_space<vmem>>, vector<16xf32>,
    tpu.vector_store %arg6[%swap3A_390, %swap3A_391], %broadcast_in_dim3A_177 {strides = array<i32>} : memref<16x128xf32, #tpu.memory_space<vmem>>, vector<16xf32>,
    %swap3A_393 = arith.constant 6 : i32
    %swap3A_394 = arith.index_cast %swap3A_393 : i32 to index
    %swap3A_395 = arith.constant 48 : index
    %swap3A_396 = tpu.vector_load %arg6[%swap3A_394, %swap3A_395] {strides = array<i32>} : memref<16x128xf32, #tpu.memory_space<vmem>>, vector<16xf32>,
    tpu.vector_store %arg6[%swap3A_394, %swap3A_395], %broadcast_in_dim3A_177 {strides = array<i32>} : memref<16x128xf32, #tpu.memory_space<vmem>>, vector<16xf32>,
    %swap3A_397 = arith.constant 7 : i32
    %swap3A_398 = arith.index_cast %swap3A_397 : i32 to index
    %swap3A_399 = arith.constant 48 : index
    %swap3A_400 = tpu.vector_load %arg6[%swap3A_398, %swap3A_399] {strides = array<i32>} : memref<16x128xf32, #tpu.memory_space<vmem>>, vector<16xf32>,
    tpu.vector_store %arg6[%swap3A_398, %swap3A_399], %broadcast_in_dim3A_177 {strides = array<i32>} : memref<16x128xf32, #tpu.memory_space<vmem>>, vector<16xf32>,
    %swap3A_401 = arith.constant 8 : i32
    %swap3A_402 = arith.index_cast %swap3A_401 : i32 to index
    %swap3A_403 = arith.constant 48 : index
    %swap3A_404 = tpu.vector_load %arg6[%swap3A_402, %swap3A_403] {strides = array<i32>} : memref<16x128xf32, #tpu.memory_space<vmem>>, vector<16xf32>,
    tpu.vector_store %arg6[%swap3A_402, %swap3A_403], %broadcast_in_dim3A_177 {strides = array<i32>} : memref<16x128xf32, #tpu.memory_space<vmem>>, vector<16xf32>,
    %swap3A_405 = arith.constant 9 : i32
    %swap3A_406 = arith.index_cast %swap3A_405 : i32 to index
    %swap3A_407 = arith.constant 48 : index
    %swap3A_408 = tpu.vector_load %arg6[%swap3A_406, %swap3A_407] {strides = array<i32>} : memref<16x128xf32, #tpu.memory_space<vmem>>, vector<16xf32>,
    tpu.vector_store %arg6[%swap3A_406, %swap3A_407], %broadcast_in_dim3A_177 {strides = array<i32>} : memref<16x128xf32, #tpu.memory_space<vmem>>, vector<16xf32>,
    %swap3A_409 = arith.constant 10 : i32
    %swap3A_410 = arith.index_cast %swap3A_409 : i32 to index
    %swap3A_411 = arith.constant 48 : index
    %swap3A_412 = tpu.vector_load %arg6[%swap3A_410, %swap3A_411] {strides = array<i32>} : memref<16x128xf32, #tpu.memory_space<vmem>>, vector<16xf32>,
    tpu.vector_store %arg6[%swap3A_410, %swap3A_411], %broadcast_in_dim3A_177 {strides = array<i32>} : memref<16x128xf32, #tpu.memory_space<vmem>>, vector<16xf32>,
    %swap3A_413 = arith.constant 11 : i32
    %swap3A_414 = arith.index_cast %swap3A_413 : i32 to index
    %swap3A_415 = arith.constant 48 : index
    %swap3A_416 = tpu.vector_load %arg6[%swap3A_414, %swap3A_415] {strides = array<i32>} : memref<16x128xf32, #tpu.memory_space<vmem>>, vector<16xf32>,
    tpu.vector_store %arg6[%swap3A_414, %swap3A_415], %broadcast_in_dim3A_177 {strides = array<i32>} : memref<16x128xf32, #tpu.memory_space<vmem>>, vector<16xf32>,
    %swap3A_417 = arith.constant 12 : i32
    %swap3A_418 = arith.index_cast %swap3A_417 : i32 to index
    %swap3A_419 = arith.constant 48 : index
    %swap3A_420 = tpu.vector_load %arg6[%swap3A_418, %swap3A_419] {strides = array<i32>} : memref<16x128xf32, #tpu.memory_space<vmem>>, vector<16xf32>,
    tpu.vector_store %arg6[%swap3A_418, %swap3A_419], %broadcast_in_dim3A_177 {strides = array<i32>} : memref<16x128xf32, #tpu.memory_space<vmem>>, vector<16xf32>,
    %swap3A_421 = arith.constant 13 : i32
    %swap3A_422 = arith.index_cast %swap3A_421 : i32 to index
    %swap3A_423 = arith.constant 48 : index
    %swap3A_424 = tpu.vector_load %arg6[%swap3A_422, %swap3A_423] {strides = array<i32>} : memref<16x128xf32, #tpu.memory_space<vmem>>, vector<16xf32>,
    tpu.vector_store %arg6[%swap3A_422, %swap3A_423], %broadcast_in_dim3A_177 {strides = array<i32>} : memref<16x128xf32, #tpu.memory_space<vmem>>, vector<16xf32>,
    %swap3A_425 = arith.constant 14 : i32
    %swap3A_426 = arith.index_cast %swap3A_425 : i32 to index
    %swap3A_427 = arith.constant 48 : index
    %swap3A_428 = tpu.vector_load %arg6[%swap3A_426, %swap3A_427] {strides = array<i32>} : memref<16x128xf32, #tpu.memory_space<vmem>>, vector<16xf32>,
    tpu.vector_store %arg6[%swap3A_426, %swap3A_427], %broadcast_in_dim3A_177 {strides = array<i32>} : memref<16x128xf32, #tpu.memory_space<vmem>>, vector<16xf32>,
    %swap3A_429 = arith.constant 15 : i32
    %swap3A_430 = arith.index_cast %swap3A_429 : i32 to index
    %swap3A_431 = arith.constant 48 : index
    %swap3A_432 = tpu.vector_load %arg6[%swap3A_430, %swap3A_431] {strides = array<i32>} : memref<16x128xf32, #tpu.memory_space<vmem>>, vector<16xf32>,
    tpu.vector_store %arg6[%swap3A_430, %swap3A_431], %broadcast_in_dim3A_177 {strides = array<i32>} : memref<16x128xf32, #tpu.memory_space<vmem>>, vector<16xf32>,
    %swap3A_433 = arith.constant 0 : i32
    %swap3A_434 = arith.index_cast %swap3A_433 : i32 to index
    %swap3A_435 = arith.constant 64 : index
    %swap3A_436 = tpu.vector_load %arg6[%swap3A_434, %swap3A_435] {strides = array<i32>} : memref<16x128xf32, #tpu.memory_space<vmem>>, vector<16xf32>,
    tpu.vector_store %arg6[%swap3A_434, %swap3A_435], %broadcast_in_dim3A_177 {strides = array<i32>} : memref<16x128xf32, #tpu.memory_space<vmem>>, vector<16xf32>,
    %swap3A_437 = arith.constant 1 : i32
    %swap3A_438 = arith.index_cast %swap3A_437 : i32 to index
    %swap3A_439 = arith.constant 64 : index
    %swap3A_440 = tpu.vector_load %arg6[%swap3A_438, %swap3A_439] {strides = array<i32>} : memref<16x128xf32, #tpu.memory_space<vmem>>, vector<16xf32>,
    tpu.vector_store %arg6[%swap3A_438, %swap3A_439], %broadcast_in_dim3A_177 {strides = array<i32>} : memref<16x128xf32, #tpu.memory_space<vmem>>, vector<16xf32>,
    %swap3A_441 = arith.constant 2 : i32
    %swap3A_442 = arith.index_cast %swap3A_441 : i32 to index
    %swap3A_443 = arith.constant 64 : index
    %swap3A_444 = tpu.vector_load %arg6[%swap3A_442, %swap3A_443] {strides = array<i32>} : memref<16x128xf32, #tpu.memory_space<vmem>>, vector<16xf32>,
    tpu.vector_store %arg6[%swap3A_442, %swap3A_443], %broadcast_in_dim3A_177 {strides = array<i32>} : memref<16x128xf32, #tpu.memory_space<vmem>>, vector<16xf32>,
    %swap3A_445 = arith.constant 3 : i32
    %swap3A_446 = arith.index_cast %swap3A_445 : i32 to index
    %swap3A_447 = arith.constant 64 : index
    %swap3A_448 = tpu.vector_load %arg6[%swap3A_446, %swap3A_447] {strides = array<i32>} : memref<16x128xf32, #tpu.memory_space<vmem>>, vector<16xf32>,
    tpu.vector_store %arg6[%swap3A_446, %swap3A_447], %broadcast_in_dim3A_177 {strides = array<i32>} : memref<16x128xf32, #tpu.memory_space<vmem>>, vector<16xf32>,
    %swap3A_449 = arith.constant 4 : i32
    %swap3A_450 = arith.index_cast %swap3A_449 : i32 to index
    %swap3A_451 = arith.constant 64 : index
    %swap3A_452 = tpu.vector_load %arg6[%swap3A_450, %swap3A_451] {strides = array<i32>} : memref<16x128xf32, #tpu.memory_space<vmem>>, vector<16xf32>,
    tpu.vector_store %arg6[%swap3A_450, %swap3A_451], %broadcast_in_dim3A_177 {strides = array<i32>} : memref<16x128xf32, #tpu.memory_space<vmem>>, vector<16xf32>,
    %swap3A_453 = arith.constant 5 : i32
    %swap3A_454 = arith.index_cast %swap3A_453 : i32 to index
    %swap3A_455 = arith.constant 64 : index
    %swap3A_456 = tpu.vector_load %arg6[%swap3A_454, %swap3A_455] {strides = array<i32>} : memref<16x128xf32, #tpu.memory_space<vmem>>, vector<16xf32>,
    tpu.vector_store %arg6[%swap3A_454, %swap3A_455], %broadcast_in_dim3A_177 {strides = array<i32>} : memref<16x128xf32, #tpu.memory_space<vmem>>, vector<16xf32>,
    %swap3A_457 = arith.constant 6 : i32
    %swap3A_458 = arith.index_cast %swap3A_457 : i32 to index
    %swap3A_459 = arith.constant 64 : index
    %swap3A_460 = tpu.vector_load %arg6[%swap3A_458, %swap3A_459] {strides = array<i32>} : memref<16x128xf32, #tpu.memory_space<vmem>>, vector<16xf32>,
    tpu.vector_store %arg6[%swap3A_458, %swap3A_459], %broadcast_in_dim3A_177 {strides = array<i32>} : memref<16x128xf32, #tpu.memory_space<vmem>>, vector<16xf32>,
    %swap3A_461 = arith.constant 7 : i32
    %swap3A_462 = arith.index_cast %swap3A_461 : i32 to index
    %swap3A_463 = arith.constant 64 : index
    %swap3A_464 = tpu.vector_load %arg6[%swap3A_462, %swap3A_463] {strides = array<i32>} : memref<16x128xf32, #tpu.memory_space<vmem>>, vector<16xf32>,
    tpu.vector_store %arg6[%swap3A_462, %swap3A_463], %broadcast_in_dim3A_177 {strides = array<i32>} : memref<16x128xf32, #tpu.memory_space<vmem>>, vector<16xf32>,
    %swap3A_465 = arith.constant 8 : i32
    %swap3A_466 = arith.index_cast %swap3A_465 : i32 to index
    %swap3A_467 = arith.constant 64 : index
    %swap3A_468 = tpu.vector_load %arg6[%swap3A_466, %swap3A_467] {strides = array<i32>} : memref<16x128xf32, #tpu.memory_space<vmem>>, vector<16xf32>,
    tpu.vector_store %arg6[%swap3A_466, %swap3A_467], %broadcast_in_dim3A_177 {strides = array<i32>} : memref<16x128xf32, #tpu.memory_space<vmem>>, vector<16xf32>,
    %swap3A_469 = arith.constant 9 : i32
    %swap3A_470 = arith.index_cast %swap3A_469 : i32 to index
    %swap3A_471 = arith.constant 64 : index
    %swap3A_472 = tpu.vector_load %arg6[%swap3A_470, %swap3A_471] {strides = array<i32>} : memref<16x128xf32, #tpu.memory_space<vmem>>, vector<16xf32>,
    tpu.vector_store %arg6[%swap3A_470, %swap3A_471], %broadcast_in_dim3A_177 {strides = array<i32>} : memref<16x128xf32, #tpu.memory_space<vmem>>, vector<16xf32>,
    %swap3A_473 = arith.constant 10 : i32
    %swap3A_474 = arith.index_cast %swap3A_473 : i32 to index
    %swap3A_475 = arith.constant 64 : index
    %swap3A_476 = tpu.vector_load %arg6[%swap3A_474, %swap3A_475] {strides = array<i32>} : memref<16x128xf32, #tpu.memory_space<vmem>>, vector<16xf32>,
    tpu.vector_store %arg6[%swap3A_474, %swap3A_475], %broadcast_in_dim3A_177 {strides = array<i32>} : memref<16x128xf32, #tpu.memory_space<vmem>>, vector<16xf32>,
    %swap3A_477 = arith.constant 11 : i32
    %swap3A_478 = arith.index_cast %swap3A_477 : i32 to index
    %swap3A_479 = arith.constant 64 : index
    %swap3A_480 = tpu.vector_load %arg6[%swap3A_478, %swap3A_479] {strides = array<i32>} : memref<16x128xf32, #tpu.memory_space<vmem>>, vector<16xf32>,
    tpu.vector_store %arg6[%swap3A_478, %swap3A_479], %broadcast_in_dim3A_177 {strides = array<i32>} : memref<16x128xf32, #tpu.memory_space<vmem>>, vector<16xf32>,
    %swap3A_481 = arith.constant 12 : i32
    %swap3A_482 = arith.index_cast %swap3A_481 : i32 to index
    %swap3A_483 = arith.constant 64 : index
    %swap3A_484 = tpu.vector_load %arg6[%swap3A_482, %swap3A_483] {strides = array<i32>} : memref<16x128xf32, #tpu.memory_space<vmem>>, vector<16xf32>,
    tpu.vector_store %arg6[%swap3A_482, %swap3A_483], %broadcast_in_dim3A_177 {strides = array<i32>} : memref<16x128xf32, #tpu.memory_space<vmem>>, vector<16xf32>,
    %swap3A_485 = arith.constant 13 : i32
    %swap3A_486 = arith.index_cast %swap3A_485 : i32 to index
    %swap3A_487 = arith.constant 64 : index
    %swap3A_488 = tpu.vector_load %arg6[%swap3A_486, %swap3A_487] {strides = array<i32>} : memref<16x128xf32, #tpu.memory_space<vmem>>, vector<16xf32>,
    tpu.vector_store %arg6[%swap3A_486, %swap3A_487], %broadcast_in_dim3A_177 {strides = array<i32>} : memref<16x128xf32, #tpu.memory_space<vmem>>, vector<16xf32>,
    %swap3A_489 = arith.constant 14 : i32
    %swap3A_490 = arith.index_cast %swap3A_489 : i32 to index
    %swap3A_491 = arith.constant 64 : index
    %swap3A_492 = tpu.vector_load %arg6[%swap3A_490, %swap3A_491] {strides = array<i32>} : memref<16x128xf32, #tpu.memory_space<vmem>>, vector<16xf32>,
    tpu.vector_store %arg6[%swap3A_490, %swap3A_491], %broadcast_in_dim3A_177 {strides = array<i32>} : memref<16x128xf32, #tpu.memory_space<vmem>>, vector<16xf32>,
    %swap3A_493 = arith.constant 15 : i32
    %swap3A_494 = arith.index_cast %swap3A_493 : i32 to index
    %swap3A_495 = arith.constant 64 : index
    %swap3A_496 = tpu.vector_load %arg6[%swap3A_494, %swap3A_495] {strides = array<i32>} : memref<16x128xf32, #tpu.memory_space<vmem>>, vector<16xf32>,
    tpu.vector_store %arg6[%swap3A_494, %swap3A_495], %broadcast_in_dim3A_177 {strides = array<i32>} : memref<16x128xf32, #tpu.memory_space<vmem>>, vector<16xf32>,
    %swap3A_497 = arith.constant 0 : i32
    %swap3A_498 = arith.index_cast %swap3A_497 : i32 to index
    %swap3A_499 = arith.constant 80 : index
    %swap3A_500 = tpu.vector_load %arg6[%swap3A_498, %swap3A_499] {strides = array<i32>} : memref<16x128xf32, #tpu.memory_space<vmem>>, vector<16xf32>,
    tpu.vector_store %arg6[%swap3A_498, %swap3A_499], %broadcast_in_dim3A_177 {strides = array<i32>} : memref<16x128xf32, #tpu.memory_space<vmem>>, vector<16xf32>,
    %swap3A_501 = arith.constant 1 : i32
    %swap3A_502 = arith.index_cast %swap3A_501 : i32 to index
    %swap3A_503 = arith.constant 80 : index
    %swap3A_504 = tpu.vector_load %arg6[%swap3A_502, %swap3A_503] {strides = array<i32>} : memref<16x128xf32, #tpu.memory_space<vmem>>, vector<16xf32>,
    tpu.vector_store %arg6[%swap3A_502, %swap3A_503], %broadcast_in_dim3A_177 {strides = array<i32>} : memref<16x128xf32, #tpu.memory_space<vmem>>, vector<16xf32>,
    %swap3A_505 = arith.constant 2 : i32
    %swap3A_506 = arith.index_cast %swap3A_505 : i32 to index
    %swap3A_507 = arith.constant 80 : index
    %swap3A_508 = tpu.vector_load %arg6[%swap3A_506, %swap3A_507] {strides = array<i32>} : memref<16x128xf32, #tpu.memory_space<vmem>>, vector<16xf32>,
    tpu.vector_store %arg6[%swap3A_506, %swap3A_507], %broadcast_in_dim3A_177 {strides = array<i32>} : memref<16x128xf32, #tpu.memory_space<vmem>>, vector<16xf32>,
    %swap3A_509 = arith.constant 3 : i32
    %swap3A_510 = arith.index_cast %swap3A_509 : i32 to index
    %swap3A_511 = arith.constant 80 : index
    %swap3A_512 = tpu.vector_load %arg6[%swap3A_510, %swap3A_511] {strides = array<i32>} : memref<16x128xf32, #tpu.memory_space<vmem>>, vector<16xf32>,
    tpu.vector_store %arg6[%swap3A_510, %swap3A_511], %broadcast_in_dim3A_177 {strides = array<i32>} : memref<16x128xf32, #tpu.memory_space<vmem>>, vector<16xf32>,
    %swap3A_513 = arith.constant 4 : i32
    %swap3A_514 = arith.index_cast %swap3A_513 : i32 to index
    %swap3A_515 = arith.constant 80 : index
    %swap3A_516 = tpu.vector_load %arg6[%swap3A_514, %swap3A_515] {strides = array<i32>} : memref<16x128xf32, #tpu.memory_space<vmem>>, vector<16xf32>,
    tpu.vector_store %arg6[%swap3A_514, %swap3A_515], %broadcast_in_dim3A_177 {strides = array<i32>} : memref<16x128xf32, #tpu.memory_space<vmem>>, vector<16xf32>,
    %swap3A_517 = arith.constant 5 : i32
    %swap3A_518 = arith.index_cast %swap3A_517 : i32 to index
    %swap3A_519 = arith.constant 80 : index
    %swap3A_520 = tpu.vector_load %arg6[%swap3A_518, %swap3A_519] {strides = array<i32>} : memref<16x128xf32, #tpu.memory_space<vmem>>, vector<16xf32>,
    tpu.vector_store %arg6[%swap3A_518, %swap3A_519], %broadcast_in_dim3A_177 {strides = array<i32>} : memref<16x128xf32, #tpu.memory_space<vmem>>, vector<16xf32>,
    %swap3A_521 = arith.constant 6 : i32
    %swap3A_522 = arith.index_cast %swap3A_521 : i32 to index
    %swap3A_523 = arith.constant 80 : index
    %swap3A_524 = tpu.vector_load %arg6[%swap3A_522, %swap3A_523] {strides = array<i32>} : memref<16x128xf32, #tpu.memory_space<vmem>>, vector<16xf32>,
    tpu.vector_store %arg6[%swap3A_522, %swap3A_523], %broadcast_in_dim3A_177 {strides = array<i32>} : memref<16x128xf32, #tpu.memory_space<vmem>>, vector<16xf32>,
    %swap3A_525 = arith.constant 7 : i32
    %swap3A_526 = arith.index_cast %swap3A_525 : i32 to index
    %swap3A_527 = arith.constant 80 : index
    %swap3A_528 = tpu.vector_load %arg6[%swap3A_526, %swap3A_527] {strides = array<i32>} : memref<16x128xf32, #tpu.memory_space<vmem>>, vector<16xf32>,
    tpu.vector_store %arg6[%swap3A_526, %swap3A_527], %broadcast_in_dim3A_177 {strides = array<i32>} : memref<16x128xf32, #tpu.memory_space<vmem>>, vector<16xf32>,
    %swap3A_529 = arith.constant 8 : i32
    %swap3A_530 = arith.index_cast %swap3A_529 : i32 to index
    %swap3A_531 = arith.constant 80 : index
    %swap3A_532 = tpu.vector_load %arg6[%swap3A_530, %swap3A_531] {strides = array<i32>} : memref<16x128xf32, #tpu.memory_space<vmem>>, vector<16xf32>,
    tpu.vector_store %arg6[%swap3A_530, %swap3A_531], %broadcast_in_dim3A_177 {strides = array<i32>} : memref<16x128xf32, #tpu.memory_space<vmem>>, vector<16xf32>,
    %swap3A_533 = arith.constant 9 : i32
    %swap3A_534 = arith.index_cast %swap3A_533 : i32 to index
    %swap3A_535 = arith.constant 80 : index
    %swap3A_536 = tpu.vector_load %arg6[%swap3A_534, %swap3A_535] {strides = array<i32>} : memref<16x128xf32, #tpu.memory_space<vmem>>, vector<16xf32>,
    tpu.vector_store %arg6[%swap3A_534, %swap3A_535], %broadcast_in_dim3A_177 {strides = array<i32>} : memref<16x128xf32, #tpu.memory_space<vmem>>, vector<16xf32>,
    %swap3A_537 = arith.constant 10 : i32
    %swap3A_538 = arith.index_cast %swap3A_537 : i32 to index
    %swap3A_539 = arith.constant 80 : index
    %swap3A_540 = tpu.vector_load %arg6[%swap3A_538, %swap3A_539] {strides = array<i32>} : memref<16x128xf32, #tpu.memory_space<vmem>>, vector<16xf32>,
    tpu.vector_store %arg6[%swap3A_538, %swap3A_539], %broadcast_in_dim3A_177 {strides = array<i32>} : memref<16x128xf32, #tpu.memory_space<vmem>>, vector<16xf32>,
    %swap3A_541 = arith.constant 11 : i32
    %swap3A_542 = arith.index_cast %swap3A_541 : i32 to index
    %swap3A_543 = arith.constant 80 : index
    %swap3A_544 = tpu.vector_load %arg6[%swap3A_542, %swap3A_543] {strides = array<i32>} : memref<16x128xf32, #tpu.memory_space<vmem>>, vector<16xf32>,
    tpu.vector_store %arg6[%swap3A_542, %swap3A_543], %broadcast_in_dim3A_177 {strides = array<i32>} : memref<16x128xf32, #tpu.memory_space<vmem>>, vector<16xf32>,
    %swap3A_545 = arith.constant 12 : i32
    %swap3A_546 = arith.index_cast %swap3A_545 : i32 to index
    %swap3A_547 = arith.constant 80 : index
    %swap3A_548 = tpu.vector_load %arg6[%swap3A_546, %swap3A_547] {strides = array<i32>} : memref<16x128xf32, #tpu.memory_space<vmem>>, vector<16xf32>,
    tpu.vector_store %arg6[%swap3A_546, %swap3A_547], %broadcast_in_dim3A_177 {strides = array<i32>} : memref<16x128xf32, #tpu.memory_space<vmem>>, vector<16xf32>,
    %swap3A_549 = arith.constant 13 : i32
    %swap3A_550 = arith.index_cast %swap3A_549 : i32 to index
    %swap3A_551 = arith.constant 80 : index
    %swap3A_552 = tpu.vector_load %arg6[%swap3A_550, %swap3A_551] {strides = array<i32>} : memref<16x128xf32, #tpu.memory_space<vmem>>, vector<16xf32>,
    tpu.vector_store %arg6[%swap3A_550, %swap3A_551], %broadcast_in_dim3A_177 {strides = array<i32>} : memref<16x128xf32, #tpu.memory_space<vmem>>, vector<16xf32>,
    %swap3A_553 = arith.constant 14 : i32
    %swap3A_554 = arith.index_cast %swap3A_553 : i32 to index
    %swap3A_555 = arith.constant 80 : index
    %swap3A_556 = tpu.vector_load %arg6[%swap3A_554, %swap3A_555] {strides = array<i32>} : memref<16x128xf32, #tpu.memory_space<vmem>>, vector<16xf32>,
    tpu.vector_store %arg6[%swap3A_554, %swap3A_555], %broadcast_in_dim3A_177 {strides = array<i32>} : memref<16x128xf32, #tpu.memory_space<vmem>>, vector<16xf32>,
    %swap3A_557 = arith.constant 15 : i32
    %swap3A_558 = arith.index_cast %swap3A_557 : i32 to index
    %swap3A_559 = arith.constant 80 : index
    %swap3A_560 = tpu.vector_load %arg6[%swap3A_558, %swap3A_559] {strides = array<i32>} : memref<16x128xf32, #tpu.memory_space<vmem>>, vector<16xf32>,
    tpu.vector_store %arg6[%swap3A_558, %swap3A_559], %broadcast_in_dim3A_177 {strides = array<i32>} : memref<16x128xf32, #tpu.memory_space<vmem>>, vector<16xf32>,
    %swap3A_561 = arith.constant 0 : i32
    %swap3A_562 = arith.index_cast %swap3A_561 : i32 to index
    %swap3A_563 = arith.constant 96 : index
    %swap3A_564 = tpu.vector_load %arg6[%swap3A_562, %swap3A_563] {strides = array<i32>} : memref<16x128xf32, #tpu.memory_space<vmem>>, vector<16xf32>,
    tpu.vector_store %arg6[%swap3A_562, %swap3A_563], %broadcast_in_dim3A_177 {strides = array<i32>} : memref<16x128xf32, #tpu.memory_space<vmem>>, vector<16xf32>,
    %swap3A_565 = arith.constant 1 : i32
    %swap3A_566 = arith.index_cast %swap3A_565 : i32 to index
    %swap3A_567 = arith.constant 96 : index
    %swap3A_568 = tpu.vector_load %arg6[%swap3A_566, %swap3A_567] {strides = array<i32>} : memref<16x128xf32, #tpu.memory_space<vmem>>, vector<16xf32>,
    tpu.vector_store %arg6[%swap3A_566, %swap3A_567], %broadcast_in_dim3A_177 {strides = array<i32>} : memref<16x128xf32, #tpu.memory_space<vmem>>, vector<16xf32>,
    %swap3A_569 = arith.constant 2 : i32
    %swap3A_570 = arith.index_cast %swap3A_569 : i32 to index
    %swap3A_571 = arith.constant 96 : index
    %swap3A_572 = tpu.vector_load %arg6[%swap3A_570, %swap3A_571] {strides = array<i32>} : memref<16x128xf32, #tpu.memory_space<vmem>>, vector<16xf32>,
    tpu.vector_store %arg6[%swap3A_570, %swap3A_571], %broadcast_in_dim3A_177 {strides = array<i32>} : memref<16x128xf32, #tpu.memory_space<vmem>>, vector<16xf32>,
    %swap3A_573 = arith.constant 3 : i32
    %swap3A_574 = arith.index_cast %swap3A_573 : i32 to index
    %swap3A_575 = arith.constant 96 : index
    %swap3A_576 = tpu.vector_load %arg6[%swap3A_574, %swap3A_575] {strides = array<i32>} : memref<16x128xf32, #tpu.memory_space<vmem>>, vector<16xf32>,
    tpu.vector_store %arg6[%swap3A_574, %swap3A_575], %broadcast_in_dim3A_177 {strides = array<i32>} : memref<16x128xf32, #tpu.memory_space<vmem>>, vector<16xf32>,
    %swap3A_577 = arith.constant 4 : i32
    %swap3A_578 = arith.index_cast %swap3A_577 : i32 to index
    %swap3A_579 = arith.constant 96 : index
    %swap3A_580 = tpu.vector_load %arg6[%swap3A_578, %swap3A_579] {strides = array<i32>} : memref<16x128xf32, #tpu.memory_space<vmem>>, vector<16xf32>,
    tpu.vector_store %arg6[%swap3A_578, %swap3A_579], %broadcast_in_dim3A_177 {strides = array<i32>} : memref<16x128xf32, #tpu.memory_space<vmem>>, vector<16xf32>,
    %swap3A_581 = arith.constant 5 : i32
    %swap3A_582 = arith.index_cast %swap3A_581 : i32 to index
    %swap3A_583 = arith.constant 96 : index
    %swap3A_584 = tpu.vector_load %arg6[%swap3A_582, %swap3A_583] {strides = array<i32>} : memref<16x128xf32, #tpu.memory_space<vmem>>, vector<16xf32>,
    tpu.vector_store %arg6[%swap3A_582, %swap3A_583], %broadcast_in_dim3A_177 {strides = array<i32>} : memref<16x128xf32, #tpu.memory_space<vmem>>, vector<16xf32>,
    %swap3A_585 = arith.constant 6 : i32
    %swap3A_586 = arith.index_cast %swap3A_585 : i32 to index
    %swap3A_587 = arith.constant 96 : index
    %swap3A_588 = tpu.vector_load %arg6[%swap3A_586, %swap3A_587] {strides = array<i32>} : memref<16x128xf32, #tpu.memory_space<vmem>>, vector<16xf32>,
    tpu.vector_store %arg6[%swap3A_586, %swap3A_587], %broadcast_in_dim3A_177 {strides = array<i32>} : memref<16x128xf32, #tpu.memory_space<vmem>>, vector<16xf32>,
    %swap3A_589 = arith.constant 7 : i32
    %swap3A_590 = arith.index_cast %swap3A_589 : i32 to index
    %swap3A_591 = arith.constant 96 : index
    %swap3A_592 = tpu.vector_load %arg6[%swap3A_590, %swap3A_591] {strides = array<i32>} : memref<16x128xf32, #tpu.memory_space<vmem>>, vector<16xf32>,
    tpu.vector_store %arg6[%swap3A_590, %swap3A_591], %broadcast_in_dim3A_177 {strides = array<i32>} : memref<16x128xf32, #tpu.memory_space<vmem>>, vector<16xf32>,
    %swap3A_593 = arith.constant 8 : i32
    %swap3A_594 = arith.index_cast %swap3A_593 : i32 to index
    %swap3A_595 = arith.constant 96 : index
    %swap3A_596 = tpu.vector_load %arg6[%swap3A_594, %swap3A_595] {strides = array<i32>} : memref<16x128xf32, #tpu.memory_space<vmem>>, vector<16xf32>,
    tpu.vector_store %arg6[%swap3A_594, %swap3A_595], %broadcast_in_dim3A_177 {strides = array<i32>} : memref<16x128xf32, #tpu.memory_space<vmem>>, vector<16xf32>,
    %swap3A_597 = arith.constant 9 : i32
    %swap3A_598 = arith.index_cast %swap3A_597 : i32 to index
    %swap3A_599 = arith.constant 96 : index
    %swap3A_600 = tpu.vector_load %arg6[%swap3A_598, %swap3A_599] {strides = array<i32>} : memref<16x128xf32, #tpu.memory_space<vmem>>, vector<16xf32>,
    tpu.vector_store %arg6[%swap3A_598, %swap3A_599], %broadcast_in_dim3A_177 {strides = array<i32>} : memref<16x128xf32, #tpu.memory_space<vmem>>, vector<16xf32>,
    %swap3A_601 = arith.constant 10 : i32
    %swap3A_602 = arith.index_cast %swap3A_601 : i32 to index
    %swap3A_603 = arith.constant 96 : index
    %swap3A_604 = tpu.vector_load %arg6[%swap3A_602, %swap3A_603] {strides = array<i32>} : memref<16x128xf32, #tpu.memory_space<vmem>>, vector<16xf32>,
    tpu.vector_store %arg6[%swap3A_602, %swap3A_603], %broadcast_in_dim3A_177 {strides = array<i32>} : memref<16x128xf32, #tpu.memory_space<vmem>>, vector<16xf32>,
    %swap3A_605 = arith.constant 11 : i32
    %swap3A_606 = arith.index_cast %swap3A_605 : i32 to index
    %swap3A_607 = arith.constant 96 : index
    %swap3A_608 = tpu.vector_load %arg6[%swap3A_606, %swap3A_607] {strides = array<i32>} : memref<16x128xf32, #tpu.memory_space<vmem>>, vector<16xf32>,
    tpu.vector_store %arg6[%swap3A_606, %swap3A_607], %broadcast_in_dim3A_177 {strides = array<i32>} : memref<16x128xf32, #tpu.memory_space<vmem>>, vector<16xf32>,
    %swap3A_609 = arith.constant 12 : i32
    %swap3A_610 = arith.index_cast %swap3A_609 : i32 to index
    %swap3A_611 = arith.constant 96 : index
    %swap3A_612 = tpu.vector_load %arg6[%swap3A_610, %swap3A_611] {strides = array<i32>} : memref<16x128xf32, #tpu.memory_space<vmem>>, vector<16xf32>,
    tpu.vector_store %arg6[%swap3A_610, %swap3A_611], %broadcast_in_dim3A_177 {strides = array<i32>} : memref<16x128xf32, #tpu.memory_space<vmem>>, vector<16xf32>,
    %swap3A_613 = arith.constant 13 : i32
    %swap3A_614 = arith.index_cast %swap3A_613 : i32 to index
    %swap3A_615 = arith.constant 96 : index
    %swap3A_616 = tpu.vector_load %arg6[%swap3A_614, %swap3A_615] {strides = array<i32>} : memref<16x128xf32, #tpu.memory_space<vmem>>, vector<16xf32>,
    tpu.vector_store %arg6[%swap3A_614, %swap3A_615], %broadcast_in_dim3A_177 {strides = array<i32>} : memref<16x128xf32, #tpu.memory_space<vmem>>, vector<16xf32>,
    %swap3A_617 = arith.constant 14 : i32
    %swap3A_618 = arith.index_cast %swap3A_617 : i32 to index
    %swap3A_619 = arith.constant 96 : index
    %swap3A_620 = tpu.vector_load %arg6[%swap3A_618, %swap3A_619] {strides = array<i32>} : memref<16x128xf32, #tpu.memory_space<vmem>>, vector<16xf32>,
    tpu.vector_store %arg6[%swap3A_618, %swap3A_619], %broadcast_in_dim3A_177 {strides = array<i32>} : memref<16x128xf32, #tpu.memory_space<vmem>>, vector<16xf32>,
    %swap3A_621 = arith.constant 15 : i32
    %swap3A_622 = arith.index_cast %swap3A_621 : i32 to index
    %swap3A_623 = arith.constant 96 : index
    %swap3A_624 = tpu.vector_load %arg6[%swap3A_622, %swap3A_623] {strides = array<i32>} : memref<16x128xf32, #tpu.memory_space<vmem>>, vector<16xf32>,
    tpu.vector_store %arg6[%swap3A_622, %swap3A_623], %broadcast_in_dim3A_177 {strides = array<i32>} : memref<16x128xf32, #tpu.memory_space<vmem>>, vector<16xf32>,
    %swap3A_625 = arith.constant 0 : i32
    %swap3A_626 = arith.index_cast %swap3A_625 : i32 to index
    %swap3A_627 = arith.constant 112 : index
    %swap3A_628 = tpu.vector_load %arg6[%swap3A_626, %swap3A_627] {strides = array<i32>} : memref<16x128xf32, #tpu.memory_space<vmem>>, vector<16xf32>,
    tpu.vector_store %arg6[%swap3A_626, %swap3A_627], %broadcast_in_dim3A_177 {strides = array<i32>} : memref<16x128xf32, #tpu.memory_space<vmem>>, vector<16xf32>,
    %swap3A_629 = arith.constant 1 : i32
    %swap3A_630 = arith.index_cast %swap3A_629 : i32 to index
    %swap3A_631 = arith.constant 112 : index
    %swap3A_632 = tpu.vector_load %arg6[%swap3A_630, %swap3A_631] {strides = array<i32>} : memref<16x128xf32, #tpu.memory_space<vmem>>, vector<16xf32>,
    tpu.vector_store %arg6[%swap3A_630, %swap3A_631], %broadcast_in_dim3A_177 {strides = array<i32>} : memref<16x128xf32, #tpu.memory_space<vmem>>, vector<16xf32>,
    %swap3A_633 = arith.constant 2 : i32
    %swap3A_634 = arith.index_cast %swap3A_633 : i32 to index
    %swap3A_635 = arith.constant 112 : index
    %swap3A_636 = tpu.vector_load %arg6[%swap3A_634, %swap3A_635] {strides = array<i32>} : memref<16x128xf32, #tpu.memory_space<vmem>>, vector<16xf32>,
    tpu.vector_store %arg6[%swap3A_634, %swap3A_635], %broadcast_in_dim3A_177 {strides = array<i32>} : memref<16x128xf32, #tpu.memory_space<vmem>>, vector<16xf32>,
    %swap3A_637 = arith.constant 3 : i32
    %swap3A_638 = arith.index_cast %swap3A_637 : i32 to index
    %swap3A_639 = arith.constant 112 : index
    %swap3A_640 = tpu.vector_load %arg6[%swap3A_638, %swap3A_639] {strides = array<i32>} : memref<16x128xf32, #tpu.memory_space<vmem>>, vector<16xf32>,
    tpu.vector_store %arg6[%swap3A_638, %swap3A_639], %broadcast_in_dim3A_177 {strides = array<i32>} : memref<16x128xf32, #tpu.memory_space<vmem>>, vector<16xf32>,
    %swap3A_641 = arith.constant 4 : i32
    %swap3A_642 = arith.index_cast %swap3A_641 : i32 to index
    %swap3A_643 = arith.constant 112 : index
    %swap3A_644 = tpu.vector_load %arg6[%swap3A_642, %swap3A_643] {strides = array<i32>} : memref<16x128xf32, #tpu.memory_space<vmem>>, vector<16xf32>,
    tpu.vector_store %arg6[%swap3A_642, %swap3A_643], %broadcast_in_dim3A_177 {strides = array<i32>} : memref<16x128xf32, #tpu.memory_space<vmem>>, vector<16xf32>,
    %swap3A_645 = arith.constant 5 : i32
    %swap3A_646 = arith.index_cast %swap3A_645 : i32 to index
    %swap3A_647 = arith.constant 112 : index
    %swap3A_648 = tpu.vector_load %arg6[%swap3A_646, %swap3A_647] {strides = array<i32>} : memref<16x128xf32, #tpu.memory_space<vmem>>, vector<16xf32>,
    tpu.vector_store %arg6[%swap3A_646, %swap3A_647], %broadcast_in_dim3A_177 {strides = array<i32>} : memref<16x128xf32, #tpu.memory_space<vmem>>, vector<16xf32>,
    %swap3A_649 = arith.constant 6 : i32
    %swap3A_650 = arith.index_cast %swap3A_649 : i32 to index
    %swap3A_651 = arith.constant 112 : index
    %swap3A_652 = tpu.vector_load %arg6[%swap3A_650, %swap3A_651] {strides = array<i32>} : memref<16x128xf32, #tpu.memory_space<vmem>>, vector<16xf32>,
    tpu.vector_store %arg6[%swap3A_650, %swap3A_651], %broadcast_in_dim3A_177 {strides = array<i32>} : memref<16x128xf32, #tpu.memory_space<vmem>>, vector<16xf32>,
    %swap3A_653 = arith.constant 7 : i32
    %swap3A_654 = arith.index_cast %swap3A_653 : i32 to index
    %swap3A_655 = arith.constant 112 : index
    %swap3A_656 = tpu.vector_load %arg6[%swap3A_654, %swap3A_655] {strides = array<i32>} : memref<16x128xf32, #tpu.memory_space<vmem>>, vector<16xf32>,
    tpu.vector_store %arg6[%swap3A_654, %swap3A_655], %broadcast_in_dim3A_177 {strides = array<i32>} : memref<16x128xf32, #tpu.memory_space<vmem>>, vector<16xf32>,
    %swap3A_657 = arith.constant 8 : i32
    %swap3A_658 = arith.index_cast %swap3A_657 : i32 to index
    %swap3A_659 = arith.constant 112 : index
    %swap3A_660 = tpu.vector_load %arg6[%swap3A_658, %swap3A_659] {strides = array<i32>} : memref<16x128xf32, #tpu.memory_space<vmem>>, vector<16xf32>,
    tpu.vector_store %arg6[%swap3A_658, %swap3A_659], %broadcast_in_dim3A_177 {strides = array<i32>} : memref<16x128xf32, #tpu.memory_space<vmem>>, vector<16xf32>,
    %swap3A_661 = arith.constant 9 : i32
    %swap3A_662 = arith.index_cast %swap3A_661 : i32 to index
    %swap3A_663 = arith.constant 112 : index
    %swap3A_664 = tpu.vector_load %arg6[%swap3A_662, %swap3A_663] {strides = array<i32>} : memref<16x128xf32, #tpu.memory_space<vmem>>, vector<16xf32>,
    tpu.vector_store %arg6[%swap3A_662, %swap3A_663], %broadcast_in_dim3A_177 {strides = array<i32>} : memref<16x128xf32, #tpu.memory_space<vmem>>, vector<16xf32>,
    %swap3A_665 = arith.constant 10 : i32
    %swap3A_666 = arith.index_cast %swap3A_665 : i32 to index
    %swap3A_667 = arith.constant 112 : index
    %swap3A_668 = tpu.vector_load %arg6[%swap3A_666, %swap3A_667] {strides = array<i32>} : memref<16x128xf32, #tpu.memory_space<vmem>>, vector<16xf32>,
    tpu.vector_store %arg6[%swap3A_666, %swap3A_667], %broadcast_in_dim3A_177 {strides = array<i32>} : memref<16x128xf32, #tpu.memory_space<vmem>>, vector<16xf32>,
    %swap3A_669 = arith.constant 11 : i32
    %swap3A_670 = arith.index_cast %swap3A_669 : i32 to index
    %swap3A_671 = arith.constant 112 : index
    %swap3A_672 = tpu.vector_load %arg6[%swap3A_670, %swap3A_671] {strides = array<i32>} : memref<16x128xf32, #tpu.memory_space<vmem>>, vector<16xf32>,
    tpu.vector_store %arg6[%swap3A_670, %swap3A_671], %broadcast_in_dim3A_177 {strides = array<i32>} : memref<16x128xf32, #tpu.memory_space<vmem>>, vector<16xf32>,
    %swap3A_673 = arith.constant 12 : i32
    %swap3A_674 = arith.index_cast %swap3A_673 : i32 to index
    %swap3A_675 = arith.constant 112 : index
    %swap3A_676 = tpu.vector_load %arg6[%swap3A_674, %swap3A_675] {strides = array<i32>} : memref<16x128xf32, #tpu.memory_space<vmem>>, vector<16xf32>,
    tpu.vector_store %arg6[%swap3A_674, %swap3A_675], %broadcast_in_dim3A_177 {strides = array<i32>} : memref<16x128xf32, #tpu.memory_space<vmem>>, vector<16xf32>,
    %swap3A_677 = arith.constant 13 : i32
    %swap3A_678 = arith.index_cast %swap3A_677 : i32 to index
    %swap3A_679 = arith.constant 112 : index
    %swap3A_680 = tpu.vector_load %arg6[%swap3A_678, %swap3A_679] {strides = array<i32>} : memref<16x128xf32, #tpu.memory_space<vmem>>, vector<16xf32>,
    tpu.vector_store %arg6[%swap3A_678, %swap3A_679], %broadcast_in_dim3A_177 {strides = array<i32>} : memref<16x128xf32, #tpu.memory_space<vmem>>, vector<16xf32>,
    %swap3A_681 = arith.constant 14 : i32
    %swap3A_682 = arith.index_cast %swap3A_681 : i32 to index
    %swap3A_683 = arith.constant 112 : index
    %swap3A_684 = tpu.vector_load %arg6[%swap3A_682, %swap3A_683] {strides = array<i32>} : memref<16x128xf32, #tpu.memory_space<vmem>>, vector<16xf32>,
    tpu.vector_store %arg6[%swap3A_682, %swap3A_683], %broadcast_in_dim3A_177 {strides = array<i32>} : memref<16x128xf32, #tpu.memory_space<vmem>>, vector<16xf32>,
    %swap3A_685 = arith.constant 15 : i32
    %swap3A_686 = arith.index_cast %swap3A_685 : i32 to index
    %swap3A_687 = arith.constant 112 : index
    %swap3A_688 = tpu.vector_load %arg6[%swap3A_686, %swap3A_687] {strides = array<i32>} : memref<16x128xf32, #tpu.memory_space<vmem>>, vector<16xf32>,
    tpu.vector_store %arg6[%swap3A_686, %swap3A_687], %broadcast_in_dim3A_177 {strides = array<i32>} : memref<16x128xf32, #tpu.memory_space<vmem>>, vector<16xf32>,
    %eq3A_689 = arith.constant 0 : i32
    %eq3A_690 = arith.cmpi eq, %arg1, %eq3A_689 : i32
    %convert_element_type3A = arith.extui %eq3A_690 : i1 to i32
    %cond3A = arith.constant 0 : i32
    %cond3A_691 = arith.cmpi ne, %convert_element_type3A, %cond3A : i32
    scf.if %cond3A_691 {
      "tpu.region"() ({
        %run_scoped3A_744 = tpu.sem_alloc : memref<!tpu.dma_semaphore, #tpu.memory_space<semaphore_mem>>
        tpu.enqueue_dma source(%arg6 : memref<16x128xf32, #tpu.memory_space<vmem>>) target(%arg9 : memref<16x128xf32, #tpu.memory_space<vmem_shared>>) target_semaphore(%run_scoped3A_744 : memref<!tpu.dma_semaphore, #tpu.memory_space<semaphore_mem>>)
        tpu.wait_dma2 semaphore(%run_scoped3A_744 : memref<!tpu.dma_semaphore, #tpu.memory_space<semaphore_mem>>) src(%arg6 : memref<16x128xf32, #tpu.memory_space<vmem>>) dst(%arg9 : memref<16x128xf32, #tpu.memory_space<vmem_shared>>)
        tpu.yield
      }) : () -> ()
    } else {
    }
    %barrier3A = arith.constant 0 : index
    tpu.barrier barrier_id(%barrier3A)
    %iota3A_692 = tpu.iota {dimensions = array<i32: 0>} : vector<16xi32>
    %add3A_693 = arith.constant 0 : i32
    %add3A_694 = arith.addi %mul3A_2, %add3A_693 : i32
    %dma_wait3A = arith.constant 0 : i32
    %dma_wait3A_695 = arith.constant 0 : i32
    %dma_wait3A_696 = arith.constant 0 : i32
    %dma_wait3A_697 = tpu.memref_slice %arg5[%dma_wait3A, %dma_wait3A_695, %dma_wait3A_696] : memref<2x256x128xf32, #tpu.memory_space<vmem>> -> memref<1x256x128xf32, #tpu.memory_space<vmem>>
    %dma_wait3A_698 = tpu.memref_squeeze %dma_wait3A_697 : memref<1x256x128xf32, #tpu.memory_space<vmem>> -> memref<256x128xf32, #tpu.memory_space<vmem>>
    %dma_wait3A_699 = arith.constant 0 : i32
    %dma_wait3A_700 = tpu.memref_slice %arg2[%add3A_694, %dma_wait3A_699] : memref<32768x128xf32, #tpu.memory_space<hbm>> -> memref<256x128xf32, #tpu.memory_space<hbm>>
    %dma_wait3A_701 = arith.constant 0 : i32
    %dma_wait3A_702 = arith.constant 0 : i32
    %dma_wait3A_703 = tpu.memref_slice %arg5[%dma_wait3A, %dma_wait3A_701, %dma_wait3A_702] : memref<2x256x128xf32, #tpu.memory_space<vmem>> -> memref<1x256x128xf32, #tpu.memory_space<vmem>>
    %dma_wait3A_704 = tpu.memref_squeeze %dma_wait3A_703 : memref<1x256x128xf32, #tpu.memory_space<vmem>> -> memref<256x128xf32, #tpu.memory_space<vmem>>
    %dma_wait3A_705 = arith.constant 0 : i32
    %dma_wait3A_706 = tpu.memref_slice %arg2[%add3A_694, %dma_wait3A_705] : memref<32768x128xf32, #tpu.memory_space<hbm>> -> memref<256x128xf32, #tpu.memory_space<hbm>>
    tpu.wait_dma2 semaphore(%arg10 : memref<!tpu.dma_semaphore, #tpu.memory_space<semaphore_mem>>) src(%dma_wait3A_706 : memref<256x128xf32, #tpu.memory_space<hbm>>) dst(%dma_wait3A_704 : memref<256x128xf32, #tpu.memory_space<vmem>>)
    %scan3A = arith.constant 0 : i32
    %scan3A_707 = arith.constant 16 : i32
    %scan3A_708 = arith.addi %scan3A, %scan3A_707 : i32
    %scan3A_709 = arith.constant 1 : i32
    scf.for %scan3A_744 = %scan3A to %scan3A_708 step %scan3A_709  : i32 {
      %mul3A_745 = arith.constant 1 : i32
      %mul3A_746 = arith.muli %scan3A_744, %mul3A_745 : i32
      %add3A_747 = arith.constant 0 : i32
      %add3A_748 = arith.addi %add3A_747, %mul3A_746 : i32
      %mul3A_749 = arith.constant 16 : i32
      %mul3A_750 = arith.muli %add3A_748, %mul3A_749 : i32
      %add3A_751 = arith.addi %add3A_694, %mul3A_750 : i32
      %add3A_752 = vector.broadcast %add3A_751 : i32 to vector<16xi32>
      %add3A_753 = arith.addi %iota3A_692, %add3A_752 : vector<16xi32>
      %broadcast_in_dim3A_754 = arith.constant 0 : i32
      %broadcast_in_dim3A_755 = vector.broadcast %broadcast_in_dim3A_754 : i32 to vector<16xi32>
      %ge3A = vector.broadcast %reduce_sum3A_35 : i32 to vector<16xi32>
      %ge3A_756 = arith.cmpi sge, %add3A_753, %ge3A : vector<16xi32>
      %jit3A_757 = arith.constant 1 : i32
      %jit3A_758 = arith.constant 0 : i32
      %broadcast_in_dim3A_759 = vector.broadcast %jit3A_757 : i32 to vector<16xi32>
      %broadcast_in_dim3A_760 = vector.broadcast %jit3A_758 : i32 to vector<16xi32>
      %select_n3A_761 = arith.select %ge3A_756, %broadcast_in_dim3A_759, %broadcast_in_dim3A_760 : vector<16xi1>, vector<16xi32>
      %add3A_762 = arith.addi %broadcast_in_dim3A_755, %select_n3A_761 : vector<16xi32>
      %ge3A_763 = vector.broadcast %reduce_sum3A_45 : i32 to vector<16xi32>
      %ge3A_764 = arith.cmpi sge, %add3A_753, %ge3A_763 : vector<16xi32>
      %jit3A_765 = arith.constant 1 : i32
      %jit3A_766 = arith.constant 0 : i32
      %broadcast_in_dim3A_767 = vector.broadcast %jit3A_765 : i32 to vector<16xi32>
      %broadcast_in_dim3A_768 = vector.broadcast %jit3A_766 : i32 to vector<16xi32>
      %select_n3A_769 = arith.select %ge3A_764, %broadcast_in_dim3A_767, %broadcast_in_dim3A_768 : vector<16xi1>, vector<16xi32>
      %add3A_770 = arith.addi %add3A_762, %select_n3A_769 : vector<16xi32>
      %ge3A_771 = vector.broadcast %reduce_sum3A_55 : i32 to vector<16xi32>
      %ge3A_772 = arith.cmpi sge, %add3A_753, %ge3A_771 : vector<16xi32>
      %jit3A_773 = arith.constant 1 : i32
      %jit3A_774 = arith.constant 0 : i32
      %broadcast_in_dim3A_775 = vector.broadcast %jit3A_773 : i32 to vector<16xi32>
      %broadcast_in_dim3A_776 = vector.broadcast %jit3A_774 : i32 to vector<16xi32>
      %select_n3A_777 = arith.select %ge3A_772, %broadcast_in_dim3A_775, %broadcast_in_dim3A_776 : vector<16xi1>, vector<16xi32>
      %add3A_778 = arith.addi %add3A_770, %select_n3A_777 : vector<16xi32>
      %ge3A_779 = vector.broadcast %reduce_sum3A_65 : i32 to vector<16xi32>
      %ge3A_780 = arith.cmpi sge, %add3A_753, %ge3A_779 : vector<16xi32>
      %jit3A_781 = arith.constant 1 : i32
      %jit3A_782 = arith.constant 0 : i32
      %broadcast_in_dim3A_783 = vector.broadcast %jit3A_781 : i32 to vector<16xi32>
      %broadcast_in_dim3A_784 = vector.broadcast %jit3A_782 : i32 to vector<16xi32>
      %select_n3A_785 = arith.select %ge3A_780, %broadcast_in_dim3A_783, %broadcast_in_dim3A_784 : vector<16xi1>, vector<16xi32>
      %add3A_786 = arith.addi %add3A_778, %select_n3A_785 : vector<16xi32>
      %ge3A_787 = vector.broadcast %reduce_sum3A_75 : i32 to vector<16xi32>
      %ge3A_788 = arith.cmpi sge, %add3A_753, %ge3A_787 : vector<16xi32>
      %jit3A_789 = arith.constant 1 : i32
      %jit3A_790 = arith.constant 0 : i32
      %broadcast_in_dim3A_791 = vector.broadcast %jit3A_789 : i32 to vector<16xi32>
      %broadcast_in_dim3A_792 = vector.broadcast %jit3A_790 : i32 to vector<16xi32>
      %select_n3A_793 = arith.select %ge3A_788, %broadcast_in_dim3A_791, %broadcast_in_dim3A_792 : vector<16xi1>, vector<16xi32>
      %add3A_794 = arith.addi %add3A_786, %select_n3A_793 : vector<16xi32>
      %ge3A_795 = vector.broadcast %reduce_sum3A_85 : i32 to vector<16xi32>
      %ge3A_796 = arith.cmpi sge, %add3A_753, %ge3A_795 : vector<16xi32>
      %jit3A_797 = arith.constant 1 : i32
      %jit3A_798 = arith.constant 0 : i32
      %broadcast_in_dim3A_799 = vector.broadcast %jit3A_797 : i32 to vector<16xi32>
      %broadcast_in_dim3A_800 = vector.broadcast %jit3A_798 : i32 to vector<16xi32>
      %select_n3A_801 = arith.select %ge3A_796, %broadcast_in_dim3A_799, %broadcast_in_dim3A_800 : vector<16xi1>, vector<16xi32>
      %add3A_802 = arith.addi %add3A_794, %select_n3A_801 : vector<16xi32>
      %ge3A_803 = vector.broadcast %reduce_sum3A_95 : i32 to vector<16xi32>
      %ge3A_804 = arith.cmpi sge, %add3A_753, %ge3A_803 : vector<16xi32>
      %jit3A_805 = arith.constant 1 : i32
      %jit3A_806 = arith.constant 0 : i32
      %broadcast_in_dim3A_807 = vector.broadcast %jit3A_805 : i32 to vector<16xi32>
      %broadcast_in_dim3A_808 = vector.broadcast %jit3A_806 : i32 to vector<16xi32>
      %select_n3A_809 = arith.select %ge3A_804, %broadcast_in_dim3A_807, %broadcast_in_dim3A_808 : vector<16xi1>, vector<16xi32>
      %add3A_810 = arith.addi %add3A_802, %select_n3A_809 : vector<16xi32>
      %ge3A_811 = vector.broadcast %reduce_sum3A_105 : i32 to vector<16xi32>
      %ge3A_812 = arith.cmpi sge, %add3A_753, %ge3A_811 : vector<16xi32>
      %jit3A_813 = arith.constant 1 : i32
      %jit3A_814 = arith.constant 0 : i32
      %broadcast_in_dim3A_815 = vector.broadcast %jit3A_813 : i32 to vector<16xi32>
      %broadcast_in_dim3A_816 = vector.broadcast %jit3A_814 : i32 to vector<16xi32>
      %select_n3A_817 = arith.select %ge3A_812, %broadcast_in_dim3A_815, %broadcast_in_dim3A_816 : vector<16xi1>, vector<16xi32>
      %add3A_818 = arith.addi %add3A_810, %select_n3A_817 : vector<16xi32>
      %ge3A_819 = vector.broadcast %reduce_sum3A_115 : i32 to vector<16xi32>
      %ge3A_820 = arith.cmpi sge, %add3A_753, %ge3A_819 : vector<16xi32>
      %jit3A_821 = arith.constant 1 : i32
      %jit3A_822 = arith.constant 0 : i32
      %broadcast_in_dim3A_823 = vector.broadcast %jit3A_821 : i32 to vector<16xi32>
      %broadcast_in_dim3A_824 = vector.broadcast %jit3A_822 : i32 to vector<16xi32>
      %select_n3A_825 = arith.select %ge3A_820, %broadcast_in_dim3A_823, %broadcast_in_dim3A_824 : vector<16xi1>, vector<16xi32>
      %add3A_826 = arith.addi %add3A_818, %select_n3A_825 : vector<16xi32>
      %ge3A_827 = vector.broadcast %reduce_sum3A_125 : i32 to vector<16xi32>
      %ge3A_828 = arith.cmpi sge, %add3A_753, %ge3A_827 : vector<16xi32>
      %jit3A_829 = arith.constant 1 : i32
      %jit3A_830 = arith.constant 0 : i32
      %broadcast_in_dim3A_831 = vector.broadcast %jit3A_829 : i32 to vector<16xi32>
      %broadcast_in_dim3A_832 = vector.broadcast %jit3A_830 : i32 to vector<16xi32>
      %select_n3A_833 = arith.select %ge3A_828, %broadcast_in_dim3A_831, %broadcast_in_dim3A_832 : vector<16xi1>, vector<16xi32>
      %add3A_834 = arith.addi %add3A_826, %select_n3A_833 : vector<16xi32>
      %ge3A_835 = vector.broadcast %reduce_sum3A_135 : i32 to vector<16xi32>
      %ge3A_836 = arith.cmpi sge, %add3A_753, %ge3A_835 : vector<16xi32>
      %jit3A_837 = arith.constant 1 : i32
      %jit3A_838 = arith.constant 0 : i32
      %broadcast_in_dim3A_839 = vector.broadcast %jit3A_837 : i32 to vector<16xi32>
      %broadcast_in_dim3A_840 = vector.broadcast %jit3A_838 : i32 to vector<16xi32>
      %select_n3A_841 = arith.select %ge3A_836, %broadcast_in_dim3A_839, %broadcast_in_dim3A_840 : vector<16xi1>, vector<16xi32>
      %add3A_842 = arith.addi %add3A_834, %select_n3A_841 : vector<16xi32>
      %ge3A_843 = vector.broadcast %reduce_sum3A_145 : i32 to vector<16xi32>
      %ge3A_844 = arith.cmpi sge, %add3A_753, %ge3A_843 : vector<16xi32>
      %jit3A_845 = arith.constant 1 : i32
      %jit3A_846 = arith.constant 0 : i32
      %broadcast_in_dim3A_847 = vector.broadcast %jit3A_845 : i32 to vector<16xi32>
      %broadcast_in_dim3A_848 = vector.broadcast %jit3A_846 : i32 to vector<16xi32>
      %select_n3A_849 = arith.select %ge3A_844, %broadcast_in_dim3A_847, %broadcast_in_dim3A_848 : vector<16xi1>, vector<16xi32>
      %add3A_850 = arith.addi %add3A_842, %select_n3A_849 : vector<16xi32>
      %ge3A_851 = vector.broadcast %reduce_sum3A_155 : i32 to vector<16xi32>
      %ge3A_852 = arith.cmpi sge, %add3A_753, %ge3A_851 : vector<16xi32>
      %jit3A_853 = arith.constant 1 : i32
      %jit3A_854 = arith.constant 0 : i32
      %broadcast_in_dim3A_855 = vector.broadcast %jit3A_853 : i32 to vector<16xi32>
      %broadcast_in_dim3A_856 = vector.broadcast %jit3A_854 : i32 to vector<16xi32>
      %select_n3A_857 = arith.select %ge3A_852, %broadcast_in_dim3A_855, %broadcast_in_dim3A_856 : vector<16xi1>, vector<16xi32>
      %add3A_858 = arith.addi %add3A_850, %select_n3A_857 : vector<16xi32>
      %ge3A_859 = vector.broadcast %reduce_sum3A_165 : i32 to vector<16xi32>
      %ge3A_860 = arith.cmpi sge, %add3A_753, %ge3A_859 : vector<16xi32>
      %jit3A_861 = arith.constant 1 : i32
      %jit3A_862 = arith.constant 0 : i32
      %broadcast_in_dim3A_863 = vector.broadcast %jit3A_861 : i32 to vector<16xi32>
      %broadcast_in_dim3A_864 = vector.broadcast %jit3A_862 : i32 to vector<16xi32>
      %select_n3A_865 = arith.select %ge3A_860, %broadcast_in_dim3A_863, %broadcast_in_dim3A_864 : vector<16xi1>, vector<16xi32>
      %add3A_866 = arith.addi %add3A_858, %select_n3A_865 : vector<16xi32>
      %ge3A_867 = vector.broadcast %reduce_sum3A_175 : i32 to vector<16xi32>
      %ge3A_868 = arith.cmpi sge, %add3A_753, %ge3A_867 : vector<16xi32>
      %jit3A_869 = arith.constant 1 : i32
      %jit3A_870 = arith.constant 0 : i32
      %broadcast_in_dim3A_871 = vector.broadcast %jit3A_869 : i32 to vector<16xi32>
      %broadcast_in_dim3A_872 = vector.broadcast %jit3A_870 : i32 to vector<16xi32>
      %select_n3A_873 = arith.select %ge3A_868, %broadcast_in_dim3A_871, %broadcast_in_dim3A_872 : vector<16xi1>, vector<16xi32>
      %add3A_874 = arith.addi %add3A_866, %select_n3A_873 : vector<16xi32>
      %jit3A_875 = arith.constant 8 : i32
      %div3A = arith.divsi %add3A_748, %jit3A_875 : i32
      %sign3A = arith.constant 0 : i32
      %sign3A_876 = arith.cmpi sgt, %add3A_748, %sign3A : i32
      %sign3A_877 = arith.extui %sign3A_876 : i1 to i32
      %sign3A_878 = arith.constant 0 : i32
      %sign3A_879 = arith.cmpi slt, %add3A_748, %sign3A_878 : i32
      %sign3A_880 = arith.extui %sign3A_879 : i1 to i32
      %sign3A_881 = arith.subi %sign3A_877, %sign3A_880 : i32
      %sign3A_882 = arith.constant 0 : i32
      %sign3A_883 = arith.cmpi sgt, %jit3A_875, %sign3A_882 : i32
      %sign3A_884 = arith.extui %sign3A_883 : i1 to i32
      %sign3A_885 = arith.constant 0 : i32
      %sign3A_886 = arith.cmpi slt, %jit3A_875, %sign3A_885 : i32
      %sign3A_887 = arith.extui %sign3A_886 : i1 to i32
      %sign3A_888 = arith.subi %sign3A_884, %sign3A_887 : i32
      %ne3A = arith.cmpi ne, %sign3A_881, %sign3A_888 : i32
      %rem3A = arith.remsi %add3A_748, %jit3A_875 : i32
      %ne3A_889 = arith.constant 0 : i32
      %ne3A_890 = arith.cmpi ne, %rem3A, %ne3A_889 : i32
      %and3A = arith.andi %ne3A, %ne3A_890 : i1
      %sub3A = arith.constant 1 : i32
      %sub3A_891 = arith.subi %div3A, %sub3A : i32
      %select_n3A_892 = arith.select %and3A, %sub3A_891, %div3A : i32
      %jit3A_893 = arith.constant 8 : i32
      %eq3A_894 = arith.constant 0 : i32
      %eq3A_895 = arith.cmpi eq, %jit3A_893, %eq3A_894 : i32
      %jit3A_896 = arith.constant 1 : i32
      %select_n3A_897 = arith.select %eq3A_895, %jit3A_896, %jit3A_893 : i32
      %rem3A_898 = arith.remsi %add3A_748, %select_n3A_897 : i32
      %ne3A_899 = arith.constant 0 : i32
      %ne3A_900 = arith.cmpi ne, %rem3A_898, %ne3A_899 : i32
      %lt3A = arith.constant 0 : i32
      %lt3A_901 = arith.cmpi slt, %rem3A_898, %lt3A : i32
      %lt3A_902 = arith.constant 0 : i32
      %lt3A_903 = arith.cmpi slt, %select_n3A_897, %lt3A_902 : i32
      %ne3A_904 = arith.xori %lt3A_901, %lt3A_903 : i1
      %and3A_905 = arith.andi %ne3A_904, %ne3A_900 : i1
      %add3A_906 = arith.addi %rem3A_898, %select_n3A_897 : i32
      %select_n3A_907 = arith.select %and3A_905, %add3A_906, %rem3A_898 : i32
      %mul3A_908 = arith.constant 16 : i32
      %mul3A_909 = arith.muli %select_n3A_907, %mul3A_908 : i32
      %swap3A_910 = arith.index_cast %select_n3A_892 : i32 to index
      %swap3A_911 = arith.index_cast %mul3A_909 : i32 to index
      %swap3A_912 = tpu.vector_load %arg8[%swap3A_910, %swap3A_911] {strides = array<i32>} : memref<2x128xi32, #tpu.memory_space<vmem>>, vector<16xi32>,
      tpu.vector_store %arg8[%swap3A_910, %swap3A_911], %add3A_874 {strides = array<i32>} : memref<2x128xi32, #tpu.memory_space<vmem>>, vector<16xi32>,
    }
    %scan3A_710 = arith.constant 16 : i32
    %run_scoped3A = arith.constant 0 : i32
    %run_scoped3A_711 = arith.constant 0 : i32
    "tpu.region"() ({
      %run_scoped3A_744 = tpu.sem_alloc : memref<!tpu.dma_semaphore, #tpu.memory_space<semaphore_mem>>
      %dma_start3A_745 = arith.constant 0 : i32
      %dma_start3A_746 = arith.constant 0 : i32
      %dma_start3A_747 = tpu.memref_slice %arg5[%run_scoped3A, %dma_start3A_745, %dma_start3A_746] : memref<2x256x128xf32, #tpu.memory_space<vmem>> -> memref<1x128x128xf32, #tpu.memory_space<vmem>>
      %dma_start3A_748 = tpu.memref_squeeze %dma_start3A_747 : memref<1x128x128xf32, #tpu.memory_space<vmem>> -> memref<128x128xf32, #tpu.memory_space<vmem>>
      %dma_start3A_749 = arith.constant 0 : i32
      %dma_start3A_750 = tpu.memref_slice %arg8[%run_scoped3A_711, %dma_start3A_749] : memref<2x128xi32, #tpu.memory_space<vmem>> -> memref<1x128xi32, #tpu.memory_space<vmem>>
      %dma_start3A_751 = tpu.memref_squeeze %dma_start3A_750 : memref<1x128xi32, #tpu.memory_space<vmem>> -> memref<128xi32, #tpu.memory_space<vmem>>
      %dma_start3A_752 = arith.constant 0 : i32
      %dma_start3A_753 = arith.constant 0 : i32
      %dma_start3A_754 = tpu.memref_slice %arg9[%dma_start3A_752, %dma_start3A_753] : memref<16x128xf32, #tpu.memory_space<vmem_shared>> -> memref<16x128xf32, #tpu.memory_space<vmem_shared>>
      tpu.enqueue_indirect_dma source(%dma_start3A_748 : memref<128x128xf32, #tpu.memory_space<vmem>>) target(%dma_start3A_754 : memref<16x128xf32, #tpu.memory_space<vmem_shared>>) offsets(%dma_start3A_751 : memref<128xi32, #tpu.memory_space<vmem>>) semaphore(%run_scoped3A_744 : memref<!tpu.dma_semaphore, #tpu.memory_space<semaphore_mem>>) {add = true}
      %dma_wait3A_755 = arith.constant 0 : i32
      %dma_wait3A_756 = arith.constant 0 : i32
      %dma_wait3A_757 = tpu.memref_slice %arg5[%run_scoped3A, %dma_wait3A_755, %dma_wait3A_756] : memref<2x256x128xf32, #tpu.memory_space<vmem>> -> memref<1x128x128xf32, #tpu.memory_space<vmem>>
      %dma_wait3A_758 = tpu.memref_squeeze %dma_wait3A_757 : memref<1x128x128xf32, #tpu.memory_space<vmem>> -> memref<128x128xf32, #tpu.memory_space<vmem>>
      %dma_wait3A_759 = arith.constant 0 : i32
      %dma_wait3A_760 = tpu.memref_slice %arg8[%run_scoped3A_711, %dma_wait3A_759] : memref<2x128xi32, #tpu.memory_space<vmem>> -> memref<1x128xi32, #tpu.memory_space<vmem>>
      %dma_wait3A_761 = tpu.memref_squeeze %dma_wait3A_760 : memref<1x128xi32, #tpu.memory_space<vmem>> -> memref<128xi32, #tpu.memory_space<vmem>>
      %dma_wait3A_762 = arith.constant 0 : i32
      %dma_wait3A_763 = arith.constant 0 : i32
      %dma_wait3A_764 = tpu.memref_slice %arg9[%dma_wait3A_762, %dma_wait3A_763] : memref<16x128xf32, #tpu.memory_space<vmem_shared>> -> memref<16x128xf32, #tpu.memory_space<vmem_shared>>
      tpu.wait_indirect_dma semaphore(%run_scoped3A_744 : memref<!tpu.dma_semaphore, #tpu.memory_space<semaphore_mem>>) src(%dma_wait3A_758 : memref<128x128xf32, #tpu.memory_space<vmem>>) dst(%dma_wait3A_764 : memref<16x128xf32, #tpu.memory_space<vmem_shared>>)
      tpu.yield
    }) : () -> ()
    %run_scoped3A_712 = arith.constant 0 : i32
    %run_scoped3A_713 = arith.constant 1 : i32
    "tpu.region"() ({
      %run_scoped3A_744 = tpu.sem_alloc : memref<!tpu.dma_semaphore, #tpu.memory_space<semaphore_mem>>
      %dma_start3A_745 = arith.constant 128 : i32
      %dma_start3A_746 = arith.constant 0 : i32
      %dma_start3A_747 = tpu.memref_slice %arg5[%run_scoped3A_712, %dma_start3A_745, %dma_start3A_746] : memref<2x256x128xf32, #tpu.memory_space<vmem>> -> memref<1x128x128xf32, #tpu.memory_space<vmem>>
      %dma_start3A_748 = tpu.memref_squeeze %dma_start3A_747 : memref<1x128x128xf32, #tpu.memory_space<vmem>> -> memref<128x128xf32, #tpu.memory_space<vmem>>
      %dma_start3A_749 = arith.constant 0 : i32
      %dma_start3A_750 = tpu.memref_slice %arg8[%run_scoped3A_713, %dma_start3A_749] : memref<2x128xi32, #tpu.memory_space<vmem>> -> memref<1x128xi32, #tpu.memory_space<vmem>>
      %dma_start3A_751 = tpu.memref_squeeze %dma_start3A_750 : memref<1x128xi32, #tpu.memory_space<vmem>> -> memref<128xi32, #tpu.memory_space<vmem>>
      %dma_start3A_752 = arith.constant 0 : i32
      %dma_start3A_753 = arith.constant 0 : i32
      %dma_start3A_754 = tpu.memref_slice %arg9[%dma_start3A_752, %dma_start3A_753] : memref<16x128xf32, #tpu.memory_space<vmem_shared>> -> memref<16x128xf32, #tpu.memory_space<vmem_shared>>
      tpu.enqueue_indirect_dma source(%dma_start3A_748 : memref<128x128xf32, #tpu.memory_space<vmem>>) target(%dma_start3A_754 : memref<16x128xf32, #tpu.memory_space<vmem_shared>>) offsets(%dma_start3A_751 : memref<128xi32, #tpu.memory_space<vmem>>) semaphore(%run_scoped3A_744 : memref<!tpu.dma_semaphore, #tpu.memory_space<semaphore_mem>>) {add = true}
      %dma_wait3A_755 = arith.constant 128 : i32
      %dma_wait3A_756 = arith.constant 0 : i32
      %dma_wait3A_757 = tpu.memref_slice %arg5[%run_scoped3A_712, %dma_wait3A_755, %dma_wait3A_756] : memref<2x256x128xf32, #tpu.memory_space<vmem>> -> memref<1x128x128xf32, #tpu.memory_space<vmem>>
      %dma_wait3A_758 = tpu.memref_squeeze %dma_wait3A_757 : memref<1x128x128xf32, #tpu.memory_space<vmem>> -> memref<128x128xf32, #tpu.memory_space<vmem>>
      %dma_wait3A_759 = arith.constant 0 : i32
      %dma_wait3A_760 = tpu.memref_slice %arg8[%run_scoped3A_713, %dma_wait3A_759] : memref<2x128xi32, #tpu.memory_space<vmem>> -> memref<1x128xi32, #tpu.memory_space<vmem>>
      %dma_wait3A_761 = tpu.memref_squeeze %dma_wait3A_760 : memref<1x128xi32, #tpu.memory_space<vmem>> -> memref<128xi32, #tpu.memory_space<vmem>>
      %dma_wait3A_762 = arith.constant 0 : i32
      %dma_wait3A_763 = arith.constant 0 : i32
      %dma_wait3A_764 = tpu.memref_slice %arg9[%dma_wait3A_762, %dma_wait3A_763] : memref<16x128xf32, #tpu.memory_space<vmem_shared>> -> memref<16x128xf32, #tpu.memory_space<vmem_shared>>
      tpu.wait_indirect_dma semaphore(%run_scoped3A_744 : memref<!tpu.dma_semaphore, #tpu.memory_space<semaphore_mem>>) src(%dma_wait3A_758 : memref<128x128xf32, #tpu.memory_space<vmem>>) dst(%dma_wait3A_764 : memref<16x128xf32, #tpu.memory_space<vmem_shared>>)
      tpu.yield
    }) : () -> ()
    %add3A_714 = arith.constant 256 : i32
    %add3A_715 = arith.addi %mul3A_2, %add3A_714 : i32
    %dma_wait3A_716 = arith.constant 1 : i32
    %dma_wait3A_717 = arith.constant 0 : i32
    %dma_wait3A_718 = arith.constant 0 : i32
    %dma_wait3A_719 = tpu.memref_slice %arg5[%dma_wait3A_716, %dma_wait3A_717, %dma_wait3A_718] : memref<2x256x128xf32, #tpu.memory_space<vmem>> -> memref<1x256x128xf32, #tpu.memory_space<vmem>>
    %dma_wait3A_720 = tpu.memref_squeeze %dma_wait3A_719 : memref<1x256x128xf32, #tpu.memory_space<vmem>> -> memref<256x128xf32, #tpu.memory_space<vmem>>
    %dma_wait3A_721 = arith.constant 0 : i32
    %dma_wait3A_722 = tpu.memref_slice %arg2[%add3A_715, %dma_wait3A_721] : memref<32768x128xf32, #tpu.memory_space<hbm>> -> memref<256x128xf32, #tpu.memory_space<hbm>>
    %dma_wait3A_723 = arith.constant 0 : i32
    %dma_wait3A_724 = arith.constant 0 : i32
    %dma_wait3A_725 = tpu.memref_slice %arg5[%dma_wait3A_716, %dma_wait3A_723, %dma_wait3A_724] : memref<2x256x128xf32, #tpu.memory_space<vmem>> -> memref<1x256x128xf32, #tpu.memory_space<vmem>>
    %dma_wait3A_726 = tpu.memref_squeeze %dma_wait3A_725 : memref<1x256x128xf32, #tpu.memory_space<vmem>> -> memref<256x128xf32, #tpu.memory_space<vmem>>
    %dma_wait3A_727 = arith.constant 0 : i32
    %dma_wait3A_728 = tpu.memref_slice %arg2[%add3A_715, %dma_wait3A_727] : memref<32768x128xf32, #tpu.memory_space<hbm>> -> memref<256x128xf32, #tpu.memory_space<hbm>>
    tpu.wait_dma2 semaphore(%arg11 : memref<!tpu.dma_semaphore, #tpu.memory_space<semaphore_mem>>) src(%dma_wait3A_728 : memref<256x128xf32, #tpu.memory_space<hbm>>) dst(%dma_wait3A_726 : memref<256x128xf32, #tpu.memory_space<vmem>>)
    %scan3A_729 = arith.constant 0 : i32
    %scan3A_730 = arith.constant 16 : i32
    %scan3A_731 = arith.addi %scan3A_729, %scan3A_730 : i32
    %scan3A_732 = arith.constant 1 : i32
    scf.for %scan3A_744 = %scan3A_729 to %scan3A_731 step %scan3A_732  : i32 {
      %mul3A_745 = arith.constant 1 : i32
      %mul3A_746 = arith.muli %scan3A_744, %mul3A_745 : i32
      %add3A_747 = arith.constant 0 : i32
      %add3A_748 = arith.addi %add3A_747, %mul3A_746 : i32
      %mul3A_749 = arith.constant 16 : i32
      %mul3A_750 = arith.muli %add3A_748, %mul3A_749 : i32
      %add3A_751 = arith.addi %add3A_715, %mul3A_750 : i32
      %add3A_752 = vector.broadcast %add3A_751 : i32 to vector<16xi32>
      %add3A_753 = arith.addi %iota3A_692, %add3A_752 : vector<16xi32>
      %broadcast_in_dim3A_754 = arith.constant 0 : i32
      %broadcast_in_dim3A_755 = vector.broadcast %broadcast_in_dim3A_754 : i32 to vector<16xi32>
      %ge3A = vector.broadcast %reduce_sum3A_35 : i32 to vector<16xi32>
      %ge3A_756 = arith.cmpi sge, %add3A_753, %ge3A : vector<16xi32>
      %jit3A_757 = arith.constant 1 : i32
      %jit3A_758 = arith.constant 0 : i32
      %broadcast_in_dim3A_759 = vector.broadcast %jit3A_757 : i32 to vector<16xi32>
      %broadcast_in_dim3A_760 = vector.broadcast %jit3A_758 : i32 to vector<16xi32>
      %select_n3A_761 = arith.select %ge3A_756, %broadcast_in_dim3A_759, %broadcast_in_dim3A_760 : vector<16xi1>, vector<16xi32>
      %add3A_762 = arith.addi %broadcast_in_dim3A_755, %select_n3A_761 : vector<16xi32>
      %ge3A_763 = vector.broadcast %reduce_sum3A_45 : i32 to vector<16xi32>
      %ge3A_764 = arith.cmpi sge, %add3A_753, %ge3A_763 : vector<16xi32>
      %jit3A_765 = arith.constant 1 : i32
      %jit3A_766 = arith.constant 0 : i32
      %broadcast_in_dim3A_767 = vector.broadcast %jit3A_765 : i32 to vector<16xi32>
      %broadcast_in_dim3A_768 = vector.broadcast %jit3A_766 : i32 to vector<16xi32>
      %select_n3A_769 = arith.select %ge3A_764, %broadcast_in_dim3A_767, %broadcast_in_dim3A_768 : vector<16xi1>, vector<16xi32>
      %add3A_770 = arith.addi %add3A_762, %select_n3A_769 : vector<16xi32>
      %ge3A_771 = vector.broadcast %reduce_sum3A_55 : i32 to vector<16xi32>
      %ge3A_772 = arith.cmpi sge, %add3A_753, %ge3A_771 : vector<16xi32>
      %jit3A_773 = arith.constant 1 : i32
      %jit3A_774 = arith.constant 0 : i32
      %broadcast_in_dim3A_775 = vector.broadcast %jit3A_773 : i32 to vector<16xi32>
      %broadcast_in_dim3A_776 = vector.broadcast %jit3A_774 : i32 to vector<16xi32>
      %select_n3A_777 = arith.select %ge3A_772, %broadcast_in_dim3A_775, %broadcast_in_dim3A_776 : vector<16xi1>, vector<16xi32>
      %add3A_778 = arith.addi %add3A_770, %select_n3A_777 : vector<16xi32>
      %ge3A_779 = vector.broadcast %reduce_sum3A_65 : i32 to vector<16xi32>
      %ge3A_780 = arith.cmpi sge, %add3A_753, %ge3A_779 : vector<16xi32>
      %jit3A_781 = arith.constant 1 : i32
      %jit3A_782 = arith.constant 0 : i32
      %broadcast_in_dim3A_783 = vector.broadcast %jit3A_781 : i32 to vector<16xi32>
      %broadcast_in_dim3A_784 = vector.broadcast %jit3A_782 : i32 to vector<16xi32>
      %select_n3A_785 = arith.select %ge3A_780, %broadcast_in_dim3A_783, %broadcast_in_dim3A_784 : vector<16xi1>, vector<16xi32>
      %add3A_786 = arith.addi %add3A_778, %select_n3A_785 : vector<16xi32>
      %ge3A_787 = vector.broadcast %reduce_sum3A_75 : i32 to vector<16xi32>
      %ge3A_788 = arith.cmpi sge, %add3A_753, %ge3A_787 : vector<16xi32>
      %jit3A_789 = arith.constant 1 : i32
      %jit3A_790 = arith.constant 0 : i32
      %broadcast_in_dim3A_791 = vector.broadcast %jit3A_789 : i32 to vector<16xi32>
      %broadcast_in_dim3A_792 = vector.broadcast %jit3A_790 : i32 to vector<16xi32>
      %select_n3A_793 = arith.select %ge3A_788, %broadcast_in_dim3A_791, %broadcast_in_dim3A_792 : vector<16xi1>, vector<16xi32>
      %add3A_794 = arith.addi %add3A_786, %select_n3A_793 : vector<16xi32>
      %ge3A_795 = vector.broadcast %reduce_sum3A_85 : i32 to vector<16xi32>
      %ge3A_796 = arith.cmpi sge, %add3A_753, %ge3A_795 : vector<16xi32>
      %jit3A_797 = arith.constant 1 : i32
      %jit3A_798 = arith.constant 0 : i32
      %broadcast_in_dim3A_799 = vector.broadcast %jit3A_797 : i32 to vector<16xi32>
      %broadcast_in_dim3A_800 = vector.broadcast %jit3A_798 : i32 to vector<16xi32>
      %select_n3A_801 = arith.select %ge3A_796, %broadcast_in_dim3A_799, %broadcast_in_dim3A_800 : vector<16xi1>, vector<16xi32>
      %add3A_802 = arith.addi %add3A_794, %select_n3A_801 : vector<16xi32>
      %ge3A_803 = vector.broadcast %reduce_sum3A_95 : i32 to vector<16xi32>
      %ge3A_804 = arith.cmpi sge, %add3A_753, %ge3A_803 : vector<16xi32>
      %jit3A_805 = arith.constant 1 : i32
      %jit3A_806 = arith.constant 0 : i32
      %broadcast_in_dim3A_807 = vector.broadcast %jit3A_805 : i32 to vector<16xi32>
      %broadcast_in_dim3A_808 = vector.broadcast %jit3A_806 : i32 to vector<16xi32>
      %select_n3A_809 = arith.select %ge3A_804, %broadcast_in_dim3A_807, %broadcast_in_dim3A_808 : vector<16xi1>, vector<16xi32>
      %add3A_810 = arith.addi %add3A_802, %select_n3A_809 : vector<16xi32>
      %ge3A_811 = vector.broadcast %reduce_sum3A_105 : i32 to vector<16xi32>
      %ge3A_812 = arith.cmpi sge, %add3A_753, %ge3A_811 : vector<16xi32>
      %jit3A_813 = arith.constant 1 : i32
      %jit3A_814 = arith.constant 0 : i32
      %broadcast_in_dim3A_815 = vector.broadcast %jit3A_813 : i32 to vector<16xi32>
      %broadcast_in_dim3A_816 = vector.broadcast %jit3A_814 : i32 to vector<16xi32>
      %select_n3A_817 = arith.select %ge3A_812, %broadcast_in_dim3A_815, %broadcast_in_dim3A_816 : vector<16xi1>, vector<16xi32>
      %add3A_818 = arith.addi %add3A_810, %select_n3A_817 : vector<16xi32>
      %ge3A_819 = vector.broadcast %reduce_sum3A_115 : i32 to vector<16xi32>
      %ge3A_820 = arith.cmpi sge, %add3A_753, %ge3A_819 : vector<16xi32>
      %jit3A_821 = arith.constant 1 : i32
      %jit3A_822 = arith.constant 0 : i32
      %broadcast_in_dim3A_823 = vector.broadcast %jit3A_821 : i32 to vector<16xi32>
      %broadcast_in_dim3A_824 = vector.broadcast %jit3A_822 : i32 to vector<16xi32>
      %select_n3A_825 = arith.select %ge3A_820, %broadcast_in_dim3A_823, %broadcast_in_dim3A_824 : vector<16xi1>, vector<16xi32>
      %add3A_826 = arith.addi %add3A_818, %select_n3A_825 : vector<16xi32>
      %ge3A_827 = vector.broadcast %reduce_sum3A_125 : i32 to vector<16xi32>
      %ge3A_828 = arith.cmpi sge, %add3A_753, %ge3A_827 : vector<16xi32>
      %jit3A_829 = arith.constant 1 : i32
      %jit3A_830 = arith.constant 0 : i32
      %broadcast_in_dim3A_831 = vector.broadcast %jit3A_829 : i32 to vector<16xi32>
      %broadcast_in_dim3A_832 = vector.broadcast %jit3A_830 : i32 to vector<16xi32>
      %select_n3A_833 = arith.select %ge3A_828, %broadcast_in_dim3A_831, %broadcast_in_dim3A_832 : vector<16xi1>, vector<16xi32>
      %add3A_834 = arith.addi %add3A_826, %select_n3A_833 : vector<16xi32>
      %ge3A_835 = vector.broadcast %reduce_sum3A_135 : i32 to vector<16xi32>
      %ge3A_836 = arith.cmpi sge, %add3A_753, %ge3A_835 : vector<16xi32>
      %jit3A_837 = arith.constant 1 : i32
      %jit3A_838 = arith.constant 0 : i32
      %broadcast_in_dim3A_839 = vector.broadcast %jit3A_837 : i32 to vector<16xi32>
      %broadcast_in_dim3A_840 = vector.broadcast %jit3A_838 : i32 to vector<16xi32>
      %select_n3A_841 = arith.select %ge3A_836, %broadcast_in_dim3A_839, %broadcast_in_dim3A_840 : vector<16xi1>, vector<16xi32>
      %add3A_842 = arith.addi %add3A_834, %select_n3A_841 : vector<16xi32>
      %ge3A_843 = vector.broadcast %reduce_sum3A_145 : i32 to vector<16xi32>
      %ge3A_844 = arith.cmpi sge, %add3A_753, %ge3A_843 : vector<16xi32>
      %jit3A_845 = arith.constant 1 : i32
      %jit3A_846 = arith.constant 0 : i32
      %broadcast_in_dim3A_847 = vector.broadcast %jit3A_845 : i32 to vector<16xi32>
      %broadcast_in_dim3A_848 = vector.broadcast %jit3A_846 : i32 to vector<16xi32>
      %select_n3A_849 = arith.select %ge3A_844, %broadcast_in_dim3A_847, %broadcast_in_dim3A_848 : vector<16xi1>, vector<16xi32>
      %add3A_850 = arith.addi %add3A_842, %select_n3A_849 : vector<16xi32>
      %ge3A_851 = vector.broadcast %reduce_sum3A_155 : i32 to vector<16xi32>
      %ge3A_852 = arith.cmpi sge, %add3A_753, %ge3A_851 : vector<16xi32>
      %jit3A_853 = arith.constant 1 : i32
      %jit3A_854 = arith.constant 0 : i32
      %broadcast_in_dim3A_855 = vector.broadcast %jit3A_853 : i32 to vector<16xi32>
      %broadcast_in_dim3A_856 = vector.broadcast %jit3A_854 : i32 to vector<16xi32>
      %select_n3A_857 = arith.select %ge3A_852, %broadcast_in_dim3A_855, %broadcast_in_dim3A_856 : vector<16xi1>, vector<16xi32>
      %add3A_858 = arith.addi %add3A_850, %select_n3A_857 : vector<16xi32>
      %ge3A_859 = vector.broadcast %reduce_sum3A_165 : i32 to vector<16xi32>
      %ge3A_860 = arith.cmpi sge, %add3A_753, %ge3A_859 : vector<16xi32>
      %jit3A_861 = arith.constant 1 : i32
      %jit3A_862 = arith.constant 0 : i32
      %broadcast_in_dim3A_863 = vector.broadcast %jit3A_861 : i32 to vector<16xi32>
      %broadcast_in_dim3A_864 = vector.broadcast %jit3A_862 : i32 to vector<16xi32>
      %select_n3A_865 = arith.select %ge3A_860, %broadcast_in_dim3A_863, %broadcast_in_dim3A_864 : vector<16xi1>, vector<16xi32>
      %add3A_866 = arith.addi %add3A_858, %select_n3A_865 : vector<16xi32>
      %ge3A_867 = vector.broadcast %reduce_sum3A_175 : i32 to vector<16xi32>
      %ge3A_868 = arith.cmpi sge, %add3A_753, %ge3A_867 : vector<16xi32>
      %jit3A_869 = arith.constant 1 : i32
      %jit3A_870 = arith.constant 0 : i32
      %broadcast_in_dim3A_871 = vector.broadcast %jit3A_869 : i32 to vector<16xi32>
      %broadcast_in_dim3A_872 = vector.broadcast %jit3A_870 : i32 to vector<16xi32>
      %select_n3A_873 = arith.select %ge3A_868, %broadcast_in_dim3A_871, %broadcast_in_dim3A_872 : vector<16xi1>, vector<16xi32>
      %add3A_874 = arith.addi %add3A_866, %select_n3A_873 : vector<16xi32>
      %jit3A_875 = arith.constant 8 : i32
      %div3A = arith.divsi %add3A_748, %jit3A_875 : i32
      %sign3A = arith.constant 0 : i32
      %sign3A_876 = arith.cmpi sgt, %add3A_748, %sign3A : i32
      %sign3A_877 = arith.extui %sign3A_876 : i1 to i32
      %sign3A_878 = arith.constant 0 : i32
      %sign3A_879 = arith.cmpi slt, %add3A_748, %sign3A_878 : i32
      %sign3A_880 = arith.extui %sign3A_879 : i1 to i32
      %sign3A_881 = arith.subi %sign3A_877, %sign3A_880 : i32
      %sign3A_882 = arith.constant 0 : i32
      %sign3A_883 = arith.cmpi sgt, %jit3A_875, %sign3A_882 : i32
      %sign3A_884 = arith.extui %sign3A_883 : i1 to i32
      %sign3A_885 = arith.constant 0 : i32
      %sign3A_886 = arith.cmpi slt, %jit3A_875, %sign3A_885 : i32
      %sign3A_887 = arith.extui %sign3A_886 : i1 to i32
      %sign3A_888 = arith.subi %sign3A_884, %sign3A_887 : i32
      %ne3A = arith.cmpi ne, %sign3A_881, %sign3A_888 : i32
      %rem3A = arith.remsi %add3A_748, %jit3A_875 : i32
      %ne3A_889 = arith.constant 0 : i32
      %ne3A_890 = arith.cmpi ne, %rem3A, %ne3A_889 : i32
      %and3A = arith.andi %ne3A, %ne3A_890 : i1
      %sub3A = arith.constant 1 : i32
      %sub3A_891 = arith.subi %div3A, %sub3A : i32
      %select_n3A_892 = arith.select %and3A, %sub3A_891, %div3A : i32
      %jit3A_893 = arith.constant 8 : i32
      %eq3A_894 = arith.constant 0 : i32
      %eq3A_895 = arith.cmpi eq, %jit3A_893, %eq3A_894 : i32
      %jit3A_896 = arith.constant 1 : i32
      %select_n3A_897 = arith.select %eq3A_895, %jit3A_896, %jit3A_893 : i32
      %rem3A_898 = arith.remsi %add3A_748, %select_n3A_897 : i32
      %ne3A_899 = arith.constant 0 : i32
      %ne3A_900 = arith.cmpi ne, %rem3A_898, %ne3A_899 : i32
      %lt3A = arith.constant 0 : i32
      %lt3A_901 = arith.cmpi slt, %rem3A_898, %lt3A : i32
      %lt3A_902 = arith.constant 0 : i32
      %lt3A_903 = arith.cmpi slt, %select_n3A_897, %lt3A_902 : i32
      %ne3A_904 = arith.xori %lt3A_901, %lt3A_903 : i1
      %and3A_905 = arith.andi %ne3A_904, %ne3A_900 : i1
      %add3A_906 = arith.addi %rem3A_898, %select_n3A_897 : i32
      %select_n3A_907 = arith.select %and3A_905, %add3A_906, %rem3A_898 : i32
      %mul3A_908 = arith.constant 16 : i32
      %mul3A_909 = arith.muli %select_n3A_907, %mul3A_908 : i32
      %swap3A_910 = arith.index_cast %select_n3A_892 : i32 to index
      %swap3A_911 = arith.index_cast %mul3A_909 : i32 to index
      %swap3A_912 = tpu.vector_load %arg8[%swap3A_910, %swap3A_911] {strides = array<i32>} : memref<2x128xi32, #tpu.memory_space<vmem>>, vector<16xi32>,
      tpu.vector_store %arg8[%swap3A_910, %swap3A_911], %add3A_874 {strides = array<i32>} : memref<2x128xi32, #tpu.memory_space<vmem>>, vector<16xi32>,
    }
    %scan3A_733 = arith.constant 16 : i32
    %run_scoped3A_734 = arith.constant 1 : i32
    %run_scoped3A_735 = arith.constant 0 : i32
    "tpu.region"() ({
      %run_scoped3A_744 = tpu.sem_alloc : memref<!tpu.dma_semaphore, #tpu.memory_space<semaphore_mem>>
      %dma_start3A_745 = arith.constant 0 : i32
      %dma_start3A_746 = arith.constant 0 : i32
      %dma_start3A_747 = tpu.memref_slice %arg5[%run_scoped3A_734, %dma_start3A_745, %dma_start3A_746] : memref<2x256x128xf32, #tpu.memory_space<vmem>> -> memref<1x128x128xf32, #tpu.memory_space<vmem>>
      %dma_start3A_748 = tpu.memref_squeeze %dma_start3A_747 : memref<1x128x128xf32, #tpu.memory_space<vmem>> -> memref<128x128xf32, #tpu.memory_space<vmem>>
      %dma_start3A_749 = arith.constant 0 : i32
      %dma_start3A_750 = tpu.memref_slice %arg8[%run_scoped3A_735, %dma_start3A_749] : memref<2x128xi32, #tpu.memory_space<vmem>> -> memref<1x128xi32, #tpu.memory_space<vmem>>
      %dma_start3A_751 = tpu.memref_squeeze %dma_start3A_750 : memref<1x128xi32, #tpu.memory_space<vmem>> -> memref<128xi32, #tpu.memory_space<vmem>>
      %dma_start3A_752 = arith.constant 0 : i32
      %dma_start3A_753 = arith.constant 0 : i32
      %dma_start3A_754 = tpu.memref_slice %arg9[%dma_start3A_752, %dma_start3A_753] : memref<16x128xf32, #tpu.memory_space<vmem_shared>> -> memref<16x128xf32, #tpu.memory_space<vmem_shared>>
      tpu.enqueue_indirect_dma source(%dma_start3A_748 : memref<128x128xf32, #tpu.memory_space<vmem>>) target(%dma_start3A_754 : memref<16x128xf32, #tpu.memory_space<vmem_shared>>) offsets(%dma_start3A_751 : memref<128xi32, #tpu.memory_space<vmem>>) semaphore(%run_scoped3A_744 : memref<!tpu.dma_semaphore, #tpu.memory_space<semaphore_mem>>) {add = true}
      %dma_wait3A_755 = arith.constant 0 : i32
      %dma_wait3A_756 = arith.constant 0 : i32
      %dma_wait3A_757 = tpu.memref_slice %arg5[%run_scoped3A_734, %dma_wait3A_755, %dma_wait3A_756] : memref<2x256x128xf32, #tpu.memory_space<vmem>> -> memref<1x128x128xf32, #tpu.memory_space<vmem>>
      %dma_wait3A_758 = tpu.memref_squeeze %dma_wait3A_757 : memref<1x128x128xf32, #tpu.memory_space<vmem>> -> memref<128x128xf32, #tpu.memory_space<vmem>>
      %dma_wait3A_759 = arith.constant 0 : i32
      %dma_wait3A_760 = tpu.memref_slice %arg8[%run_scoped3A_735, %dma_wait3A_759] : memref<2x128xi32, #tpu.memory_space<vmem>> -> memref<1x128xi32, #tpu.memory_space<vmem>>
      %dma_wait3A_761 = tpu.memref_squeeze %dma_wait3A_760 : memref<1x128xi32, #tpu.memory_space<vmem>> -> memref<128xi32, #tpu.memory_space<vmem>>
      %dma_wait3A_762 = arith.constant 0 : i32
      %dma_wait3A_763 = arith.constant 0 : i32
      %dma_wait3A_764 = tpu.memref_slice %arg9[%dma_wait3A_762, %dma_wait3A_763] : memref<16x128xf32, #tpu.memory_space<vmem_shared>> -> memref<16x128xf32, #tpu.memory_space<vmem_shared>>
      tpu.wait_indirect_dma semaphore(%run_scoped3A_744 : memref<!tpu.dma_semaphore, #tpu.memory_space<semaphore_mem>>) src(%dma_wait3A_758 : memref<128x128xf32, #tpu.memory_space<vmem>>) dst(%dma_wait3A_764 : memref<16x128xf32, #tpu.memory_space<vmem_shared>>)
      tpu.yield
    }) : () -> ()
    %run_scoped3A_736 = arith.constant 1 : i32
    %run_scoped3A_737 = arith.constant 1 : i32
    "tpu.region"() ({
      %run_scoped3A_744 = tpu.sem_alloc : memref<!tpu.dma_semaphore, #tpu.memory_space<semaphore_mem>>
      %dma_start3A_745 = arith.constant 128 : i32
      %dma_start3A_746 = arith.constant 0 : i32
      %dma_start3A_747 = tpu.memref_slice %arg5[%run_scoped3A_736, %dma_start3A_745, %dma_start3A_746] : memref<2x256x128xf32, #tpu.memory_space<vmem>> -> memref<1x128x128xf32, #tpu.memory_space<vmem>>
      %dma_start3A_748 = tpu.memref_squeeze %dma_start3A_747 : memref<1x128x128xf32, #tpu.memory_space<vmem>> -> memref<128x128xf32, #tpu.memory_space<vmem>>
      %dma_start3A_749 = arith.constant 0 : i32
      %dma_start3A_750 = tpu.memref_slice %arg8[%run_scoped3A_737, %dma_start3A_749] : memref<2x128xi32, #tpu.memory_space<vmem>> -> memref<1x128xi32, #tpu.memory_space<vmem>>
      %dma_start3A_751 = tpu.memref_squeeze %dma_start3A_750 : memref<1x128xi32, #tpu.memory_space<vmem>> -> memref<128xi32, #tpu.memory_space<vmem>>
      %dma_start3A_752 = arith.constant 0 : i32
      %dma_start3A_753 = arith.constant 0 : i32
      %dma_start3A_754 = tpu.memref_slice %arg9[%dma_start3A_752, %dma_start3A_753] : memref<16x128xf32, #tpu.memory_space<vmem_shared>> -> memref<16x128xf32, #tpu.memory_space<vmem_shared>>
      tpu.enqueue_indirect_dma source(%dma_start3A_748 : memref<128x128xf32, #tpu.memory_space<vmem>>) target(%dma_start3A_754 : memref<16x128xf32, #tpu.memory_space<vmem_shared>>) offsets(%dma_start3A_751 : memref<128xi32, #tpu.memory_space<vmem>>) semaphore(%run_scoped3A_744 : memref<!tpu.dma_semaphore, #tpu.memory_space<semaphore_mem>>) {add = true}
      %dma_wait3A_755 = arith.constant 128 : i32
      %dma_wait3A_756 = arith.constant 0 : i32
      %dma_wait3A_757 = tpu.memref_slice %arg5[%run_scoped3A_736, %dma_wait3A_755, %dma_wait3A_756] : memref<2x256x128xf32, #tpu.memory_space<vmem>> -> memref<1x128x128xf32, #tpu.memory_space<vmem>>
      %dma_wait3A_758 = tpu.memref_squeeze %dma_wait3A_757 : memref<1x128x128xf32, #tpu.memory_space<vmem>> -> memref<128x128xf32, #tpu.memory_space<vmem>>
      %dma_wait3A_759 = arith.constant 0 : i32
      %dma_wait3A_760 = tpu.memref_slice %arg8[%run_scoped3A_737, %dma_wait3A_759] : memref<2x128xi32, #tpu.memory_space<vmem>> -> memref<1x128xi32, #tpu.memory_space<vmem>>
      %dma_wait3A_761 = tpu.memref_squeeze %dma_wait3A_760 : memref<1x128xi32, #tpu.memory_space<vmem>> -> memref<128xi32, #tpu.memory_space<vmem>>
      %dma_wait3A_762 = arith.constant 0 : i32
      %dma_wait3A_763 = arith.constant 0 : i32
      %dma_wait3A_764 = tpu.memref_slice %arg9[%dma_wait3A_762, %dma_wait3A_763] : memref<16x128xf32, #tpu.memory_space<vmem_shared>> -> memref<16x128xf32, #tpu.memory_space<vmem_shared>>
      tpu.wait_indirect_dma semaphore(%run_scoped3A_744 : memref<!tpu.dma_semaphore, #tpu.memory_space<semaphore_mem>>) src(%dma_wait3A_758 : memref<128x128xf32, #tpu.memory_space<vmem>>) dst(%dma_wait3A_764 : memref<16x128xf32, #tpu.memory_space<vmem_shared>>)
      tpu.yield
    }) : () -> ()
    %barrier3A_738 = arith.constant 0 : index
    tpu.barrier barrier_id(%barrier3A_738)
    %eq3A_739 = arith.constant 0 : i32
    %eq3A_740 = arith.cmpi eq, %arg1, %eq3A_739 : i32
    %convert_element_type3A_741 = arith.extui %eq3A_740 : i1 to i32
    %cond3A_742 = arith.constant 0 : i32
    %cond3A_743 = arith.cmpi ne, %convert_element_type3A_741, %cond3A_742 : i32
    scf.if %cond3A_743 {
      "tpu.region"() ({
        %run_scoped3A_744 = tpu.sem_alloc : memref<!tpu.dma_semaphore, #tpu.memory_space<semaphore_mem>>
        %dma_start3A_745 = arith.constant 0 : i32
        %dma_start3A_746 = arith.constant 0 : i32
        %dma_start3A_747 = tpu.memref_slice %arg4[%arg0, %dma_start3A_745, %dma_start3A_746] : memref<2x16x128xf32, #tpu.memory_space<hbm>> -> memref<1x16x128xf32, #tpu.memory_space<hbm>>
        %dma_start3A_748 = tpu.memref_squeeze %dma_start3A_747 : memref<1x16x128xf32, #tpu.memory_space<hbm>> -> memref<16x128xf32, #tpu.memory_space<hbm>>
        tpu.enqueue_dma source(%arg9 : memref<16x128xf32, #tpu.memory_space<vmem_shared>>) target(%dma_start3A_748 : memref<16x128xf32, #tpu.memory_space<hbm>>) target_semaphore(%run_scoped3A_744 : memref<!tpu.dma_semaphore, #tpu.memory_space<semaphore_mem>>)
        %dma_wait3A_749 = arith.constant 0 : i32
        %dma_wait3A_750 = arith.constant 0 : i32
        %dma_wait3A_751 = tpu.memref_slice %arg4[%arg0, %dma_wait3A_749, %dma_wait3A_750] : memref<2x16x128xf32, #tpu.memory_space<hbm>> -> memref<1x16x128xf32, #tpu.memory_space<hbm>>
        %dma_wait3A_752 = tpu.memref_squeeze %dma_wait3A_751 : memref<1x16x128xf32, #tpu.memory_space<hbm>> -> memref<16x128xf32, #tpu.memory_space<hbm>>
        tpu.wait_dma2 semaphore(%run_scoped3A_744 : memref<!tpu.dma_semaphore, #tpu.memory_space<semaphore_mem>>) src(%arg9 : memref<16x128xf32, #tpu.memory_space<vmem_shared>>) dst(%dma_wait3A_752 : memref<16x128xf32, #tpu.memory_space<hbm>>)
        tpu.yield
      }) : () -> ()
    } else {
    }
    return
  }
}

#map = affine_map<(d0, d1) -> (0, 0)>
#map1 = affine_map<(d0, d1) -> (0)>
#map2 = affine_map<(d0, d1) -> (0, 0, 0)>
module attributes {stable_mosaic.version = 14 : i64} {
  func.func @_pass3_body(%arg0: i32, %arg1: i32, %arg2: memref<32768x128xf32, #tpu.memory_space<hbm>>, %arg3: memref<32xi32, #tpu.memory_space<hbm>>, %arg4: memref<2x16x128xf32, #tpu.memory_space<hbm>>, %arg5: memref<16x128xf32, #tpu.memory_space<hbm>>, %arg6: memref<128x128xf32, #tpu.memory_space<hbm>>, %arg7: memref<32768x128xf32, #tpu.memory_space<hbm>>, %arg8: memref<256x128xf32, #tpu.memory_space<vmem>>, %arg9: memref<256x128xf32, #tpu.memory_space<vmem>>, %arg10: memref<16x128xf32, #tpu.memory_space<vmem>>, %arg11: memref<32xi32, #tpu.memory_space<vmem>>, %arg12: memref<2x16x128xf32, #tpu.memory_space<vmem>>, %arg13: memref<16x128xf32, #tpu.memory_space<vmem>>, %arg14: memref<128x128xf32, #tpu.memory_space<vmem>>, %arg15: memref<128xf32, #tpu.memory_space<vmem>>, %arg16: memref<128xf32, #tpu.memory_space<vmem>>, %arg17: memref<16x128xf32, #tpu.memory_space<vmem_shared>>, %arg18: memref<!tpu.dma_semaphore, #tpu.memory_space<semaphore_mem>>, %arg19: memref<!tpu.dma_semaphore, #tpu.memory_space<semaphore_mem>>, %arg20: memref<!tpu.dma_semaphore, #tpu.memory_space<semaphore_mem>>, %arg21: memref<!tpu.dma_semaphore, #tpu.memory_space<semaphore_mem>>, %arg22: memref<!tpu.dma_semaphore, #tpu.memory_space<semaphore_mem>>) attributes {dimension_semantics = [#tpu.dimension_semantics<core_parallel>, #tpu.dimension_semantics<subcore_parallel>], iteration_bounds = array<i64: 2, 16>, scalar_prefetch = 0 : i64, scratch_operands = 15 : i64, tpu.core_type = #tpu.core_type<sc_vector_subcore>, window_params = [{transform_indices = #map}, {transform_indices = #map1}, {transform_indices = #map2}, {transform_indices = #map}, {transform_indices = #map}, {transform_indices = #map}]} {
    %mul3A = arith.constant 16 : i32
    %mul3A_0 = arith.muli %arg0, %mul3A : i32
    %add3A = arith.addi %mul3A_0, %arg1 : i32
    %mul3A_1 = arith.constant 1024 : i32
    %mul3A_2 = arith.muli %add3A, %mul3A_1 : i32
    %dma_start3A = arith.constant 0 : i32
    %dma_start3A_3 = arith.constant 0 : i32
    %dma_start3A_4 = tpu.memref_slice %arg8[%dma_start3A, %dma_start3A_3] : memref<256x128xf32, #tpu.memory_space<vmem>> -> memref<128x128xf32, #tpu.memory_space<vmem>>
    %dma_start3A_5 = arith.constant 0 : i32
    %dma_start3A_6 = tpu.memref_slice %arg2[%mul3A_2, %dma_start3A_5] : memref<32768x128xf32, #tpu.memory_space<hbm>> -> memref<128x128xf32, #tpu.memory_space<hbm>>
    %dma_start3A_7 = arith.constant 0 : i32
    %dma_start3A_8 = arith.constant 0 : i32
    %dma_start3A_9 = tpu.memref_slice %arg8[%dma_start3A_7, %dma_start3A_8] : memref<256x128xf32, #tpu.memory_space<vmem>> -> memref<128x128xf32, #tpu.memory_space<vmem>>
    %dma_start3A_10 = arith.constant 0 : i32
    %dma_start3A_11 = tpu.memref_slice %arg2[%mul3A_2, %dma_start3A_10] : memref<32768x128xf32, #tpu.memory_space<hbm>> -> memref<128x128xf32, #tpu.memory_space<hbm>>
    tpu.enqueue_dma source(%dma_start3A_11 : memref<128x128xf32, #tpu.memory_space<hbm>>) target(%dma_start3A_9 : memref<128x128xf32, #tpu.memory_space<vmem>>) target_semaphore(%arg18 : memref<!tpu.dma_semaphore, #tpu.memory_space<semaphore_mem>>)
    %add3A_12 = arith.constant 128 : i32
    %add3A_13 = arith.addi %mul3A_2, %add3A_12 : i32
    %dma_start3A_14 = arith.constant 128 : i32
    %dma_start3A_15 = arith.constant 0 : i32
    %dma_start3A_16 = tpu.memref_slice %arg8[%dma_start3A_14, %dma_start3A_15] : memref<256x128xf32, #tpu.memory_space<vmem>> -> memref<128x128xf32, #tpu.memory_space<vmem>>
    %dma_start3A_17 = arith.constant 0 : i32
    %dma_start3A_18 = tpu.memref_slice %arg2[%add3A_13, %dma_start3A_17] : memref<32768x128xf32, #tpu.memory_space<hbm>> -> memref<128x128xf32, #tpu.memory_space<hbm>>
    %dma_start3A_19 = arith.constant 128 : i32
    %dma_start3A_20 = arith.constant 0 : i32
    %dma_start3A_21 = tpu.memref_slice %arg8[%dma_start3A_19, %dma_start3A_20] : memref<256x128xf32, #tpu.memory_space<vmem>> -> memref<128x128xf32, #tpu.memory_space<vmem>>
    %dma_start3A_22 = arith.constant 0 : i32
    %dma_start3A_23 = tpu.memref_slice %arg2[%add3A_13, %dma_start3A_22] : memref<32768x128xf32, #tpu.memory_space<hbm>> -> memref<128x128xf32, #tpu.memory_space<hbm>>
    tpu.enqueue_dma source(%dma_start3A_23 : memref<128x128xf32, #tpu.memory_space<hbm>>) target(%dma_start3A_21 : memref<128x128xf32, #tpu.memory_space<vmem>>) target_semaphore(%arg19 : memref<!tpu.dma_semaphore, #tpu.memory_space<semaphore_mem>>)
    tpu.enqueue_dma source(%arg6 : memref<128x128xf32, #tpu.memory_space<hbm>>) target(%arg14 : memref<128x128xf32, #tpu.memory_space<vmem>>) target_semaphore(%arg21 : memref<!tpu.dma_semaphore, #tpu.memory_space<semaphore_mem>>)
    tpu.enqueue_dma source(%arg4 : memref<2x16x128xf32, #tpu.memory_space<hbm>>) target(%arg12 : memref<2x16x128xf32, #tpu.memory_space<vmem>>) target_semaphore(%arg20 : memref<!tpu.dma_semaphore, #tpu.memory_space<semaphore_mem>>)
    tpu.enqueue_dma source(%arg5 : memref<16x128xf32, #tpu.memory_space<hbm>>) target(%arg13 : memref<16x128xf32, #tpu.memory_space<vmem>>) target_semaphore(%arg22 : memref<!tpu.dma_semaphore, #tpu.memory_space<semaphore_mem>>)
    "tpu.region"() ({
      %run_scoped3A = tpu.sem_alloc : memref<!tpu.dma_semaphore, #tpu.memory_space<semaphore_mem>>
      tpu.enqueue_dma source(%arg3 : memref<32xi32, #tpu.memory_space<hbm>>) target(%arg11 : memref<32xi32, #tpu.memory_space<vmem>>) target_semaphore(%run_scoped3A : memref<!tpu.dma_semaphore, #tpu.memory_space<semaphore_mem>>)
      tpu.wait_dma2 semaphore(%run_scoped3A : memref<!tpu.dma_semaphore, #tpu.memory_space<semaphore_mem>>) src(%arg3 : memref<32xi32, #tpu.memory_space<hbm>>) dst(%arg11 : memref<32xi32, #tpu.memory_space<vmem>>)
      tpu.yield
    }) : () -> ()
    tpu.wait_dma2 semaphore(%arg20 : memref<!tpu.dma_semaphore, #tpu.memory_space<semaphore_mem>>) src(%arg4 : memref<2x16x128xf32, #tpu.memory_space<hbm>>) dst(%arg12 : memref<2x16x128xf32, #tpu.memory_space<vmem>>)
    tpu.wait_dma2 semaphore(%arg21 : memref<!tpu.dma_semaphore, #tpu.memory_space<semaphore_mem>>) src(%arg6 : memref<128x128xf32, #tpu.memory_space<hbm>>) dst(%arg14 : memref<128x128xf32, #tpu.memory_space<vmem>>)
    tpu.wait_dma2 semaphore(%arg22 : memref<!tpu.dma_semaphore, #tpu.memory_space<semaphore_mem>>) src(%arg5 : memref<16x128xf32, #tpu.memory_space<hbm>>) dst(%arg13 : memref<16x128xf32, #tpu.memory_space<vmem>>)
    %broadcast_in_dim3A = arith.constant 0.000000e+00 : f32
    %broadcast_in_dim3A_24 = vector.broadcast %broadcast_in_dim3A : f32 to vector<16xf32>
    %get3A = arith.constant 0 : i32
    %get3A_25 = arith.index_cast %get3A : i32 to index
    %get3A_26 = arith.index_cast %arg1 : i32 to index
    %get3A_27 = arith.constant 0 : index
    %get3A_28 = tpu.vector_load %arg12[%get3A_25, %get3A_26, %get3A_27] {strides = array<i32>} : memref<2x16x128xf32, #tpu.memory_space<vmem>>, vector<16xf32>,
    %get3A_29 = arith.constant 1 : i32
    %get3A_30 = arith.index_cast %get3A_29 : i32 to index
    %get3A_31 = arith.index_cast %arg1 : i32 to index
    %get3A_32 = arith.constant 0 : index
    %get3A_33 = tpu.vector_load %arg12[%get3A_30, %get3A_31, %get3A_32] {strides = array<i32>} : memref<2x16x128xf32, #tpu.memory_space<vmem>>, vector<16xf32>,
    %add3A_34 = arith.addf %get3A_28, %get3A_33 : vector<16xf32>
    %get3A_35 = arith.index_cast %arg1 : i32 to index
    %get3A_36 = arith.constant 0 : index
    %get3A_37 = tpu.vector_load %arg13[%get3A_35, %get3A_36] {strides = array<i32>} : memref<16x128xf32, #tpu.memory_space<vmem>>, vector<16xf32>,
    %add3A_38 = arith.addf %add3A_34, %get3A_37 : vector<16xf32>
    %get3A_39 = arith.constant 0 : i32
    %get3A_40 = arith.index_cast %get3A_39 : i32 to index
    %get3A_41 = arith.index_cast %arg1 : i32 to index
    %get3A_42 = arith.constant 16 : index
    %get3A_43 = tpu.vector_load %arg12[%get3A_40, %get3A_41, %get3A_42] {strides = array<i32>} : memref<2x16x128xf32, #tpu.memory_space<vmem>>, vector<16xf32>,
    %get3A_44 = arith.constant 1 : i32
    %get3A_45 = arith.index_cast %get3A_44 : i32 to index
    %get3A_46 = arith.index_cast %arg1 : i32 to index
    %get3A_47 = arith.constant 16 : index
    %get3A_48 = tpu.vector_load %arg12[%get3A_45, %get3A_46, %get3A_47] {strides = array<i32>} : memref<2x16x128xf32, #tpu.memory_space<vmem>>, vector<16xf32>,
    %add3A_49 = arith.addf %get3A_43, %get3A_48 : vector<16xf32>
    %get3A_50 = arith.index_cast %arg1 : i32 to index
    %get3A_51 = arith.constant 16 : index
    %get3A_52 = tpu.vector_load %arg13[%get3A_50, %get3A_51] {strides = array<i32>} : memref<16x128xf32, #tpu.memory_space<vmem>>, vector<16xf32>,
    %add3A_53 = arith.addf %add3A_49, %get3A_52 : vector<16xf32>
    %get3A_54 = arith.constant 0 : i32
    %get3A_55 = arith.index_cast %get3A_54 : i32 to index
    %get3A_56 = arith.index_cast %arg1 : i32 to index
    %get3A_57 = arith.constant 32 : index
    %get3A_58 = tpu.vector_load %arg12[%get3A_55, %get3A_56, %get3A_57] {strides = array<i32>} : memref<2x16x128xf32, #tpu.memory_space<vmem>>, vector<16xf32>,
    %get3A_59 = arith.constant 1 : i32
    %get3A_60 = arith.index_cast %get3A_59 : i32 to index
    %get3A_61 = arith.index_cast %arg1 : i32 to index
    %get3A_62 = arith.constant 32 : index
    %get3A_63 = tpu.vector_load %arg12[%get3A_60, %get3A_61, %get3A_62] {strides = array<i32>} : memref<2x16x128xf32, #tpu.memory_space<vmem>>, vector<16xf32>,
    %add3A_64 = arith.addf %get3A_58, %get3A_63 : vector<16xf32>
    %get3A_65 = arith.index_cast %arg1 : i32 to index
    %get3A_66 = arith.constant 32 : index
    %get3A_67 = tpu.vector_load %arg13[%get3A_65, %get3A_66] {strides = array<i32>} : memref<16x128xf32, #tpu.memory_space<vmem>>, vector<16xf32>,
    %add3A_68 = arith.addf %add3A_64, %get3A_67 : vector<16xf32>
    %get3A_69 = arith.constant 0 : i32
    %get3A_70 = arith.index_cast %get3A_69 : i32 to index
    %get3A_71 = arith.index_cast %arg1 : i32 to index
    %get3A_72 = arith.constant 48 : index
    %get3A_73 = tpu.vector_load %arg12[%get3A_70, %get3A_71, %get3A_72] {strides = array<i32>} : memref<2x16x128xf32, #tpu.memory_space<vmem>>, vector<16xf32>,
    %get3A_74 = arith.constant 1 : i32
    %get3A_75 = arith.index_cast %get3A_74 : i32 to index
    %get3A_76 = arith.index_cast %arg1 : i32 to index
    %get3A_77 = arith.constant 48 : index
    %get3A_78 = tpu.vector_load %arg12[%get3A_75, %get3A_76, %get3A_77] {strides = array<i32>} : memref<2x16x128xf32, #tpu.memory_space<vmem>>, vector<16xf32>,
    %add3A_79 = arith.addf %get3A_73, %get3A_78 : vector<16xf32>
    %get3A_80 = arith.index_cast %arg1 : i32 to index
    %get3A_81 = arith.constant 48 : index
    %get3A_82 = tpu.vector_load %arg13[%get3A_80, %get3A_81] {strides = array<i32>} : memref<16x128xf32, #tpu.memory_space<vmem>>, vector<16xf32>,
    %add3A_83 = arith.addf %add3A_79, %get3A_82 : vector<16xf32>
    %get3A_84 = arith.constant 0 : i32
    %get3A_85 = arith.index_cast %get3A_84 : i32 to index
    %get3A_86 = arith.index_cast %arg1 : i32 to index
    %get3A_87 = arith.constant 64 : index
    %get3A_88 = tpu.vector_load %arg12[%get3A_85, %get3A_86, %get3A_87] {strides = array<i32>} : memref<2x16x128xf32, #tpu.memory_space<vmem>>, vector<16xf32>,
    %get3A_89 = arith.constant 1 : i32
    %get3A_90 = arith.index_cast %get3A_89 : i32 to index
    %get3A_91 = arith.index_cast %arg1 : i32 to index
    %get3A_92 = arith.constant 64 : index
    %get3A_93 = tpu.vector_load %arg12[%get3A_90, %get3A_91, %get3A_92] {strides = array<i32>} : memref<2x16x128xf32, #tpu.memory_space<vmem>>, vector<16xf32>,
    %add3A_94 = arith.addf %get3A_88, %get3A_93 : vector<16xf32>
    %get3A_95 = arith.index_cast %arg1 : i32 to index
    %get3A_96 = arith.constant 64 : index
    %get3A_97 = tpu.vector_load %arg13[%get3A_95, %get3A_96] {strides = array<i32>} : memref<16x128xf32, #tpu.memory_space<vmem>>, vector<16xf32>,
    %add3A_98 = arith.addf %add3A_94, %get3A_97 : vector<16xf32>
    %get3A_99 = arith.constant 0 : i32
    %get3A_100 = arith.index_cast %get3A_99 : i32 to index
    %get3A_101 = arith.index_cast %arg1 : i32 to index
    %get3A_102 = arith.constant 80 : index
    %get3A_103 = tpu.vector_load %arg12[%get3A_100, %get3A_101, %get3A_102] {strides = array<i32>} : memref<2x16x128xf32, #tpu.memory_space<vmem>>, vector<16xf32>,
    %get3A_104 = arith.constant 1 : i32
    %get3A_105 = arith.index_cast %get3A_104 : i32 to index
    %get3A_106 = arith.index_cast %arg1 : i32 to index
    %get3A_107 = arith.constant 80 : index
    %get3A_108 = tpu.vector_load %arg12[%get3A_105, %get3A_106, %get3A_107] {strides = array<i32>} : memref<2x16x128xf32, #tpu.memory_space<vmem>>, vector<16xf32>,
    %add3A_109 = arith.addf %get3A_103, %get3A_108 : vector<16xf32>
    %get3A_110 = arith.index_cast %arg1 : i32 to index
    %get3A_111 = arith.constant 80 : index
    %get3A_112 = tpu.vector_load %arg13[%get3A_110, %get3A_111] {strides = array<i32>} : memref<16x128xf32, #tpu.memory_space<vmem>>, vector<16xf32>,
    %add3A_113 = arith.addf %add3A_109, %get3A_112 : vector<16xf32>
    %get3A_114 = arith.constant 0 : i32
    %get3A_115 = arith.index_cast %get3A_114 : i32 to index
    %get3A_116 = arith.index_cast %arg1 : i32 to index
    %get3A_117 = arith.constant 96 : index
    %get3A_118 = tpu.vector_load %arg12[%get3A_115, %get3A_116, %get3A_117] {strides = array<i32>} : memref<2x16x128xf32, #tpu.memory_space<vmem>>, vector<16xf32>,
    %get3A_119 = arith.constant 1 : i32
    %get3A_120 = arith.index_cast %get3A_119 : i32 to index
    %get3A_121 = arith.index_cast %arg1 : i32 to index
    %get3A_122 = arith.constant 96 : index
    %get3A_123 = tpu.vector_load %arg12[%get3A_120, %get3A_121, %get3A_122] {strides = array<i32>} : memref<2x16x128xf32, #tpu.memory_space<vmem>>, vector<16xf32>,
    %add3A_124 = arith.addf %get3A_118, %get3A_123 : vector<16xf32>
    %get3A_125 = arith.index_cast %arg1 : i32 to index
    %get3A_126 = arith.constant 96 : index
    %get3A_127 = tpu.vector_load %arg13[%get3A_125, %get3A_126] {strides = array<i32>} : memref<16x128xf32, #tpu.memory_space<vmem>>, vector<16xf32>,
    %add3A_128 = arith.addf %add3A_124, %get3A_127 : vector<16xf32>
    %get3A_129 = arith.constant 0 : i32
    %get3A_130 = arith.index_cast %get3A_129 : i32 to index
    %get3A_131 = arith.index_cast %arg1 : i32 to index
    %get3A_132 = arith.constant 112 : index
    %get3A_133 = tpu.vector_load %arg12[%get3A_130, %get3A_131, %get3A_132] {strides = array<i32>} : memref<2x16x128xf32, #tpu.memory_space<vmem>>, vector<16xf32>,
    %get3A_134 = arith.constant 1 : i32
    %get3A_135 = arith.index_cast %get3A_134 : i32 to index
    %get3A_136 = arith.index_cast %arg1 : i32 to index
    %get3A_137 = arith.constant 112 : index
    %get3A_138 = tpu.vector_load %arg12[%get3A_135, %get3A_136, %get3A_137] {strides = array<i32>} : memref<2x16x128xf32, #tpu.memory_space<vmem>>, vector<16xf32>,
    %add3A_139 = arith.addf %get3A_133, %get3A_138 : vector<16xf32>
    %get3A_140 = arith.index_cast %arg1 : i32 to index
    %get3A_141 = arith.constant 112 : index
    %get3A_142 = tpu.vector_load %arg13[%get3A_140, %get3A_141] {strides = array<i32>} : memref<16x128xf32, #tpu.memory_space<vmem>>, vector<16xf32>,
    %add3A_143 = arith.addf %add3A_139, %get3A_142 : vector<16xf32>
    %add3A_144 = arith.constant 1 : i32
    %add3A_145 = arith.addi %arg1, %add3A_144 : i32
    %iota3A = tpu.iota {dimensions = array<i32: 0>} : vector<16xi32>
    %get3A_146 = arith.constant 0 : index
    %get3A_147 = tpu.vector_load %arg11[%get3A_146] {strides = array<i32>} : memref<32xi32, #tpu.memory_space<vmem>>, vector<16xi32>,
    %get3A_148 = arith.constant 16 : index
    %get3A_149 = tpu.vector_load %arg11[%get3A_148] {strides = array<i32>} : memref<32xi32, #tpu.memory_space<vmem>>, vector<16xi32>,
    %eq3A = vector.broadcast %add3A_145 : i32 to vector<16xi32>
    %eq3A_150 = arith.cmpi eq, %iota3A, %eq3A : vector<16xi32>
    %jit3A = arith.constant 0 : i32
    %broadcast_in_dim3A_151 = vector.broadcast %jit3A : i32 to vector<16xi32>
    %select_n3A = arith.select %eq3A_150, %get3A_147, %broadcast_in_dim3A_151 : vector<16xi1>, vector<16xi32>
    %reduce_sum3A = arith.constant true
    %reduce_sum3A_152 = vector.broadcast %reduce_sum3A : i1 to vector<16xi1>
    %reduce_sum3A_153 = tpu.scan <sum>, %select_n3A masked %reduce_sum3A_152 : vector<16xi32>, vector<16xi1> -> vector<16xi32>
    %reduce_sum3A_154 = vector.extract %reduce_sum3A_153[15] : i32 from vector<16xi32>
    %sub3A = arith.constant 16 : i32
    %sub3A_155 = arith.subi %add3A_145, %sub3A : i32
    %eq3A_156 = vector.broadcast %sub3A_155 : i32 to vector<16xi32>
    %eq3A_157 = arith.cmpi eq, %iota3A, %eq3A_156 : vector<16xi32>
    %jit3A_158 = arith.constant 0 : i32
    %broadcast_in_dim3A_159 = vector.broadcast %jit3A_158 : i32 to vector<16xi32>
    %select_n3A_160 = arith.select %eq3A_157, %get3A_149, %broadcast_in_dim3A_159 : vector<16xi1>, vector<16xi32>
    %reduce_sum3A_161 = arith.constant true
    %reduce_sum3A_162 = vector.broadcast %reduce_sum3A_161 : i1 to vector<16xi1>
    %reduce_sum3A_163 = tpu.scan <sum>, %select_n3A_160 masked %reduce_sum3A_162 : vector<16xi32>, vector<16xi1> -> vector<16xi32>
    %reduce_sum3A_164 = vector.extract %reduce_sum3A_163[15] : i32 from vector<16xi32>
    %add3A_165 = arith.addi %reduce_sum3A_154, %reduce_sum3A_164 : i32
    %iota3A_166 = tpu.iota {dimensions = array<i32: 0>} : vector<16xi32>
    %get3A_167 = arith.constant 0 : index
    %get3A_168 = tpu.vector_load %arg11[%get3A_167] {strides = array<i32>} : memref<32xi32, #tpu.memory_space<vmem>>, vector<16xi32>,
    %get3A_169 = arith.constant 16 : index
    %get3A_170 = tpu.vector_load %arg11[%get3A_169] {strides = array<i32>} : memref<32xi32, #tpu.memory_space<vmem>>, vector<16xi32>,
    %eq3A_171 = vector.broadcast %arg1 : i32 to vector<16xi32>
    %eq3A_172 = arith.cmpi eq, %iota3A_166, %eq3A_171 : vector<16xi32>
    %jit3A_173 = arith.constant 0 : i32
    %broadcast_in_dim3A_174 = vector.broadcast %jit3A_173 : i32 to vector<16xi32>
    %select_n3A_175 = arith.select %eq3A_172, %get3A_168, %broadcast_in_dim3A_174 : vector<16xi1>, vector<16xi32>
    %reduce_sum3A_176 = arith.constant true
    %reduce_sum3A_177 = vector.broadcast %reduce_sum3A_176 : i1 to vector<16xi1>
    %reduce_sum3A_178 = tpu.scan <sum>, %select_n3A_175 masked %reduce_sum3A_177 : vector<16xi32>, vector<16xi1> -> vector<16xi32>
    %reduce_sum3A_179 = vector.extract %reduce_sum3A_178[15] : i32 from vector<16xi32>
    %sub3A_180 = arith.constant 16 : i32
    %sub3A_181 = arith.subi %arg1, %sub3A_180 : i32
    %eq3A_182 = vector.broadcast %sub3A_181 : i32 to vector<16xi32>
    %eq3A_183 = arith.cmpi eq, %iota3A_166, %eq3A_182 : vector<16xi32>
    %jit3A_184 = arith.constant 0 : i32
    %broadcast_in_dim3A_185 = vector.broadcast %jit3A_184 : i32 to vector<16xi32>
    %select_n3A_186 = arith.select %eq3A_183, %get3A_170, %broadcast_in_dim3A_185 : vector<16xi1>, vector<16xi32>
    %reduce_sum3A_187 = arith.constant true
    %reduce_sum3A_188 = vector.broadcast %reduce_sum3A_187 : i1 to vector<16xi1>
    %reduce_sum3A_189 = tpu.scan <sum>, %select_n3A_186 masked %reduce_sum3A_188 : vector<16xi32>, vector<16xi1> -> vector<16xi32>
    %reduce_sum3A_190 = vector.extract %reduce_sum3A_189[15] : i32 from vector<16xi32>
    %add3A_191 = arith.addi %reduce_sum3A_179, %reduce_sum3A_190 : i32
    %sub3A_192 = arith.subi %add3A_165, %add3A_191 : i32
    %broadcast_in_dim3A_193 = arith.constant 0.000000e+00 : f32
    %broadcast_in_dim3A_194 = vector.broadcast %broadcast_in_dim3A_193 : f32 to vector<16xf32>
    %convert_element_type3A = arith.sitofp %sub3A_192 : i32 to f32
    %add3A_195 = vector.broadcast %convert_element_type3A : f32 to vector<16xf32>
    %add3A_196 = arith.addf %broadcast_in_dim3A_194, %add3A_195 : vector<16xf32>
    %max3A = arith.constant 1.000000e+00 : f32
    %max3A_197 = vector.broadcast %max3A : f32 to vector<16xf32>
    %max3A_198 = arith.maximumf %add3A_196, %max3A_197 : vector<16xf32>
    %div3A = arith.constant 1.000000e+00 : f32
    %div3A_199 = vector.broadcast %div3A : f32 to vector<16xf32>
    %div3A_200 = arith.divf %div3A_199, %max3A_198 : vector<16xf32>
    %mul3A_201 = arith.mulf %add3A_38, %div3A_200 : vector<16xf32>
    %swap3A = arith.constant 0 : index
    %swap3A_202 = tpu.vector_load %arg15[%swap3A] {strides = array<i32>} : memref<128xf32, #tpu.memory_space<vmem>>, vector<16xf32>,
    tpu.vector_store %arg15[%swap3A], %mul3A_201 {strides = array<i32>} : memref<128xf32, #tpu.memory_space<vmem>>, vector<16xf32>,
    %mul3A_203 = arith.mulf %add3A_53, %div3A_200 : vector<16xf32>
    %swap3A_204 = arith.constant 16 : index
    %swap3A_205 = tpu.vector_load %arg15[%swap3A_204] {strides = array<i32>} : memref<128xf32, #tpu.memory_space<vmem>>, vector<16xf32>,
    tpu.vector_store %arg15[%swap3A_204], %mul3A_203 {strides = array<i32>} : memref<128xf32, #tpu.memory_space<vmem>>, vector<16xf32>,
    %mul3A_206 = arith.mulf %add3A_68, %div3A_200 : vector<16xf32>
    %swap3A_207 = arith.constant 32 : index
    %swap3A_208 = tpu.vector_load %arg15[%swap3A_207] {strides = array<i32>} : memref<128xf32, #tpu.memory_space<vmem>>, vector<16xf32>,
    tpu.vector_store %arg15[%swap3A_207], %mul3A_206 {strides = array<i32>} : memref<128xf32, #tpu.memory_space<vmem>>, vector<16xf32>,
    %mul3A_209 = arith.mulf %add3A_83, %div3A_200 : vector<16xf32>
    %swap3A_210 = arith.constant 48 : index
    %swap3A_211 = tpu.vector_load %arg15[%swap3A_210] {strides = array<i32>} : memref<128xf32, #tpu.memory_space<vmem>>, vector<16xf32>,
    tpu.vector_store %arg15[%swap3A_210], %mul3A_209 {strides = array<i32>} : memref<128xf32, #tpu.memory_space<vmem>>, vector<16xf32>,
    %mul3A_212 = arith.mulf %add3A_98, %div3A_200 : vector<16xf32>
    %swap3A_213 = arith.constant 64 : index
    %swap3A_214 = tpu.vector_load %arg15[%swap3A_213] {strides = array<i32>} : memref<128xf32, #tpu.memory_space<vmem>>, vector<16xf32>,
    tpu.vector_store %arg15[%swap3A_213], %mul3A_212 {strides = array<i32>} : memref<128xf32, #tpu.memory_space<vmem>>, vector<16xf32>,
    %mul3A_215 = arith.mulf %add3A_113, %div3A_200 : vector<16xf32>
    %swap3A_216 = arith.constant 80 : index
    %swap3A_217 = tpu.vector_load %arg15[%swap3A_216] {strides = array<i32>} : memref<128xf32, #tpu.memory_space<vmem>>, vector<16xf32>,
    tpu.vector_store %arg15[%swap3A_216], %mul3A_215 {strides = array<i32>} : memref<128xf32, #tpu.memory_space<vmem>>, vector<16xf32>,
    %mul3A_218 = arith.mulf %add3A_128, %div3A_200 : vector<16xf32>
    %swap3A_219 = arith.constant 96 : index
    %swap3A_220 = tpu.vector_load %arg15[%swap3A_219] {strides = array<i32>} : memref<128xf32, #tpu.memory_space<vmem>>, vector<16xf32>,
    tpu.vector_store %arg15[%swap3A_219], %mul3A_218 {strides = array<i32>} : memref<128xf32, #tpu.memory_space<vmem>>, vector<16xf32>,
    %mul3A_221 = arith.mulf %add3A_143, %div3A_200 : vector<16xf32>
    %swap3A_222 = arith.constant 112 : index
    %swap3A_223 = tpu.vector_load %arg15[%swap3A_222] {strides = array<i32>} : memref<128xf32, #tpu.memory_space<vmem>>, vector<16xf32>,
    tpu.vector_store %arg15[%swap3A_222], %mul3A_221 {strides = array<i32>} : memref<128xf32, #tpu.memory_space<vmem>>, vector<16xf32>,
    %parallel_loop3A = arith.constant 0 : i32
    %parallel_loop3A_224 = arith.constant 128 : i32
    %parallel_loop3A_225 = arith.constant 1 : i32
    %parallel_loop3A_226:8 = scf.for %parallel_loop3A_348 = %parallel_loop3A to %parallel_loop3A_224 step %parallel_loop3A_225 iter_args(%parallel_loop3A_349 = %broadcast_in_dim3A_24, %parallel_loop3A_350 = %broadcast_in_dim3A_24, %parallel_loop3A_351 = %broadcast_in_dim3A_24, %parallel_loop3A_352 = %broadcast_in_dim3A_24, %parallel_loop3A_353 = %broadcast_in_dim3A_24, %parallel_loop3A_354 = %broadcast_in_dim3A_24, %parallel_loop3A_355 = %broadcast_in_dim3A_24, %parallel_loop3A_356 = %broadcast_in_dim3A_24) -> (vector<16xf32>, vector<16xf32>, vector<16xf32>, vector<16xf32>, vector<16xf32>, vector<16xf32>, vector<16xf32>, vector<16xf32>)  : i32 {
      %parallel_loop3A_357 = arith.constant 0 : i32
      %parallel_loop3A_358 = vector.broadcast %parallel_loop3A_357 : i32 to vector<16xi32>
      %parallel_loop3A_359 = vector.broadcast %parallel_loop3A_348 : i32 to vector<16xi32>
      %parallel_loop3A_360 = arith.addi %parallel_loop3A_358, %parallel_loop3A_359 : vector<16xi32>
      %parallel_loop3A_361 = tpu.vector_load_idx %arg15[%parallel_loop3A_360] : memref<128xf32, #tpu.memory_space<vmem>>[vector<16xi32>], vector<16xf32>,
      %parallel_loop3A_362 = arith.index_cast %parallel_loop3A_348 : i32 to index
      %parallel_loop3A_363 = arith.constant 0 : index
      %parallel_loop3A_364 = tpu.vector_load %arg14[%parallel_loop3A_362, %parallel_loop3A_363] {strides = array<i32>} : memref<128x128xf32, #tpu.memory_space<vmem>>, vector<16xf32>,
      %parallel_loop3A_365 = arith.mulf %parallel_loop3A_361, %parallel_loop3A_364 : vector<16xf32>
      %parallel_loop3A_366 = arith.addf %parallel_loop3A_349, %parallel_loop3A_365 : vector<16xf32>
      %parallel_loop3A_367 = arith.index_cast %parallel_loop3A_348 : i32 to index
      %parallel_loop3A_368 = arith.constant 16 : index
      %parallel_loop3A_369 = tpu.vector_load %arg14[%parallel_loop3A_367, %parallel_loop3A_368] {strides = array<i32>} : memref<128x128xf32, #tpu.memory_space<vmem>>, vector<16xf32>,
      %parallel_loop3A_370 = arith.mulf %parallel_loop3A_361, %parallel_loop3A_369 : vector<16xf32>
      %parallel_loop3A_371 = arith.addf %parallel_loop3A_350, %parallel_loop3A_370 : vector<16xf32>
      %parallel_loop3A_372 = arith.index_cast %parallel_loop3A_348 : i32 to index
      %parallel_loop3A_373 = arith.constant 32 : index
      %parallel_loop3A_374 = tpu.vector_load %arg14[%parallel_loop3A_372, %parallel_loop3A_373] {strides = array<i32>} : memref<128x128xf32, #tpu.memory_space<vmem>>, vector<16xf32>,
      %parallel_loop3A_375 = arith.mulf %parallel_loop3A_361, %parallel_loop3A_374 : vector<16xf32>
      %parallel_loop3A_376 = arith.addf %parallel_loop3A_351, %parallel_loop3A_375 : vector<16xf32>
      %parallel_loop3A_377 = arith.index_cast %parallel_loop3A_348 : i32 to index
      %parallel_loop3A_378 = arith.constant 48 : index
      %parallel_loop3A_379 = tpu.vector_load %arg14[%parallel_loop3A_377, %parallel_loop3A_378] {strides = array<i32>} : memref<128x128xf32, #tpu.memory_space<vmem>>, vector<16xf32>,
      %parallel_loop3A_380 = arith.mulf %parallel_loop3A_361, %parallel_loop3A_379 : vector<16xf32>
      %parallel_loop3A_381 = arith.addf %parallel_loop3A_352, %parallel_loop3A_380 : vector<16xf32>
      %parallel_loop3A_382 = arith.index_cast %parallel_loop3A_348 : i32 to index
      %parallel_loop3A_383 = arith.constant 64 : index
      %parallel_loop3A_384 = tpu.vector_load %arg14[%parallel_loop3A_382, %parallel_loop3A_383] {strides = array<i32>} : memref<128x128xf32, #tpu.memory_space<vmem>>, vector<16xf32>,
      %parallel_loop3A_385 = arith.mulf %parallel_loop3A_361, %parallel_loop3A_384 : vector<16xf32>
      %parallel_loop3A_386 = arith.addf %parallel_loop3A_353, %parallel_loop3A_385 : vector<16xf32>
      %parallel_loop3A_387 = arith.index_cast %parallel_loop3A_348 : i32 to index
      %parallel_loop3A_388 = arith.constant 80 : index
      %parallel_loop3A_389 = tpu.vector_load %arg14[%parallel_loop3A_387, %parallel_loop3A_388] {strides = array<i32>} : memref<128x128xf32, #tpu.memory_space<vmem>>, vector<16xf32>,
      %parallel_loop3A_390 = arith.mulf %parallel_loop3A_361, %parallel_loop3A_389 : vector<16xf32>
      %parallel_loop3A_391 = arith.addf %parallel_loop3A_354, %parallel_loop3A_390 : vector<16xf32>
      %parallel_loop3A_392 = arith.index_cast %parallel_loop3A_348 : i32 to index
      %parallel_loop3A_393 = arith.constant 96 : index
      %parallel_loop3A_394 = tpu.vector_load %arg14[%parallel_loop3A_392, %parallel_loop3A_393] {strides = array<i32>} : memref<128x128xf32, #tpu.memory_space<vmem>>, vector<16xf32>,
      %parallel_loop3A_395 = arith.mulf %parallel_loop3A_361, %parallel_loop3A_394 : vector<16xf32>
      %parallel_loop3A_396 = arith.addf %parallel_loop3A_355, %parallel_loop3A_395 : vector<16xf32>
      %parallel_loop3A_397 = arith.index_cast %parallel_loop3A_348 : i32 to index
      %parallel_loop3A_398 = arith.constant 112 : index
      %parallel_loop3A_399 = tpu.vector_load %arg14[%parallel_loop3A_397, %parallel_loop3A_398] {strides = array<i32>} : memref<128x128xf32, #tpu.memory_space<vmem>>, vector<16xf32>,
      %parallel_loop3A_400 = arith.mulf %parallel_loop3A_361, %parallel_loop3A_399 : vector<16xf32>
      %parallel_loop3A_401 = arith.addf %parallel_loop3A_356, %parallel_loop3A_400 : vector<16xf32>
      scf.yield %parallel_loop3A_366, %parallel_loop3A_371, %parallel_loop3A_376, %parallel_loop3A_381, %parallel_loop3A_386, %parallel_loop3A_391, %parallel_loop3A_396, %parallel_loop3A_401 : vector<16xf32>, vector<16xf32>, vector<16xf32>, vector<16xf32>, vector<16xf32>, vector<16xf32>, vector<16xf32>, vector<16xf32>
    } {sc.loop_unroll_factor = 2 : i64, sc.parallel_access}
    %neg3A = arith.constant 0.000000e+00 : f32
    %neg3A_227 = vector.broadcast %neg3A : f32 to vector<16xf32>
    %neg3A_228 = arith.subf %neg3A_227, %parallel_loop3A_226#0 : vector<16xf32>
    %exp3A = math.exp %neg3A_228 : vector<16xf32>
    %add3A_229 = arith.constant 1.000000e+00 : f32
    %add3A_230 = vector.broadcast %add3A_229 : f32 to vector<16xf32>
    %add3A_231 = arith.addf %add3A_230, %exp3A : vector<16xf32>
    %div3A_232 = arith.constant 1.000000e+00 : f32
    %div3A_233 = vector.broadcast %div3A_232 : f32 to vector<16xf32>
    %div3A_234 = arith.divf %div3A_233, %add3A_231 : vector<16xf32>
    %swap3A_235 = arith.constant 0 : index
    %swap3A_236 = tpu.vector_load %arg16[%swap3A_235] {strides = array<i32>} : memref<128xf32, #tpu.memory_space<vmem>>, vector<16xf32>,
    tpu.vector_store %arg16[%swap3A_235], %div3A_234 {strides = array<i32>} : memref<128xf32, #tpu.memory_space<vmem>>, vector<16xf32>,
    %neg3A_237 = arith.constant 0.000000e+00 : f32
    %neg3A_238 = vector.broadcast %neg3A_237 : f32 to vector<16xf32>
    %neg3A_239 = arith.subf %neg3A_238, %parallel_loop3A_226#1 : vector<16xf32>
    %exp3A_240 = math.exp %neg3A_239 : vector<16xf32>
    %add3A_241 = arith.constant 1.000000e+00 : f32
    %add3A_242 = vector.broadcast %add3A_241 : f32 to vector<16xf32>
    %add3A_243 = arith.addf %add3A_242, %exp3A_240 : vector<16xf32>
    %div3A_244 = arith.constant 1.000000e+00 : f32
    %div3A_245 = vector.broadcast %div3A_244 : f32 to vector<16xf32>
    %div3A_246 = arith.divf %div3A_245, %add3A_243 : vector<16xf32>
    %swap3A_247 = arith.constant 16 : index
    %swap3A_248 = tpu.vector_load %arg16[%swap3A_247] {strides = array<i32>} : memref<128xf32, #tpu.memory_space<vmem>>, vector<16xf32>,
    tpu.vector_store %arg16[%swap3A_247], %div3A_246 {strides = array<i32>} : memref<128xf32, #tpu.memory_space<vmem>>, vector<16xf32>,
    %neg3A_249 = arith.constant 0.000000e+00 : f32
    %neg3A_250 = vector.broadcast %neg3A_249 : f32 to vector<16xf32>
    %neg3A_251 = arith.subf %neg3A_250, %parallel_loop3A_226#2 : vector<16xf32>
    %exp3A_252 = math.exp %neg3A_251 : vector<16xf32>
    %add3A_253 = arith.constant 1.000000e+00 : f32
    %add3A_254 = vector.broadcast %add3A_253 : f32 to vector<16xf32>
    %add3A_255 = arith.addf %add3A_254, %exp3A_252 : vector<16xf32>
    %div3A_256 = arith.constant 1.000000e+00 : f32
    %div3A_257 = vector.broadcast %div3A_256 : f32 to vector<16xf32>
    %div3A_258 = arith.divf %div3A_257, %add3A_255 : vector<16xf32>
    %swap3A_259 = arith.constant 32 : index
    %swap3A_260 = tpu.vector_load %arg16[%swap3A_259] {strides = array<i32>} : memref<128xf32, #tpu.memory_space<vmem>>, vector<16xf32>,
    tpu.vector_store %arg16[%swap3A_259], %div3A_258 {strides = array<i32>} : memref<128xf32, #tpu.memory_space<vmem>>, vector<16xf32>,
    %neg3A_261 = arith.constant 0.000000e+00 : f32
    %neg3A_262 = vector.broadcast %neg3A_261 : f32 to vector<16xf32>
    %neg3A_263 = arith.subf %neg3A_262, %parallel_loop3A_226#3 : vector<16xf32>
    %exp3A_264 = math.exp %neg3A_263 : vector<16xf32>
    %add3A_265 = arith.constant 1.000000e+00 : f32
    %add3A_266 = vector.broadcast %add3A_265 : f32 to vector<16xf32>
    %add3A_267 = arith.addf %add3A_266, %exp3A_264 : vector<16xf32>
    %div3A_268 = arith.constant 1.000000e+00 : f32
    %div3A_269 = vector.broadcast %div3A_268 : f32 to vector<16xf32>
    %div3A_270 = arith.divf %div3A_269, %add3A_267 : vector<16xf32>
    %swap3A_271 = arith.constant 48 : index
    %swap3A_272 = tpu.vector_load %arg16[%swap3A_271] {strides = array<i32>} : memref<128xf32, #tpu.memory_space<vmem>>, vector<16xf32>,
    tpu.vector_store %arg16[%swap3A_271], %div3A_270 {strides = array<i32>} : memref<128xf32, #tpu.memory_space<vmem>>, vector<16xf32>,
    %neg3A_273 = arith.constant 0.000000e+00 : f32
    %neg3A_274 = vector.broadcast %neg3A_273 : f32 to vector<16xf32>
    %neg3A_275 = arith.subf %neg3A_274, %parallel_loop3A_226#4 : vector<16xf32>
    %exp3A_276 = math.exp %neg3A_275 : vector<16xf32>
    %add3A_277 = arith.constant 1.000000e+00 : f32
    %add3A_278 = vector.broadcast %add3A_277 : f32 to vector<16xf32>
    %add3A_279 = arith.addf %add3A_278, %exp3A_276 : vector<16xf32>
    %div3A_280 = arith.constant 1.000000e+00 : f32
    %div3A_281 = vector.broadcast %div3A_280 : f32 to vector<16xf32>
    %div3A_282 = arith.divf %div3A_281, %add3A_279 : vector<16xf32>
    %swap3A_283 = arith.constant 64 : index
    %swap3A_284 = tpu.vector_load %arg16[%swap3A_283] {strides = array<i32>} : memref<128xf32, #tpu.memory_space<vmem>>, vector<16xf32>,
    tpu.vector_store %arg16[%swap3A_283], %div3A_282 {strides = array<i32>} : memref<128xf32, #tpu.memory_space<vmem>>, vector<16xf32>,
    %neg3A_285 = arith.constant 0.000000e+00 : f32
    %neg3A_286 = vector.broadcast %neg3A_285 : f32 to vector<16xf32>
    %neg3A_287 = arith.subf %neg3A_286, %parallel_loop3A_226#5 : vector<16xf32>
    %exp3A_288 = math.exp %neg3A_287 : vector<16xf32>
    %add3A_289 = arith.constant 1.000000e+00 : f32
    %add3A_290 = vector.broadcast %add3A_289 : f32 to vector<16xf32>
    %add3A_291 = arith.addf %add3A_290, %exp3A_288 : vector<16xf32>
    %div3A_292 = arith.constant 1.000000e+00 : f32
    %div3A_293 = vector.broadcast %div3A_292 : f32 to vector<16xf32>
    %div3A_294 = arith.divf %div3A_293, %add3A_291 : vector<16xf32>
    %swap3A_295 = arith.constant 80 : index
    %swap3A_296 = tpu.vector_load %arg16[%swap3A_295] {strides = array<i32>} : memref<128xf32, #tpu.memory_space<vmem>>, vector<16xf32>,
    tpu.vector_store %arg16[%swap3A_295], %div3A_294 {strides = array<i32>} : memref<128xf32, #tpu.memory_space<vmem>>, vector<16xf32>,
    %neg3A_297 = arith.constant 0.000000e+00 : f32
    %neg3A_298 = vector.broadcast %neg3A_297 : f32 to vector<16xf32>
    %neg3A_299 = arith.subf %neg3A_298, %parallel_loop3A_226#6 : vector<16xf32>
    %exp3A_300 = math.exp %neg3A_299 : vector<16xf32>
    %add3A_301 = arith.constant 1.000000e+00 : f32
    %add3A_302 = vector.broadcast %add3A_301 : f32 to vector<16xf32>
    %add3A_303 = arith.addf %add3A_302, %exp3A_300 : vector<16xf32>
    %div3A_304 = arith.constant 1.000000e+00 : f32
    %div3A_305 = vector.broadcast %div3A_304 : f32 to vector<16xf32>
    %div3A_306 = arith.divf %div3A_305, %add3A_303 : vector<16xf32>
    %swap3A_307 = arith.constant 96 : index
    %swap3A_308 = tpu.vector_load %arg16[%swap3A_307] {strides = array<i32>} : memref<128xf32, #tpu.memory_space<vmem>>, vector<16xf32>,
    tpu.vector_store %arg16[%swap3A_307], %div3A_306 {strides = array<i32>} : memref<128xf32, #tpu.memory_space<vmem>>, vector<16xf32>,
    %neg3A_309 = arith.constant 0.000000e+00 : f32
    %neg3A_310 = vector.broadcast %neg3A_309 : f32 to vector<16xf32>
    %neg3A_311 = arith.subf %neg3A_310, %parallel_loop3A_226#7 : vector<16xf32>
    %exp3A_312 = math.exp %neg3A_311 : vector<16xf32>
    %add3A_313 = arith.constant 1.000000e+00 : f32
    %add3A_314 = vector.broadcast %add3A_313 : f32 to vector<16xf32>
    %add3A_315 = arith.addf %add3A_314, %exp3A_312 : vector<16xf32>
    %div3A_316 = arith.constant 1.000000e+00 : f32
    %div3A_317 = vector.broadcast %div3A_316 : f32 to vector<16xf32>
    %div3A_318 = arith.divf %div3A_317, %add3A_315 : vector<16xf32>
    %swap3A_319 = arith.constant 112 : index
    %swap3A_320 = tpu.vector_load %arg16[%swap3A_319] {strides = array<i32>} : memref<128xf32, #tpu.memory_space<vmem>>, vector<16xf32>,
    tpu.vector_store %arg16[%swap3A_319], %div3A_318 {strides = array<i32>} : memref<128xf32, #tpu.memory_space<vmem>>, vector<16xf32>,
    "tpu.region"() ({
      %run_scoped3A = tpu.sem_alloc : memref<!tpu.dma_semaphore, #tpu.memory_space<semaphore_mem>>
      %dma_start3A_348 = arith.constant 0 : i32
      %dma_start3A_349 = tpu.memref_slice %arg17[%arg1, %dma_start3A_348] : memref<16x128xf32, #tpu.memory_space<vmem_shared>> -> memref<1x128xf32, #tpu.memory_space<vmem_shared>>
      %dma_start3A_350 = tpu.memref_squeeze %dma_start3A_349 : memref<1x128xf32, #tpu.memory_space<vmem_shared>> -> memref<128xf32, #tpu.memory_space<vmem_shared>>
      %dma_start3A_351 = arith.constant 0 : i32
      %dma_start3A_352 = tpu.memref_slice %arg17[%arg1, %dma_start3A_351] : memref<16x128xf32, #tpu.memory_space<vmem_shared>> -> memref<1x128xf32, #tpu.memory_space<vmem_shared>>
      %dma_start3A_353 = tpu.memref_squeeze %dma_start3A_352 : memref<1x128xf32, #tpu.memory_space<vmem_shared>> -> memref<128xf32, #tpu.memory_space<vmem_shared>>
      tpu.enqueue_dma source(%arg16 : memref<128xf32, #tpu.memory_space<vmem>>) target(%dma_start3A_353 : memref<128xf32, #tpu.memory_space<vmem_shared>>) target_semaphore(%run_scoped3A : memref<!tpu.dma_semaphore, #tpu.memory_space<semaphore_mem>>)
      %dma_wait3A_354 = arith.constant 0 : i32
      %dma_wait3A_355 = tpu.memref_slice %arg17[%arg1, %dma_wait3A_354] : memref<16x128xf32, #tpu.memory_space<vmem_shared>> -> memref<1x128xf32, #tpu.memory_space<vmem_shared>>
      %dma_wait3A_356 = tpu.memref_squeeze %dma_wait3A_355 : memref<1x128xf32, #tpu.memory_space<vmem_shared>> -> memref<128xf32, #tpu.memory_space<vmem_shared>>
      %dma_wait3A_357 = arith.constant 0 : i32
      %dma_wait3A_358 = tpu.memref_slice %arg17[%arg1, %dma_wait3A_357] : memref<16x128xf32, #tpu.memory_space<vmem_shared>> -> memref<1x128xf32, #tpu.memory_space<vmem_shared>>
      %dma_wait3A_359 = tpu.memref_squeeze %dma_wait3A_358 : memref<1x128xf32, #tpu.memory_space<vmem_shared>> -> memref<128xf32, #tpu.memory_space<vmem_shared>>
      tpu.wait_dma2 semaphore(%run_scoped3A : memref<!tpu.dma_semaphore, #tpu.memory_space<semaphore_mem>>) src(%arg16 : memref<128xf32, #tpu.memory_space<vmem>>) dst(%dma_wait3A_359 : memref<128xf32, #tpu.memory_space<vmem_shared>>)
      tpu.yield
    }) : () -> ()
    %barrier3A = arith.constant 0 : index
    tpu.barrier barrier_id(%barrier3A)
    "tpu.region"() ({
      %run_scoped3A = tpu.sem_alloc : memref<!tpu.dma_semaphore, #tpu.memory_space<semaphore_mem>>
      tpu.enqueue_dma source(%arg17 : memref<16x128xf32, #tpu.memory_space<vmem_shared>>) target(%arg10 : memref<16x128xf32, #tpu.memory_space<vmem>>) target_semaphore(%run_scoped3A : memref<!tpu.dma_semaphore, #tpu.memory_space<semaphore_mem>>)
      tpu.wait_dma2 semaphore(%run_scoped3A : memref<!tpu.dma_semaphore, #tpu.memory_space<semaphore_mem>>) src(%arg17 : memref<16x128xf32, #tpu.memory_space<vmem_shared>>) dst(%arg10 : memref<16x128xf32, #tpu.memory_space<vmem>>)
      tpu.yield
    }) : () -> ()
    %scan3A = arith.constant 0 : i32
    %scan3A_321 = arith.constant 8 : i32
    %scan3A_322 = arith.addi %scan3A, %scan3A_321 : i32
    %scan3A_323 = arith.constant 1 : i32
    scf.for %scan3A_348 = %scan3A to %scan3A_322 step %scan3A_323  : i32 {
      %mul3A_349 = arith.constant 1 : i32
      %mul3A_350 = arith.muli %scan3A_348, %mul3A_349 : i32
      %add3A_351 = arith.constant 0 : i32
      %add3A_352 = arith.addi %add3A_351, %mul3A_350 : i32
      %rem3A = arith.constant 2 : i32
      %rem3A_353 = arith.remsi %add3A_352, %rem3A : i32
      %mul3A_354 = arith.constant 128 : i32
      %mul3A_355 = arith.muli %rem3A_353, %mul3A_354 : i32
      %mul3A_356 = arith.constant 128 : i32
      %mul3A_357 = arith.muli %add3A_352, %mul3A_356 : i32
      %add3A_358 = arith.addi %mul3A_2, %mul3A_357 : i32
      %eq3A_359 = arith.constant 0 : i32
      %eq3A_360 = arith.cmpi eq, %rem3A_353, %eq3A_359 : i32
      %convert_element_type3A_361 = arith.extui %eq3A_360 : i1 to i32
      %cond3A = arith.constant 0 : i32
      %cond3A_362 = arith.cmpi ne, %convert_element_type3A_361, %cond3A : i32
      scf.if %cond3A_362 {
        %dma_wait3A_416 = arith.constant 0 : i32
        %dma_wait3A_417 = arith.constant 0 : i32
        %dma_wait3A_418 = tpu.memref_slice %arg8[%dma_wait3A_416, %dma_wait3A_417] : memref<256x128xf32, #tpu.memory_space<vmem>> -> memref<128x128xf32, #tpu.memory_space<vmem>>
        %dma_wait3A_419 = arith.constant 0 : i32
        %dma_wait3A_420 = tpu.memref_slice %arg2[%add3A_358, %dma_wait3A_419] : memref<32768x128xf32, #tpu.memory_space<hbm>> -> memref<128x128xf32, #tpu.memory_space<hbm>>
        %dma_wait3A_421 = arith.constant 0 : i32
        %dma_wait3A_422 = arith.constant 0 : i32
        %dma_wait3A_423 = tpu.memref_slice %arg8[%dma_wait3A_421, %dma_wait3A_422] : memref<256x128xf32, #tpu.memory_space<vmem>> -> memref<128x128xf32, #tpu.memory_space<vmem>>
        %dma_wait3A_424 = arith.constant 0 : i32
        %dma_wait3A_425 = tpu.memref_slice %arg2[%add3A_358, %dma_wait3A_424] : memref<32768x128xf32, #tpu.memory_space<hbm>> -> memref<128x128xf32, #tpu.memory_space<hbm>>
        tpu.wait_dma2 semaphore(%arg18 : memref<!tpu.dma_semaphore, #tpu.memory_space<semaphore_mem>>) src(%dma_wait3A_425 : memref<128x128xf32, #tpu.memory_space<hbm>>) dst(%dma_wait3A_423 : memref<128x128xf32, #tpu.memory_space<vmem>>)
      } else {
      }
      %eq3A_363 = arith.constant 0 : i32
      %eq3A_364 = arith.cmpi eq, %rem3A_353, %eq3A_363 : i32
      %ge3A = arith.constant 2 : i32
      %ge3A_365 = arith.cmpi sge, %add3A_352, %ge3A : i32
      %and3A = arith.andi %eq3A_364, %ge3A_365 : i1
      %convert_element_type3A_366 = arith.extui %and3A : i1 to i32
      %cond3A_367 = arith.constant 0 : i32
      %cond3A_368 = arith.cmpi ne, %convert_element_type3A_366, %cond3A_367 : i32
      scf.if %cond3A_368 {
        %sub3A_416 = arith.constant 256 : i32
        %sub3A_417 = arith.subi %add3A_358, %sub3A_416 : i32
        %dma_wait3A_418 = arith.constant 0 : i32
        %dma_wait3A_419 = arith.constant 0 : i32
        %dma_wait3A_420 = tpu.memref_slice %arg9[%dma_wait3A_418, %dma_wait3A_419] : memref<256x128xf32, #tpu.memory_space<vmem>> -> memref<128x128xf32, #tpu.memory_space<vmem>>
        %dma_wait3A_421 = arith.constant 0 : i32
        %dma_wait3A_422 = tpu.memref_slice %arg7[%sub3A_417, %dma_wait3A_421] : memref<32768x128xf32, #tpu.memory_space<hbm>> -> memref<128x128xf32, #tpu.memory_space<hbm>>
        %dma_wait3A_423 = arith.constant 0 : i32
        %dma_wait3A_424 = tpu.memref_slice %arg7[%sub3A_417, %dma_wait3A_423] : memref<32768x128xf32, #tpu.memory_space<hbm>> -> memref<128x128xf32, #tpu.memory_space<hbm>>
        %dma_wait3A_425 = arith.constant 0 : i32
        %dma_wait3A_426 = arith.constant 0 : i32
        %dma_wait3A_427 = tpu.memref_slice %arg9[%dma_wait3A_425, %dma_wait3A_426] : memref<256x128xf32, #tpu.memory_space<vmem>> -> memref<128x128xf32, #tpu.memory_space<vmem>>
        tpu.wait_dma2 semaphore(%arg20 : memref<!tpu.dma_semaphore, #tpu.memory_space<semaphore_mem>>) src(%dma_wait3A_427 : memref<128x128xf32, #tpu.memory_space<vmem>>) dst(%dma_wait3A_424 : memref<128x128xf32, #tpu.memory_space<hbm>>)
      } else {
      }
      %eq3A_369 = arith.constant 1 : i32
      %eq3A_370 = arith.cmpi eq, %rem3A_353, %eq3A_369 : i32
      %convert_element_type3A_371 = arith.extui %eq3A_370 : i1 to i32
      %cond3A_372 = arith.constant 0 : i32
      %cond3A_373 = arith.cmpi ne, %convert_element_type3A_371, %cond3A_372 : i32
      scf.if %cond3A_373 {
        %dma_wait3A_416 = arith.constant 128 : i32
        %dma_wait3A_417 = arith.constant 0 : i32
        %dma_wait3A_418 = tpu.memref_slice %arg8[%dma_wait3A_416, %dma_wait3A_417] : memref<256x128xf32, #tpu.memory_space<vmem>> -> memref<128x128xf32, #tpu.memory_space<vmem>>
        %dma_wait3A_419 = arith.constant 0 : i32
        %dma_wait3A_420 = tpu.memref_slice %arg2[%add3A_358, %dma_wait3A_419] : memref<32768x128xf32, #tpu.memory_space<hbm>> -> memref<128x128xf32, #tpu.memory_space<hbm>>
        %dma_wait3A_421 = arith.constant 128 : i32
        %dma_wait3A_422 = arith.constant 0 : i32
        %dma_wait3A_423 = tpu.memref_slice %arg8[%dma_wait3A_421, %dma_wait3A_422] : memref<256x128xf32, #tpu.memory_space<vmem>> -> memref<128x128xf32, #tpu.memory_space<vmem>>
        %dma_wait3A_424 = arith.constant 0 : i32
        %dma_wait3A_425 = tpu.memref_slice %arg2[%add3A_358, %dma_wait3A_424] : memref<32768x128xf32, #tpu.memory_space<hbm>> -> memref<128x128xf32, #tpu.memory_space<hbm>>
        tpu.wait_dma2 semaphore(%arg19 : memref<!tpu.dma_semaphore, #tpu.memory_space<semaphore_mem>>) src(%dma_wait3A_425 : memref<128x128xf32, #tpu.memory_space<hbm>>) dst(%dma_wait3A_423 : memref<128x128xf32, #tpu.memory_space<vmem>>)
      } else {
      }
      %eq3A_374 = arith.constant 1 : i32
      %eq3A_375 = arith.cmpi eq, %rem3A_353, %eq3A_374 : i32
      %ge3A_376 = arith.constant 2 : i32
      %ge3A_377 = arith.cmpi sge, %add3A_352, %ge3A_376 : i32
      %and3A_378 = arith.andi %eq3A_375, %ge3A_377 : i1
      %convert_element_type3A_379 = arith.extui %and3A_378 : i1 to i32
      %cond3A_380 = arith.constant 0 : i32
      %cond3A_381 = arith.cmpi ne, %convert_element_type3A_379, %cond3A_380 : i32
      scf.if %cond3A_381 {
        %sub3A_416 = arith.constant 256 : i32
        %sub3A_417 = arith.subi %add3A_358, %sub3A_416 : i32
        %dma_wait3A_418 = arith.constant 128 : i32
        %dma_wait3A_419 = arith.constant 0 : i32
        %dma_wait3A_420 = tpu.memref_slice %arg9[%dma_wait3A_418, %dma_wait3A_419] : memref<256x128xf32, #tpu.memory_space<vmem>> -> memref<128x128xf32, #tpu.memory_space<vmem>>
        %dma_wait3A_421 = arith.constant 0 : i32
        %dma_wait3A_422 = tpu.memref_slice %arg7[%sub3A_417, %dma_wait3A_421] : memref<32768x128xf32, #tpu.memory_space<hbm>> -> memref<128x128xf32, #tpu.memory_space<hbm>>
        %dma_wait3A_423 = arith.constant 0 : i32
        %dma_wait3A_424 = tpu.memref_slice %arg7[%sub3A_417, %dma_wait3A_423] : memref<32768x128xf32, #tpu.memory_space<hbm>> -> memref<128x128xf32, #tpu.memory_space<hbm>>
        %dma_wait3A_425 = arith.constant 128 : i32
        %dma_wait3A_426 = arith.constant 0 : i32
        %dma_wait3A_427 = tpu.memref_slice %arg9[%dma_wait3A_425, %dma_wait3A_426] : memref<256x128xf32, #tpu.memory_space<vmem>> -> memref<128x128xf32, #tpu.memory_space<vmem>>
        tpu.wait_dma2 semaphore(%arg21 : memref<!tpu.dma_semaphore, #tpu.memory_space<semaphore_mem>>) src(%dma_wait3A_427 : memref<128x128xf32, #tpu.memory_space<vmem>>) dst(%dma_wait3A_424 : memref<128x128xf32, #tpu.memory_space<hbm>>)
      } else {
      }
      %scan3A_382 = arith.constant 0 : i32
      %scan3A_383 = arith.constant 16 : i32
      %scan3A_384 = arith.addi %scan3A_382, %scan3A_383 : i32
      %scan3A_385 = arith.constant 1 : i32
      scf.for %scan3A_416 = %scan3A_382 to %scan3A_384 step %scan3A_385  : i32 {
        %mul3A_417 = arith.constant 1 : i32
        %mul3A_418 = arith.muli %scan3A_416, %mul3A_417 : i32
        %add3A_419 = arith.constant 0 : i32
        %add3A_420 = arith.addi %add3A_419, %mul3A_418 : i32
        %iota3A_421 = tpu.iota {dimensions = array<i32: 0>} : vector<16xi32>
        %get3A_422 = arith.constant 0 : index
        %get3A_423 = tpu.vector_load %arg11[%get3A_422] {strides = array<i32>} : memref<32xi32, #tpu.memory_space<vmem>>, vector<16xi32>,
        %get3A_424 = arith.constant 16 : index
        %get3A_425 = tpu.vector_load %arg11[%get3A_424] {strides = array<i32>} : memref<32xi32, #tpu.memory_space<vmem>>, vector<16xi32>,
        %eq3A_426 = vector.broadcast %add3A_420 : i32 to vector<16xi32>
        %eq3A_427 = arith.cmpi eq, %iota3A_421, %eq3A_426 : vector<16xi32>
        %jit3A_428 = arith.constant 0 : i32
        %broadcast_in_dim3A_429 = vector.broadcast %jit3A_428 : i32 to vector<16xi32>
        %select_n3A_430 = arith.select %eq3A_427, %get3A_423, %broadcast_in_dim3A_429 : vector<16xi1>, vector<16xi32>
        %reduce_sum3A_431 = arith.constant true
        %reduce_sum3A_432 = vector.broadcast %reduce_sum3A_431 : i1 to vector<16xi1>
        %reduce_sum3A_433 = tpu.scan <sum>, %select_n3A_430 masked %reduce_sum3A_432 : vector<16xi32>, vector<16xi1> -> vector<16xi32>
        %reduce_sum3A_434 = vector.extract %reduce_sum3A_433[15] : i32 from vector<16xi32>
        %sub3A_435 = arith.constant 16 : i32
        %sub3A_436 = arith.subi %add3A_420, %sub3A_435 : i32
        %eq3A_437 = vector.broadcast %sub3A_436 : i32 to vector<16xi32>
        %eq3A_438 = arith.cmpi eq, %iota3A_421, %eq3A_437 : vector<16xi32>
        %jit3A_439 = arith.constant 0 : i32
        %broadcast_in_dim3A_440 = vector.broadcast %jit3A_439 : i32 to vector<16xi32>
        %select_n3A_441 = arith.select %eq3A_438, %get3A_425, %broadcast_in_dim3A_440 : vector<16xi1>, vector<16xi32>
        %reduce_sum3A_442 = arith.constant true
        %reduce_sum3A_443 = vector.broadcast %reduce_sum3A_442 : i1 to vector<16xi1>
        %reduce_sum3A_444 = tpu.scan <sum>, %select_n3A_441 masked %reduce_sum3A_443 : vector<16xi32>, vector<16xi1> -> vector<16xi32>
        %reduce_sum3A_445 = vector.extract %reduce_sum3A_444[15] : i32 from vector<16xi32>
        %add3A_446 = arith.addi %reduce_sum3A_434, %reduce_sum3A_445 : i32
        %add3A_447 = arith.constant 1 : i32
        %add3A_448 = arith.addi %add3A_420, %add3A_447 : i32
        %iota3A_449 = tpu.iota {dimensions = array<i32: 0>} : vector<16xi32>
        %get3A_450 = arith.constant 0 : index
        %get3A_451 = tpu.vector_load %arg11[%get3A_450] {strides = array<i32>} : memref<32xi32, #tpu.memory_space<vmem>>, vector<16xi32>,
        %get3A_452 = arith.constant 16 : index
        %get3A_453 = tpu.vector_load %arg11[%get3A_452] {strides = array<i32>} : memref<32xi32, #tpu.memory_space<vmem>>, vector<16xi32>,
        %eq3A_454 = vector.broadcast %add3A_448 : i32 to vector<16xi32>
        %eq3A_455 = arith.cmpi eq, %iota3A_449, %eq3A_454 : vector<16xi32>
        %jit3A_456 = arith.constant 0 : i32
        %broadcast_in_dim3A_457 = vector.broadcast %jit3A_456 : i32 to vector<16xi32>
        %select_n3A_458 = arith.select %eq3A_455, %get3A_451, %broadcast_in_dim3A_457 : vector<16xi1>, vector<16xi32>
        %reduce_sum3A_459 = arith.constant true
        %reduce_sum3A_460 = vector.broadcast %reduce_sum3A_459 : i1 to vector<16xi1>
        %reduce_sum3A_461 = tpu.scan <sum>, %select_n3A_458 masked %reduce_sum3A_460 : vector<16xi32>, vector<16xi1> -> vector<16xi32>
        %reduce_sum3A_462 = vector.extract %reduce_sum3A_461[15] : i32 from vector<16xi32>
        %sub3A_463 = arith.constant 16 : i32
        %sub3A_464 = arith.subi %add3A_448, %sub3A_463 : i32
        %eq3A_465 = vector.broadcast %sub3A_464 : i32 to vector<16xi32>
        %eq3A_466 = arith.cmpi eq, %iota3A_449, %eq3A_465 : vector<16xi32>
        %jit3A_467 = arith.constant 0 : i32
        %broadcast_in_dim3A_468 = vector.broadcast %jit3A_467 : i32 to vector<16xi32>
        %select_n3A_469 = arith.select %eq3A_466, %get3A_453, %broadcast_in_dim3A_468 : vector<16xi1>, vector<16xi32>
        %reduce_sum3A_470 = arith.constant true
        %reduce_sum3A_471 = vector.broadcast %reduce_sum3A_470 : i1 to vector<16xi1>
        %reduce_sum3A_472 = tpu.scan <sum>, %select_n3A_469 masked %reduce_sum3A_471 : vector<16xi32>, vector<16xi1> -> vector<16xi32>
        %reduce_sum3A_473 = vector.extract %reduce_sum3A_472[15] : i32 from vector<16xi32>
        %add3A_474 = arith.addi %reduce_sum3A_462, %reduce_sum3A_473 : i32
        %add3A_475 = arith.constant 128 : i32
        %add3A_476 = arith.addi %add3A_358, %add3A_475 : i32
        %max3A_477 = arith.maxsi %add3A_358, %add3A_446 : i32
        %min3A = arith.minsi %add3A_476, %max3A_477 : i32
        %sub3A_478 = arith.subi %min3A, %add3A_358 : i32
        %add3A_479 = arith.constant 128 : i32
        %add3A_480 = arith.addi %add3A_358, %add3A_479 : i32
        %max3A_481 = arith.maxsi %add3A_358, %add3A_474 : i32
        %min3A_482 = arith.minsi %add3A_480, %max3A_481 : i32
        %sub3A_483 = arith.subi %min3A_482, %add3A_358 : i32
        %gt3A = arith.cmpi sgt, %sub3A_483, %sub3A_478 : i32
        %convert_element_type3A_484 = arith.extui %gt3A : i1 to i32
        %cond3A_485 = arith.constant 0 : i32
        %cond3A_486 = arith.cmpi ne, %convert_element_type3A_484, %cond3A_485 : i32
        scf.if %cond3A_486 {
          %get3A_487 = arith.index_cast %add3A_420 : i32 to index
          %get3A_488 = arith.constant 0 : index
          %get3A_489 = tpu.vector_load %arg10[%get3A_487, %get3A_488] {strides = array<i32>} : memref<16x128xf32, #tpu.memory_space<vmem>>, vector<16xf32>,
          %get3A_490 = arith.index_cast %add3A_420 : i32 to index
          %get3A_491 = arith.constant 16 : index
          %get3A_492 = tpu.vector_load %arg10[%get3A_490, %get3A_491] {strides = array<i32>} : memref<16x128xf32, #tpu.memory_space<vmem>>, vector<16xf32>,
          %get3A_493 = arith.index_cast %add3A_420 : i32 to index
          %get3A_494 = arith.constant 32 : index
          %get3A_495 = tpu.vector_load %arg10[%get3A_493, %get3A_494] {strides = array<i32>} : memref<16x128xf32, #tpu.memory_space<vmem>>, vector<16xf32>,
          %get3A_496 = arith.index_cast %add3A_420 : i32 to index
          %get3A_497 = arith.constant 48 : index
          %get3A_498 = tpu.vector_load %arg10[%get3A_496, %get3A_497] {strides = array<i32>} : memref<16x128xf32, #tpu.memory_space<vmem>>, vector<16xf32>,
          %get3A_499 = arith.index_cast %add3A_420 : i32 to index
          %get3A_500 = arith.constant 64 : index
          %get3A_501 = tpu.vector_load %arg10[%get3A_499, %get3A_500] {strides = array<i32>} : memref<16x128xf32, #tpu.memory_space<vmem>>, vector<16xf32>,
          %get3A_502 = arith.index_cast %add3A_420 : i32 to index
          %get3A_503 = arith.constant 80 : index
          %get3A_504 = tpu.vector_load %arg10[%get3A_502, %get3A_503] {strides = array<i32>} : memref<16x128xf32, #tpu.memory_space<vmem>>, vector<16xf32>,
          %get3A_505 = arith.index_cast %add3A_420 : i32 to index
          %get3A_506 = arith.constant 96 : index
          %get3A_507 = tpu.vector_load %arg10[%get3A_505, %get3A_506] {strides = array<i32>} : memref<16x128xf32, #tpu.memory_space<vmem>>, vector<16xf32>,
          %get3A_508 = arith.index_cast %add3A_420 : i32 to index
          %get3A_509 = arith.constant 112 : index
          %get3A_510 = tpu.vector_load %arg10[%get3A_508, %get3A_509] {strides = array<i32>} : memref<16x128xf32, #tpu.memory_space<vmem>>, vector<16xf32>,
          %parallel_loop3A_511 = arith.constant 1 : i32
          scf.for %parallel_loop3A_512 = %sub3A_478 to %sub3A_483 step %parallel_loop3A_511  : i32 {
            %parallel_loop3A_513 = arith.addi %mul3A_355, %parallel_loop3A_512 : i32
            %parallel_loop3A_514 = arith.index_cast %parallel_loop3A_513 : i32 to index
            %parallel_loop3A_515 = arith.constant 0 : index
            %parallel_loop3A_516 = tpu.vector_load %arg8[%parallel_loop3A_514, %parallel_loop3A_515] {strides = array<i32>} : memref<256x128xf32, #tpu.memory_space<vmem>>, vector<16xf32>,
            %parallel_loop3A_517 = arith.mulf %parallel_loop3A_516, %get3A_489 : vector<16xf32>
            %parallel_loop3A_518 = arith.addi %mul3A_355, %parallel_loop3A_512 : i32
            %parallel_loop3A_519 = arith.index_cast %parallel_loop3A_518 : i32 to index
            %parallel_loop3A_520 = arith.constant 0 : index
            %parallel_loop3A_521 = tpu.vector_load %arg9[%parallel_loop3A_519, %parallel_loop3A_520] {strides = array<i32>} : memref<256x128xf32, #tpu.memory_space<vmem>>, vector<16xf32>,
            tpu.vector_store %arg9[%parallel_loop3A_519, %parallel_loop3A_520], %parallel_loop3A_517 {strides = array<i32>} : memref<256x128xf32, #tpu.memory_space<vmem>>, vector<16xf32>,
            %parallel_loop3A_522 = arith.addi %mul3A_355, %parallel_loop3A_512 : i32
            %parallel_loop3A_523 = arith.index_cast %parallel_loop3A_522 : i32 to index
            %parallel_loop3A_524 = arith.constant 16 : index
            %parallel_loop3A_525 = tpu.vector_load %arg8[%parallel_loop3A_523, %parallel_loop3A_524] {strides = array<i32>} : memref<256x128xf32, #tpu.memory_space<vmem>>, vector<16xf32>,
            %parallel_loop3A_526 = arith.mulf %parallel_loop3A_525, %get3A_492 : vector<16xf32>
            %parallel_loop3A_527 = arith.addi %mul3A_355, %parallel_loop3A_512 : i32
            %parallel_loop3A_528 = arith.index_cast %parallel_loop3A_527 : i32 to index
            %parallel_loop3A_529 = arith.constant 16 : index
            %parallel_loop3A_530 = tpu.vector_load %arg9[%parallel_loop3A_528, %parallel_loop3A_529] {strides = array<i32>} : memref<256x128xf32, #tpu.memory_space<vmem>>, vector<16xf32>,
            tpu.vector_store %arg9[%parallel_loop3A_528, %parallel_loop3A_529], %parallel_loop3A_526 {strides = array<i32>} : memref<256x128xf32, #tpu.memory_space<vmem>>, vector<16xf32>,
            %parallel_loop3A_531 = arith.addi %mul3A_355, %parallel_loop3A_512 : i32
            %parallel_loop3A_532 = arith.index_cast %parallel_loop3A_531 : i32 to index
            %parallel_loop3A_533 = arith.constant 32 : index
            %parallel_loop3A_534 = tpu.vector_load %arg8[%parallel_loop3A_532, %parallel_loop3A_533] {strides = array<i32>} : memref<256x128xf32, #tpu.memory_space<vmem>>, vector<16xf32>,
            %parallel_loop3A_535 = arith.mulf %parallel_loop3A_534, %get3A_495 : vector<16xf32>
            %parallel_loop3A_536 = arith.addi %mul3A_355, %parallel_loop3A_512 : i32
            %parallel_loop3A_537 = arith.index_cast %parallel_loop3A_536 : i32 to index
            %parallel_loop3A_538 = arith.constant 32 : index
            %parallel_loop3A_539 = tpu.vector_load %arg9[%parallel_loop3A_537, %parallel_loop3A_538] {strides = array<i32>} : memref<256x128xf32, #tpu.memory_space<vmem>>, vector<16xf32>,
            tpu.vector_store %arg9[%parallel_loop3A_537, %parallel_loop3A_538], %parallel_loop3A_535 {strides = array<i32>} : memref<256x128xf32, #tpu.memory_space<vmem>>, vector<16xf32>,
            %parallel_loop3A_540 = arith.addi %mul3A_355, %parallel_loop3A_512 : i32
            %parallel_loop3A_541 = arith.index_cast %parallel_loop3A_540 : i32 to index
            %parallel_loop3A_542 = arith.constant 48 : index
            %parallel_loop3A_543 = tpu.vector_load %arg8[%parallel_loop3A_541, %parallel_loop3A_542] {strides = array<i32>} : memref<256x128xf32, #tpu.memory_space<vmem>>, vector<16xf32>,
            %parallel_loop3A_544 = arith.mulf %parallel_loop3A_543, %get3A_498 : vector<16xf32>
            %parallel_loop3A_545 = arith.addi %mul3A_355, %parallel_loop3A_512 : i32
            %parallel_loop3A_546 = arith.index_cast %parallel_loop3A_545 : i32 to index
            %parallel_loop3A_547 = arith.constant 48 : index
            %parallel_loop3A_548 = tpu.vector_load %arg9[%parallel_loop3A_546, %parallel_loop3A_547] {strides = array<i32>} : memref<256x128xf32, #tpu.memory_space<vmem>>, vector<16xf32>,
            tpu.vector_store %arg9[%parallel_loop3A_546, %parallel_loop3A_547], %parallel_loop3A_544 {strides = array<i32>} : memref<256x128xf32, #tpu.memory_space<vmem>>, vector<16xf32>,
            %parallel_loop3A_549 = arith.addi %mul3A_355, %parallel_loop3A_512 : i32
            %parallel_loop3A_550 = arith.index_cast %parallel_loop3A_549 : i32 to index
            %parallel_loop3A_551 = arith.constant 64 : index
            %parallel_loop3A_552 = tpu.vector_load %arg8[%parallel_loop3A_550, %parallel_loop3A_551] {strides = array<i32>} : memref<256x128xf32, #tpu.memory_space<vmem>>, vector<16xf32>,
            %parallel_loop3A_553 = arith.mulf %parallel_loop3A_552, %get3A_501 : vector<16xf32>
            %parallel_loop3A_554 = arith.addi %mul3A_355, %parallel_loop3A_512 : i32
            %parallel_loop3A_555 = arith.index_cast %parallel_loop3A_554 : i32 to index
            %parallel_loop3A_556 = arith.constant 64 : index
            %parallel_loop3A_557 = tpu.vector_load %arg9[%parallel_loop3A_555, %parallel_loop3A_556] {strides = array<i32>} : memref<256x128xf32, #tpu.memory_space<vmem>>, vector<16xf32>,
            tpu.vector_store %arg9[%parallel_loop3A_555, %parallel_loop3A_556], %parallel_loop3A_553 {strides = array<i32>} : memref<256x128xf32, #tpu.memory_space<vmem>>, vector<16xf32>,
            %parallel_loop3A_558 = arith.addi %mul3A_355, %parallel_loop3A_512 : i32
            %parallel_loop3A_559 = arith.index_cast %parallel_loop3A_558 : i32 to index
            %parallel_loop3A_560 = arith.constant 80 : index
            %parallel_loop3A_561 = tpu.vector_load %arg8[%parallel_loop3A_559, %parallel_loop3A_560] {strides = array<i32>} : memref<256x128xf32, #tpu.memory_space<vmem>>, vector<16xf32>,
            %parallel_loop3A_562 = arith.mulf %parallel_loop3A_561, %get3A_504 : vector<16xf32>
            %parallel_loop3A_563 = arith.addi %mul3A_355, %parallel_loop3A_512 : i32
            %parallel_loop3A_564 = arith.index_cast %parallel_loop3A_563 : i32 to index
            %parallel_loop3A_565 = arith.constant 80 : index
            %parallel_loop3A_566 = tpu.vector_load %arg9[%parallel_loop3A_564, %parallel_loop3A_565] {strides = array<i32>} : memref<256x128xf32, #tpu.memory_space<vmem>>, vector<16xf32>,
            tpu.vector_store %arg9[%parallel_loop3A_564, %parallel_loop3A_565], %parallel_loop3A_562 {strides = array<i32>} : memref<256x128xf32, #tpu.memory_space<vmem>>, vector<16xf32>,
            %parallel_loop3A_567 = arith.addi %mul3A_355, %parallel_loop3A_512 : i32
            %parallel_loop3A_568 = arith.index_cast %parallel_loop3A_567 : i32 to index
            %parallel_loop3A_569 = arith.constant 96 : index
            %parallel_loop3A_570 = tpu.vector_load %arg8[%parallel_loop3A_568, %parallel_loop3A_569] {strides = array<i32>} : memref<256x128xf32, #tpu.memory_space<vmem>>, vector<16xf32>,
            %parallel_loop3A_571 = arith.mulf %parallel_loop3A_570, %get3A_507 : vector<16xf32>
            %parallel_loop3A_572 = arith.addi %mul3A_355, %parallel_loop3A_512 : i32
            %parallel_loop3A_573 = arith.index_cast %parallel_loop3A_572 : i32 to index
            %parallel_loop3A_574 = arith.constant 96 : index
            %parallel_loop3A_575 = tpu.vector_load %arg9[%parallel_loop3A_573, %parallel_loop3A_574] {strides = array<i32>} : memref<256x128xf32, #tpu.memory_space<vmem>>, vector<16xf32>,
            tpu.vector_store %arg9[%parallel_loop3A_573, %parallel_loop3A_574], %parallel_loop3A_571 {strides = array<i32>} : memref<256x128xf32, #tpu.memory_space<vmem>>, vector<16xf32>,
            %parallel_loop3A_576 = arith.addi %mul3A_355, %parallel_loop3A_512 : i32
            %parallel_loop3A_577 = arith.index_cast %parallel_loop3A_576 : i32 to index
            %parallel_loop3A_578 = arith.constant 112 : index
            %parallel_loop3A_579 = tpu.vector_load %arg8[%parallel_loop3A_577, %parallel_loop3A_578] {strides = array<i32>} : memref<256x128xf32, #tpu.memory_space<vmem>>, vector<16xf32>,
            %parallel_loop3A_580 = arith.mulf %parallel_loop3A_579, %get3A_510 : vector<16xf32>
            %parallel_loop3A_581 = arith.addi %mul3A_355, %parallel_loop3A_512 : i32
            %parallel_loop3A_582 = arith.index_cast %parallel_loop3A_581 : i32 to index
            %parallel_loop3A_583 = arith.constant 112 : index
            %parallel_loop3A_584 = tpu.vector_load %arg9[%parallel_loop3A_582, %parallel_loop3A_583] {strides = array<i32>} : memref<256x128xf32, #tpu.memory_space<vmem>>, vector<16xf32>,
            tpu.vector_store %arg9[%parallel_loop3A_582, %parallel_loop3A_583], %parallel_loop3A_580 {strides = array<i32>} : memref<256x128xf32, #tpu.memory_space<vmem>>, vector<16xf32>,
          } {sc.loop_unroll_factor = 4 : i64, sc.parallel_access}
        } else {
        }
      }
      %scan3A_386 = arith.constant 16 : i32
      %eq3A_387 = arith.constant 0 : i32
      %eq3A_388 = arith.cmpi eq, %rem3A_353, %eq3A_387 : i32
      %convert_element_type3A_389 = arith.extui %eq3A_388 : i1 to i32
      %cond3A_390 = arith.constant 0 : i32
      %cond3A_391 = arith.cmpi ne, %convert_element_type3A_389, %cond3A_390 : i32
      scf.if %cond3A_391 {
        %dma_start3A_416 = arith.constant 0 : i32
        %dma_start3A_417 = arith.constant 0 : i32
        %dma_start3A_418 = tpu.memref_slice %arg9[%dma_start3A_416, %dma_start3A_417] : memref<256x128xf32, #tpu.memory_space<vmem>> -> memref<128x128xf32, #tpu.memory_space<vmem>>
        %dma_start3A_419 = arith.constant 0 : i32
        %dma_start3A_420 = tpu.memref_slice %arg7[%add3A_358, %dma_start3A_419] : memref<32768x128xf32, #tpu.memory_space<hbm>> -> memref<128x128xf32, #tpu.memory_space<hbm>>
        %dma_start3A_421 = arith.constant 0 : i32
        %dma_start3A_422 = tpu.memref_slice %arg7[%add3A_358, %dma_start3A_421] : memref<32768x128xf32, #tpu.memory_space<hbm>> -> memref<128x128xf32, #tpu.memory_space<hbm>>
        %dma_start3A_423 = arith.constant 0 : i32
        %dma_start3A_424 = arith.constant 0 : i32
        %dma_start3A_425 = tpu.memref_slice %arg9[%dma_start3A_423, %dma_start3A_424] : memref<256x128xf32, #tpu.memory_space<vmem>> -> memref<128x128xf32, #tpu.memory_space<vmem>>
        tpu.enqueue_dma source(%dma_start3A_425 : memref<128x128xf32, #tpu.memory_space<vmem>>) target(%dma_start3A_422 : memref<128x128xf32, #tpu.memory_space<hbm>>) target_semaphore(%arg20 : memref<!tpu.dma_semaphore, #tpu.memory_space<semaphore_mem>>)
      } else {
      }
      %eq3A_392 = arith.constant 0 : i32
      %eq3A_393 = arith.cmpi eq, %rem3A_353, %eq3A_392 : i32
      %add3A_394 = arith.constant 2 : i32
      %add3A_395 = arith.addi %add3A_352, %add3A_394 : i32
      %lt3A = arith.constant 8 : i32
      %lt3A_396 = arith.cmpi slt, %add3A_395, %lt3A : i32
      %and3A_397 = arith.andi %eq3A_393, %lt3A_396 : i1
      %convert_element_type3A_398 = arith.extui %and3A_397 : i1 to i32
      %cond3A_399 = arith.constant 0 : i32
      %cond3A_400 = arith.cmpi ne, %convert_element_type3A_398, %cond3A_399 : i32
      scf.if %cond3A_400 {
        %add3A_416 = arith.constant 256 : i32
        %add3A_417 = arith.addi %add3A_358, %add3A_416 : i32
        %dma_start3A_418 = arith.constant 0 : i32
        %dma_start3A_419 = arith.constant 0 : i32
        %dma_start3A_420 = tpu.memref_slice %arg8[%dma_start3A_418, %dma_start3A_419] : memref<256x128xf32, #tpu.memory_space<vmem>> -> memref<128x128xf32, #tpu.memory_space<vmem>>
        %dma_start3A_421 = arith.constant 0 : i32
        %dma_start3A_422 = tpu.memref_slice %arg2[%add3A_417, %dma_start3A_421] : memref<32768x128xf32, #tpu.memory_space<hbm>> -> memref<128x128xf32, #tpu.memory_space<hbm>>
        %dma_start3A_423 = arith.constant 0 : i32
        %dma_start3A_424 = arith.constant 0 : i32
        %dma_start3A_425 = tpu.memref_slice %arg8[%dma_start3A_423, %dma_start3A_424] : memref<256x128xf32, #tpu.memory_space<vmem>> -> memref<128x128xf32, #tpu.memory_space<vmem>>
        %dma_start3A_426 = arith.constant 0 : i32
        %dma_start3A_427 = tpu.memref_slice %arg2[%add3A_417, %dma_start3A_426] : memref<32768x128xf32, #tpu.memory_space<hbm>> -> memref<128x128xf32, #tpu.memory_space<hbm>>
        tpu.enqueue_dma source(%dma_start3A_427 : memref<128x128xf32, #tpu.memory_space<hbm>>) target(%dma_start3A_425 : memref<128x128xf32, #tpu.memory_space<vmem>>) target_semaphore(%arg18 : memref<!tpu.dma_semaphore, #tpu.memory_space<semaphore_mem>>)
      } else {
      }
      %eq3A_401 = arith.constant 1 : i32
      %eq3A_402 = arith.cmpi eq, %rem3A_353, %eq3A_401 : i32
      %convert_element_type3A_403 = arith.extui %eq3A_402 : i1 to i32
      %cond3A_404 = arith.constant 0 : i32
      %cond3A_405 = arith.cmpi ne, %convert_element_type3A_403, %cond3A_404 : i32
      scf.if %cond3A_405 {
        %dma_start3A_416 = arith.constant 128 : i32
        %dma_start3A_417 = arith.constant 0 : i32
        %dma_start3A_418 = tpu.memref_slice %arg9[%dma_start3A_416, %dma_start3A_417] : memref<256x128xf32, #tpu.memory_space<vmem>> -> memref<128x128xf32, #tpu.memory_space<vmem>>
        %dma_start3A_419 = arith.constant 0 : i32
        %dma_start3A_420 = tpu.memref_slice %arg7[%add3A_358, %dma_start3A_419] : memref<32768x128xf32, #tpu.memory_space<hbm>> -> memref<128x128xf32, #tpu.memory_space<hbm>>
        %dma_start3A_421 = arith.constant 0 : i32
        %dma_start3A_422 = tpu.memref_slice %arg7[%add3A_358, %dma_start3A_421] : memref<32768x128xf32, #tpu.memory_space<hbm>> -> memref<128x128xf32, #tpu.memory_space<hbm>>
        %dma_start3A_423 = arith.constant 128 : i32
        %dma_start3A_424 = arith.constant 0 : i32
        %dma_start3A_425 = tpu.memref_slice %arg9[%dma_start3A_423, %dma_start3A_424] : memref<256x128xf32, #tpu.memory_space<vmem>> -> memref<128x128xf32, #tpu.memory_space<vmem>>
        tpu.enqueue_dma source(%dma_start3A_425 : memref<128x128xf32, #tpu.memory_space<vmem>>) target(%dma_start3A_422 : memref<128x128xf32, #tpu.memory_space<hbm>>) target_semaphore(%arg21 : memref<!tpu.dma_semaphore, #tpu.memory_space<semaphore_mem>>)
      } else {
      }
      %eq3A_406 = arith.constant 1 : i32
      %eq3A_407 = arith.cmpi eq, %rem3A_353, %eq3A_406 : i32
      %add3A_408 = arith.constant 2 : i32
      %add3A_409 = arith.addi %add3A_352, %add3A_408 : i32
      %lt3A_410 = arith.constant 8 : i32
      %lt3A_411 = arith.cmpi slt, %add3A_409, %lt3A_410 : i32
      %and3A_412 = arith.andi %eq3A_407, %lt3A_411 : i1
      %convert_element_type3A_413 = arith.extui %and3A_412 : i1 to i32
      %cond3A_414 = arith.constant 0 : i32
      %cond3A_415 = arith.cmpi ne, %convert_element_type3A_413, %cond3A_414 : i32
      scf.if %cond3A_415 {
        %add3A_416 = arith.constant 256 : i32
        %add3A_417 = arith.addi %add3A_358, %add3A_416 : i32
        %dma_start3A_418 = arith.constant 128 : i32
        %dma_start3A_419 = arith.constant 0 : i32
        %dma_start3A_420 = tpu.memref_slice %arg8[%dma_start3A_418, %dma_start3A_419] : memref<256x128xf32, #tpu.memory_space<vmem>> -> memref<128x128xf32, #tpu.memory_space<vmem>>
        %dma_start3A_421 = arith.constant 0 : i32
        %dma_start3A_422 = tpu.memref_slice %arg2[%add3A_417, %dma_start3A_421] : memref<32768x128xf32, #tpu.memory_space<hbm>> -> memref<128x128xf32, #tpu.memory_space<hbm>>
        %dma_start3A_423 = arith.constant 128 : i32
        %dma_start3A_424 = arith.constant 0 : i32
        %dma_start3A_425 = tpu.memref_slice %arg8[%dma_start3A_423, %dma_start3A_424] : memref<256x128xf32, #tpu.memory_space<vmem>> -> memref<128x128xf32, #tpu.memory_space<vmem>>
        %dma_start3A_426 = arith.constant 0 : i32
        %dma_start3A_427 = tpu.memref_slice %arg2[%add3A_417, %dma_start3A_426] : memref<32768x128xf32, #tpu.memory_space<hbm>> -> memref<128x128xf32, #tpu.memory_space<hbm>>
        tpu.enqueue_dma source(%dma_start3A_427 : memref<128x128xf32, #tpu.memory_space<hbm>>) target(%dma_start3A_425 : memref<128x128xf32, #tpu.memory_space<vmem>>) target_semaphore(%arg19 : memref<!tpu.dma_semaphore, #tpu.memory_space<semaphore_mem>>)
      } else {
      }
    }
    %scan3A_324 = arith.constant 8 : i32
    %add3A_325 = arith.constant 768 : i32
    %add3A_326 = arith.addi %mul3A_2, %add3A_325 : i32
    %dma_wait3A = arith.constant 0 : i32
    %dma_wait3A_327 = arith.constant 0 : i32
    %dma_wait3A_328 = tpu.memref_slice %arg9[%dma_wait3A, %dma_wait3A_327] : memref<256x128xf32, #tpu.memory_space<vmem>> -> memref<128x128xf32, #tpu.memory_space<vmem>>
    %dma_wait3A_329 = arith.constant 0 : i32
    %dma_wait3A_330 = tpu.memref_slice %arg7[%add3A_326, %dma_wait3A_329] : memref<32768x128xf32, #tpu.memory_space<hbm>> -> memref<128x128xf32, #tpu.memory_space<hbm>>
    %dma_wait3A_331 = arith.constant 0 : i32
    %dma_wait3A_332 = tpu.memref_slice %arg7[%add3A_326, %dma_wait3A_331] : memref<32768x128xf32, #tpu.memory_space<hbm>> -> memref<128x128xf32, #tpu.memory_space<hbm>>
    %dma_wait3A_333 = arith.constant 0 : i32
    %dma_wait3A_334 = arith.constant 0 : i32
    %dma_wait3A_335 = tpu.memref_slice %arg9[%dma_wait3A_333, %dma_wait3A_334] : memref<256x128xf32, #tpu.memory_space<vmem>> -> memref<128x128xf32, #tpu.memory_space<vmem>>
    tpu.wait_dma2 semaphore(%arg20 : memref<!tpu.dma_semaphore, #tpu.memory_space<semaphore_mem>>) src(%dma_wait3A_335 : memref<128x128xf32, #tpu.memory_space<vmem>>) dst(%dma_wait3A_332 : memref<128x128xf32, #tpu.memory_space<hbm>>)
    %add3A_336 = arith.constant 896 : i32
    %add3A_337 = arith.addi %mul3A_2, %add3A_336 : i32
    %dma_wait3A_338 = arith.constant 128 : i32
    %dma_wait3A_339 = arith.constant 0 : i32
    %dma_wait3A_340 = tpu.memref_slice %arg9[%dma_wait3A_338, %dma_wait3A_339] : memref<256x128xf32, #tpu.memory_space<vmem>> -> memref<128x128xf32, #tpu.memory_space<vmem>>
    %dma_wait3A_341 = arith.constant 0 : i32
    %dma_wait3A_342 = tpu.memref_slice %arg7[%add3A_337, %dma_wait3A_341] : memref<32768x128xf32, #tpu.memory_space<hbm>> -> memref<128x128xf32, #tpu.memory_space<hbm>>
    %dma_wait3A_343 = arith.constant 0 : i32
    %dma_wait3A_344 = tpu.memref_slice %arg7[%add3A_337, %dma_wait3A_343] : memref<32768x128xf32, #tpu.memory_space<hbm>> -> memref<128x128xf32, #tpu.memory_space<hbm>>
    %dma_wait3A_345 = arith.constant 128 : i32
    %dma_wait3A_346 = arith.constant 0 : i32
    %dma_wait3A_347 = tpu.memref_slice %arg9[%dma_wait3A_345, %dma_wait3A_346] : memref<256x128xf32, #tpu.memory_space<vmem>> -> memref<128x128xf32, #tpu.memory_space<vmem>>
    tpu.wait_dma2 semaphore(%arg21 : memref<!tpu.dma_semaphore, #tpu.memory_space<semaphore_mem>>) src(%dma_wait3A_347 : memref<128x128xf32, #tpu.memory_space<vmem>>) dst(%dma_wait3A_344 : memref<128x128xf32, #tpu.memory_space<hbm>>)
    return
  }
}

module attributes {stable_mosaic.version = 14 : i64} {
  func.func @_pass1_tc_body(%arg0: i32, %arg1: memref<32xi32, #tpu.memory_space<smem>>, %arg2: memref<16384x128xf32, #tpu.memory_space<vmem>>, %arg3: memref<16x128xf32, #tpu.memory_space<vmem>>) attributes {dimension_semantics = [#tpu.dimension_semantics<arbitrary>], iteration_bounds = array<i64: 1>, scalar_prefetch = 0 : i64, scratch_operands = 0 : i64, tpu.core_type = #tpu.core_type<tc>, window_params = [{transform_indices = @transform_0, window_bounds = array<i64: 32>}, {transform_indices = @transform_1, window_bounds = array<i64: 16384, 128>}, {pipeline_mode = #tpu.pipeline_mode<synchronous>, transform_indices = @transform_2, window_bounds = array<i64: 16, 128>}]} {
    %iota3A = tpu.iota {dimensions = array<i32: 0>} : vector<16x1xi32>
    %broadcast_in_dim3A = arith.constant 0 : i32
    %broadcast_in_dim3A_0 = vector.broadcast %broadcast_in_dim3A : i32 to vector<16x1xi32>
    %broadcast_in_dim3A_1 = arith.constant 0 : i32
    %broadcast_in_dim3A_2 = vector.broadcast %broadcast_in_dim3A_1 : i32 to vector<16x1xi32>
    %eq3A = arith.constant 0 : i32
    %eq3A_3 = vector.broadcast %eq3A : i32 to vector<16x1xi32>
    %eq3A_4 = arith.cmpi eq, %iota3A, %eq3A_3 : vector<16x1xi32>
    %get3A = arith.constant 0 : index
    %get3A_5 = memref.load %arg1[%get3A] : memref<32xi32, #tpu.memory_space<smem>>
    %broadcast_in_dim3A_6 = vector.broadcast %get3A_5 : i32 to vector<16x1xi32>
    %select_n3A = arith.select %eq3A_4, %broadcast_in_dim3A_6, %broadcast_in_dim3A_0 : vector<16x1xi1>, vector<16x1xi32>
    %eq3A_7 = arith.constant 0 : i32
    %eq3A_8 = vector.broadcast %eq3A_7 : i32 to vector<16x1xi32>
    %eq3A_9 = arith.cmpi eq, %iota3A, %eq3A_8 : vector<16x1xi32>
    %get3A_10 = arith.constant 1 : index
    %get3A_11 = memref.load %arg1[%get3A_10] : memref<32xi32, #tpu.memory_space<smem>>
    %broadcast_in_dim3A_12 = vector.broadcast %get3A_11 : i32 to vector<16x1xi32>
    %select_n3A_13 = arith.select %eq3A_9, %broadcast_in_dim3A_12, %broadcast_in_dim3A_2 : vector<16x1xi1>, vector<16x1xi32>
    %eq3A_14 = arith.constant 1 : i32
    %eq3A_15 = vector.broadcast %eq3A_14 : i32 to vector<16x1xi32>
    %eq3A_16 = arith.cmpi eq, %iota3A, %eq3A_15 : vector<16x1xi32>
    %get3A_17 = arith.constant 1 : index
    %get3A_18 = memref.load %arg1[%get3A_17] : memref<32xi32, #tpu.memory_space<smem>>
    %broadcast_in_dim3A_19 = vector.broadcast %get3A_18 : i32 to vector<16x1xi32>
    %select_n3A_20 = arith.select %eq3A_16, %broadcast_in_dim3A_19, %select_n3A : vector<16x1xi1>, vector<16x1xi32>
    %eq3A_21 = arith.constant 1 : i32
    %eq3A_22 = vector.broadcast %eq3A_21 : i32 to vector<16x1xi32>
    %eq3A_23 = arith.cmpi eq, %iota3A, %eq3A_22 : vector<16x1xi32>
    %get3A_24 = arith.constant 2 : index
    %get3A_25 = memref.load %arg1[%get3A_24] : memref<32xi32, #tpu.memory_space<smem>>
    %broadcast_in_dim3A_26 = vector.broadcast %get3A_25 : i32 to vector<16x1xi32>
    %select_n3A_27 = arith.select %eq3A_23, %broadcast_in_dim3A_26, %select_n3A_13 : vector<16x1xi1>, vector<16x1xi32>
    %eq3A_28 = arith.constant 2 : i32
    %eq3A_29 = vector.broadcast %eq3A_28 : i32 to vector<16x1xi32>
    %eq3A_30 = arith.cmpi eq, %iota3A, %eq3A_29 : vector<16x1xi32>
    %get3A_31 = arith.constant 2 : index
    %get3A_32 = memref.load %arg1[%get3A_31] : memref<32xi32, #tpu.memory_space<smem>>
    %broadcast_in_dim3A_33 = vector.broadcast %get3A_32 : i32 to vector<16x1xi32>
    %select_n3A_34 = arith.select %eq3A_30, %broadcast_in_dim3A_33, %select_n3A_20 : vector<16x1xi1>, vector<16x1xi32>
    %eq3A_35 = arith.constant 2 : i32
    %eq3A_36 = vector.broadcast %eq3A_35 : i32 to vector<16x1xi32>
    %eq3A_37 = arith.cmpi eq, %iota3A, %eq3A_36 : vector<16x1xi32>
    %get3A_38 = arith.constant 3 : index
    %get3A_39 = memref.load %arg1[%get3A_38] : memref<32xi32, #tpu.memory_space<smem>>
    %broadcast_in_dim3A_40 = vector.broadcast %get3A_39 : i32 to vector<16x1xi32>
    %select_n3A_41 = arith.select %eq3A_37, %broadcast_in_dim3A_40, %select_n3A_27 : vector<16x1xi1>, vector<16x1xi32>
    %eq3A_42 = arith.constant 3 : i32
    %eq3A_43 = vector.broadcast %eq3A_42 : i32 to vector<16x1xi32>
    %eq3A_44 = arith.cmpi eq, %iota3A, %eq3A_43 : vector<16x1xi32>
    %get3A_45 = arith.constant 3 : index
    %get3A_46 = memref.load %arg1[%get3A_45] : memref<32xi32, #tpu.memory_space<smem>>
    %broadcast_in_dim3A_47 = vector.broadcast %get3A_46 : i32 to vector<16x1xi32>
    %select_n3A_48 = arith.select %eq3A_44, %broadcast_in_dim3A_47, %select_n3A_34 : vector<16x1xi1>, vector<16x1xi32>
    %eq3A_49 = arith.constant 3 : i32
    %eq3A_50 = vector.broadcast %eq3A_49 : i32 to vector<16x1xi32>
    %eq3A_51 = arith.cmpi eq, %iota3A, %eq3A_50 : vector<16x1xi32>
    %get3A_52 = arith.constant 4 : index
    %get3A_53 = memref.load %arg1[%get3A_52] : memref<32xi32, #tpu.memory_space<smem>>
    %broadcast_in_dim3A_54 = vector.broadcast %get3A_53 : i32 to vector<16x1xi32>
    %select_n3A_55 = arith.select %eq3A_51, %broadcast_in_dim3A_54, %select_n3A_41 : vector<16x1xi1>, vector<16x1xi32>
    %eq3A_56 = arith.constant 4 : i32
    %eq3A_57 = vector.broadcast %eq3A_56 : i32 to vector<16x1xi32>
    %eq3A_58 = arith.cmpi eq, %iota3A, %eq3A_57 : vector<16x1xi32>
    %get3A_59 = arith.constant 4 : index
    %get3A_60 = memref.load %arg1[%get3A_59] : memref<32xi32, #tpu.memory_space<smem>>
    %broadcast_in_dim3A_61 = vector.broadcast %get3A_60 : i32 to vector<16x1xi32>
    %select_n3A_62 = arith.select %eq3A_58, %broadcast_in_dim3A_61, %select_n3A_48 : vector<16x1xi1>, vector<16x1xi32>
    %eq3A_63 = arith.constant 4 : i32
    %eq3A_64 = vector.broadcast %eq3A_63 : i32 to vector<16x1xi32>
    %eq3A_65 = arith.cmpi eq, %iota3A, %eq3A_64 : vector<16x1xi32>
    %get3A_66 = arith.constant 5 : index
    %get3A_67 = memref.load %arg1[%get3A_66] : memref<32xi32, #tpu.memory_space<smem>>
    %broadcast_in_dim3A_68 = vector.broadcast %get3A_67 : i32 to vector<16x1xi32>
    %select_n3A_69 = arith.select %eq3A_65, %broadcast_in_dim3A_68, %select_n3A_55 : vector<16x1xi1>, vector<16x1xi32>
    %eq3A_70 = arith.constant 5 : i32
    %eq3A_71 = vector.broadcast %eq3A_70 : i32 to vector<16x1xi32>
    %eq3A_72 = arith.cmpi eq, %iota3A, %eq3A_71 : vector<16x1xi32>
    %get3A_73 = arith.constant 5 : index
    %get3A_74 = memref.load %arg1[%get3A_73] : memref<32xi32, #tpu.memory_space<smem>>
    %broadcast_in_dim3A_75 = vector.broadcast %get3A_74 : i32 to vector<16x1xi32>
    %select_n3A_76 = arith.select %eq3A_72, %broadcast_in_dim3A_75, %select_n3A_62 : vector<16x1xi1>, vector<16x1xi32>
    %eq3A_77 = arith.constant 5 : i32
    %eq3A_78 = vector.broadcast %eq3A_77 : i32 to vector<16x1xi32>
    %eq3A_79 = arith.cmpi eq, %iota3A, %eq3A_78 : vector<16x1xi32>
    %get3A_80 = arith.constant 6 : index
    %get3A_81 = memref.load %arg1[%get3A_80] : memref<32xi32, #tpu.memory_space<smem>>
    %broadcast_in_dim3A_82 = vector.broadcast %get3A_81 : i32 to vector<16x1xi32>
    %select_n3A_83 = arith.select %eq3A_79, %broadcast_in_dim3A_82, %select_n3A_69 : vector<16x1xi1>, vector<16x1xi32>
    %eq3A_84 = arith.constant 6 : i32
    %eq3A_85 = vector.broadcast %eq3A_84 : i32 to vector<16x1xi32>
    %eq3A_86 = arith.cmpi eq, %iota3A, %eq3A_85 : vector<16x1xi32>
    %get3A_87 = arith.constant 6 : index
    %get3A_88 = memref.load %arg1[%get3A_87] : memref<32xi32, #tpu.memory_space<smem>>
    %broadcast_in_dim3A_89 = vector.broadcast %get3A_88 : i32 to vector<16x1xi32>
    %select_n3A_90 = arith.select %eq3A_86, %broadcast_in_dim3A_89, %select_n3A_76 : vector<16x1xi1>, vector<16x1xi32>
    %eq3A_91 = arith.constant 6 : i32
    %eq3A_92 = vector.broadcast %eq3A_91 : i32 to vector<16x1xi32>
    %eq3A_93 = arith.cmpi eq, %iota3A, %eq3A_92 : vector<16x1xi32>
    %get3A_94 = arith.constant 7 : index
    %get3A_95 = memref.load %arg1[%get3A_94] : memref<32xi32, #tpu.memory_space<smem>>
    %broadcast_in_dim3A_96 = vector.broadcast %get3A_95 : i32 to vector<16x1xi32>
    %select_n3A_97 = arith.select %eq3A_93, %broadcast_in_dim3A_96, %select_n3A_83 : vector<16x1xi1>, vector<16x1xi32>
    %eq3A_98 = arith.constant 7 : i32
    %eq3A_99 = vector.broadcast %eq3A_98 : i32 to vector<16x1xi32>
    %eq3A_100 = arith.cmpi eq, %iota3A, %eq3A_99 : vector<16x1xi32>
    %get3A_101 = arith.constant 7 : index
    %get3A_102 = memref.load %arg1[%get3A_101] : memref<32xi32, #tpu.memory_space<smem>>
    %broadcast_in_dim3A_103 = vector.broadcast %get3A_102 : i32 to vector<16x1xi32>
    %select_n3A_104 = arith.select %eq3A_100, %broadcast_in_dim3A_103, %select_n3A_90 : vector<16x1xi1>, vector<16x1xi32>
    %eq3A_105 = arith.constant 7 : i32
    %eq3A_106 = vector.broadcast %eq3A_105 : i32 to vector<16x1xi32>
    %eq3A_107 = arith.cmpi eq, %iota3A, %eq3A_106 : vector<16x1xi32>
    %get3A_108 = arith.constant 8 : index
    %get3A_109 = memref.load %arg1[%get3A_108] : memref<32xi32, #tpu.memory_space<smem>>
    %broadcast_in_dim3A_110 = vector.broadcast %get3A_109 : i32 to vector<16x1xi32>
    %select_n3A_111 = arith.select %eq3A_107, %broadcast_in_dim3A_110, %select_n3A_97 : vector<16x1xi1>, vector<16x1xi32>
    %eq3A_112 = arith.constant 8 : i32
    %eq3A_113 = vector.broadcast %eq3A_112 : i32 to vector<16x1xi32>
    %eq3A_114 = arith.cmpi eq, %iota3A, %eq3A_113 : vector<16x1xi32>
    %get3A_115 = arith.constant 8 : index
    %get3A_116 = memref.load %arg1[%get3A_115] : memref<32xi32, #tpu.memory_space<smem>>
    %broadcast_in_dim3A_117 = vector.broadcast %get3A_116 : i32 to vector<16x1xi32>
    %select_n3A_118 = arith.select %eq3A_114, %broadcast_in_dim3A_117, %select_n3A_104 : vector<16x1xi1>, vector<16x1xi32>
    %eq3A_119 = arith.constant 8 : i32
    %eq3A_120 = vector.broadcast %eq3A_119 : i32 to vector<16x1xi32>
    %eq3A_121 = arith.cmpi eq, %iota3A, %eq3A_120 : vector<16x1xi32>
    %get3A_122 = arith.constant 9 : index
    %get3A_123 = memref.load %arg1[%get3A_122] : memref<32xi32, #tpu.memory_space<smem>>
    %broadcast_in_dim3A_124 = vector.broadcast %get3A_123 : i32 to vector<16x1xi32>
    %select_n3A_125 = arith.select %eq3A_121, %broadcast_in_dim3A_124, %select_n3A_111 : vector<16x1xi1>, vector<16x1xi32>
    %eq3A_126 = arith.constant 9 : i32
    %eq3A_127 = vector.broadcast %eq3A_126 : i32 to vector<16x1xi32>
    %eq3A_128 = arith.cmpi eq, %iota3A, %eq3A_127 : vector<16x1xi32>
    %get3A_129 = arith.constant 9 : index
    %get3A_130 = memref.load %arg1[%get3A_129] : memref<32xi32, #tpu.memory_space<smem>>
    %broadcast_in_dim3A_131 = vector.broadcast %get3A_130 : i32 to vector<16x1xi32>
    %select_n3A_132 = arith.select %eq3A_128, %broadcast_in_dim3A_131, %select_n3A_118 : vector<16x1xi1>, vector<16x1xi32>
    %eq3A_133 = arith.constant 9 : i32
    %eq3A_134 = vector.broadcast %eq3A_133 : i32 to vector<16x1xi32>
    %eq3A_135 = arith.cmpi eq, %iota3A, %eq3A_134 : vector<16x1xi32>
    %get3A_136 = arith.constant 10 : index
    %get3A_137 = memref.load %arg1[%get3A_136] : memref<32xi32, #tpu.memory_space<smem>>
    %broadcast_in_dim3A_138 = vector.broadcast %get3A_137 : i32 to vector<16x1xi32>
    %select_n3A_139 = arith.select %eq3A_135, %broadcast_in_dim3A_138, %select_n3A_125 : vector<16x1xi1>, vector<16x1xi32>
    %eq3A_140 = arith.constant 10 : i32
    %eq3A_141 = vector.broadcast %eq3A_140 : i32 to vector<16x1xi32>
    %eq3A_142 = arith.cmpi eq, %iota3A, %eq3A_141 : vector<16x1xi32>
    %get3A_143 = arith.constant 10 : index
    %get3A_144 = memref.load %arg1[%get3A_143] : memref<32xi32, #tpu.memory_space<smem>>
    %broadcast_in_dim3A_145 = vector.broadcast %get3A_144 : i32 to vector<16x1xi32>
    %select_n3A_146 = arith.select %eq3A_142, %broadcast_in_dim3A_145, %select_n3A_132 : vector<16x1xi1>, vector<16x1xi32>
    %eq3A_147 = arith.constant 10 : i32
    %eq3A_148 = vector.broadcast %eq3A_147 : i32 to vector<16x1xi32>
    %eq3A_149 = arith.cmpi eq, %iota3A, %eq3A_148 : vector<16x1xi32>
    %get3A_150 = arith.constant 11 : index
    %get3A_151 = memref.load %arg1[%get3A_150] : memref<32xi32, #tpu.memory_space<smem>>
    %broadcast_in_dim3A_152 = vector.broadcast %get3A_151 : i32 to vector<16x1xi32>
    %select_n3A_153 = arith.select %eq3A_149, %broadcast_in_dim3A_152, %select_n3A_139 : vector<16x1xi1>, vector<16x1xi32>
    %eq3A_154 = arith.constant 11 : i32
    %eq3A_155 = vector.broadcast %eq3A_154 : i32 to vector<16x1xi32>
    %eq3A_156 = arith.cmpi eq, %iota3A, %eq3A_155 : vector<16x1xi32>
    %get3A_157 = arith.constant 11 : index
    %get3A_158 = memref.load %arg1[%get3A_157] : memref<32xi32, #tpu.memory_space<smem>>
    %broadcast_in_dim3A_159 = vector.broadcast %get3A_158 : i32 to vector<16x1xi32>
    %select_n3A_160 = arith.select %eq3A_156, %broadcast_in_dim3A_159, %select_n3A_146 : vector<16x1xi1>, vector<16x1xi32>
    %eq3A_161 = arith.constant 11 : i32
    %eq3A_162 = vector.broadcast %eq3A_161 : i32 to vector<16x1xi32>
    %eq3A_163 = arith.cmpi eq, %iota3A, %eq3A_162 : vector<16x1xi32>
    %get3A_164 = arith.constant 12 : index
    %get3A_165 = memref.load %arg1[%get3A_164] : memref<32xi32, #tpu.memory_space<smem>>
    %broadcast_in_dim3A_166 = vector.broadcast %get3A_165 : i32 to vector<16x1xi32>
    %select_n3A_167 = arith.select %eq3A_163, %broadcast_in_dim3A_166, %select_n3A_153 : vector<16x1xi1>, vector<16x1xi32>
    %eq3A_168 = arith.constant 12 : i32
    %eq3A_169 = vector.broadcast %eq3A_168 : i32 to vector<16x1xi32>
    %eq3A_170 = arith.cmpi eq, %iota3A, %eq3A_169 : vector<16x1xi32>
    %get3A_171 = arith.constant 12 : index
    %get3A_172 = memref.load %arg1[%get3A_171] : memref<32xi32, #tpu.memory_space<smem>>
    %broadcast_in_dim3A_173 = vector.broadcast %get3A_172 : i32 to vector<16x1xi32>
    %select_n3A_174 = arith.select %eq3A_170, %broadcast_in_dim3A_173, %select_n3A_160 : vector<16x1xi1>, vector<16x1xi32>
    %eq3A_175 = arith.constant 12 : i32
    %eq3A_176 = vector.broadcast %eq3A_175 : i32 to vector<16x1xi32>
    %eq3A_177 = arith.cmpi eq, %iota3A, %eq3A_176 : vector<16x1xi32>
    %get3A_178 = arith.constant 13 : index
    %get3A_179 = memref.load %arg1[%get3A_178] : memref<32xi32, #tpu.memory_space<smem>>
    %broadcast_in_dim3A_180 = vector.broadcast %get3A_179 : i32 to vector<16x1xi32>
    %select_n3A_181 = arith.select %eq3A_177, %broadcast_in_dim3A_180, %select_n3A_167 : vector<16x1xi1>, vector<16x1xi32>
    %eq3A_182 = arith.constant 13 : i32
    %eq3A_183 = vector.broadcast %eq3A_182 : i32 to vector<16x1xi32>
    %eq3A_184 = arith.cmpi eq, %iota3A, %eq3A_183 : vector<16x1xi32>
    %get3A_185 = arith.constant 13 : index
    %get3A_186 = memref.load %arg1[%get3A_185] : memref<32xi32, #tpu.memory_space<smem>>
    %broadcast_in_dim3A_187 = vector.broadcast %get3A_186 : i32 to vector<16x1xi32>
    %select_n3A_188 = arith.select %eq3A_184, %broadcast_in_dim3A_187, %select_n3A_174 : vector<16x1xi1>, vector<16x1xi32>
    %eq3A_189 = arith.constant 13 : i32
    %eq3A_190 = vector.broadcast %eq3A_189 : i32 to vector<16x1xi32>
    %eq3A_191 = arith.cmpi eq, %iota3A, %eq3A_190 : vector<16x1xi32>
    %get3A_192 = arith.constant 14 : index
    %get3A_193 = memref.load %arg1[%get3A_192] : memref<32xi32, #tpu.memory_space<smem>>
    %broadcast_in_dim3A_194 = vector.broadcast %get3A_193 : i32 to vector<16x1xi32>
    %select_n3A_195 = arith.select %eq3A_191, %broadcast_in_dim3A_194, %select_n3A_181 : vector<16x1xi1>, vector<16x1xi32>
    %eq3A_196 = arith.constant 14 : i32
    %eq3A_197 = vector.broadcast %eq3A_196 : i32 to vector<16x1xi32>
    %eq3A_198 = arith.cmpi eq, %iota3A, %eq3A_197 : vector<16x1xi32>
    %get3A_199 = arith.constant 14 : index
    %get3A_200 = memref.load %arg1[%get3A_199] : memref<32xi32, #tpu.memory_space<smem>>
    %broadcast_in_dim3A_201 = vector.broadcast %get3A_200 : i32 to vector<16x1xi32>
    %select_n3A_202 = arith.select %eq3A_198, %broadcast_in_dim3A_201, %select_n3A_188 : vector<16x1xi1>, vector<16x1xi32>
    %eq3A_203 = arith.constant 14 : i32
    %eq3A_204 = vector.broadcast %eq3A_203 : i32 to vector<16x1xi32>
    %eq3A_205 = arith.cmpi eq, %iota3A, %eq3A_204 : vector<16x1xi32>
    %get3A_206 = arith.constant 15 : index
    %get3A_207 = memref.load %arg1[%get3A_206] : memref<32xi32, #tpu.memory_space<smem>>
    %broadcast_in_dim3A_208 = vector.broadcast %get3A_207 : i32 to vector<16x1xi32>
    %select_n3A_209 = arith.select %eq3A_205, %broadcast_in_dim3A_208, %select_n3A_195 : vector<16x1xi1>, vector<16x1xi32>
    %eq3A_210 = arith.constant 15 : i32
    %eq3A_211 = vector.broadcast %eq3A_210 : i32 to vector<16x1xi32>
    %eq3A_212 = arith.cmpi eq, %iota3A, %eq3A_211 : vector<16x1xi32>
    %get3A_213 = arith.constant 15 : index
    %get3A_214 = memref.load %arg1[%get3A_213] : memref<32xi32, #tpu.memory_space<smem>>
    %broadcast_in_dim3A_215 = vector.broadcast %get3A_214 : i32 to vector<16x1xi32>
    %select_n3A_216 = arith.select %eq3A_212, %broadcast_in_dim3A_215, %select_n3A_202 : vector<16x1xi1>, vector<16x1xi32>
    %eq3A_217 = arith.constant 15 : i32
    %eq3A_218 = vector.broadcast %eq3A_217 : i32 to vector<16x1xi32>
    %eq3A_219 = arith.cmpi eq, %iota3A, %eq3A_218 : vector<16x1xi32>
    %get3A_220 = arith.constant 16 : index
    %get3A_221 = memref.load %arg1[%get3A_220] : memref<32xi32, #tpu.memory_space<smem>>
    %broadcast_in_dim3A_222 = vector.broadcast %get3A_221 : i32 to vector<16x1xi32>
    %select_n3A_223 = arith.select %eq3A_219, %broadcast_in_dim3A_222, %select_n3A_209 : vector<16x1xi1>, vector<16x1xi32>
    %iota3A_224 = tpu.iota {dimensions = array<i32: 1>} : vector<16x16384xi32>
    %add3A = arith.constant 16384 : i32
    %add3A_225 = vector.broadcast %add3A : i32 to vector<16x16384xi32>
    %add3A_226 = arith.addi %iota3A_224, %add3A_225 : vector<16x16384xi32>
    %ge3A = vector.broadcast %select_n3A_216 : vector<16x1xi32> to vector<16x16384xi32>
    %ge3A_227 = arith.cmpi sge, %add3A_226, %ge3A : vector<16x16384xi32>
    %lt3A = vector.broadcast %select_n3A_223 : vector<16x1xi32> to vector<16x16384xi32>
    %lt3A_228 = arith.cmpi slt, %add3A_226, %lt3A : vector<16x16384xi32>
    %and3A = arith.andi %ge3A_227, %lt3A_228 : vector<16x16384xi1>
    %convert_element_type3A = arith.extui %and3A : vector<16x16384xi1> to vector<16x16384xi32>
    %convert_element_type3A_229 = arith.sitofp %convert_element_type3A : vector<16x16384xi32> to vector<16x16384xf32>
    %get3A_230 = arith.constant 0 : index
    %get3A_231 = arith.constant 0 : index
    %get3A_232 = vector.load %arg2[%get3A_230, %get3A_231] : memref<16384x128xf32, #tpu.memory_space<vmem>>, vector<16384x128xf32>
    %dot_general3A = arith.constant dense<0.000000e+00> : vector<16x128xf32>
    %dot_general3A_233 = tpu.matmul %convert_element_type3A_229, %get3A_232, %dot_general3A {dimension_numbers = #tpu.dot_dimension_numbers<[1], [0], [0], [1], [0, 0, 1, 1], [], []>, transpose_lhs_hint = false} : vector<16x16384xf32>, vector<16384x128xf32>, vector<16x128xf32> -> vector<16x128xf32>
    %swap3A = arith.constant 0 : index
    %swap3A_234 = arith.constant 0 : index
    %swap3A_235 = vector.load %arg3[%swap3A, %swap3A_234] : memref<16x128xf32, #tpu.memory_space<vmem>>, vector<16x128xf32>
    tpu.vector_store %arg3[%swap3A, %swap3A_234], %dot_general3A_233 {strides = array<i32>} : memref<16x128xf32, #tpu.memory_space<vmem>>, vector<16x128xf32>,
    return
  }
  func.func @transform_0(%arg0: i32) -> i32 {
    %c0_i32 = arith.constant 0 : i32
    %c0_i32_0 = arith.constant 0 : i32
    return %c0_i32 : i32
  }
  func.func @transform_1(%arg0: i32) -> (i32, i32) {
    %c1_i32 = arith.constant 1 : i32
    %c0_i32 = arith.constant 0 : i32
    %c0_i32_0 = arith.constant 0 : i32
    return %c1_i32, %c0_i32 : i32, i32
  }
  func.func @transform_2(%arg0: i32) -> (i32, i32) {
    %c0_i32 = arith.constant 0 : i32
    %c0_i32_0 = arith.constant 0 : i32
    %c0_i32_1 = arith.constant 0 : i32
    return %c0_i32, %c0_i32_0 : i32, i32
  }
}

</mosaic_0001>

<sc_bundles>
// kernel: kernel.5.cloned.1.call-start
scs
__scs_entry_jumppad:
0x0: {  	(pc) =	sbr.rel $0x88, $3  }
0x1: {  	(tag) =	ssettag $0x0;
	lr =	simm.s32 $0x1  }
0x2: {  	[smem:$0x3F9E] =	sst lr;
	_ =	strace $0xD0000000  }
0x3: {  	_ = 	snop  }
0x4: {  	_ = 	snop  }
0x5: {  	_ = 	snop  }
0x6: {  	_ = 	snop  }
0x7: {  	_ = 	snop  }
__scs_overlays_trampoline_lowered:
0x8: {  	[smem:$0x3FAD] =	sst s0  }
0x9: {  	[smem:$0x3FAE] =	sst s1  }
0xa: {  	[smem:$0x3FAF] =	sst s2  }
0xb: {  	[smem:$0x3FB0] =	sst s3  }
0xc: {  	[smem:$0x3FB1] =	sst s4  }
0xd: {  	[smem:$0x3FB2] =	sst s5  }
0xe: {  	[smem:$0x3FB3] =	sst s6  }
0xf: {  	[smem:$0x3FB4] =	sst s7  }
0x10: {  	[smem:$0x3FB5] =	sst s8  }
0x11: {  	[smem:$0x3FB6] =	sst s9;
	s0 =	simm.s32 @!p0 $0x0  }
0x12: {  	s1 =	sld [smem:$0x3F9C];
	s0 =	simm.s32 @p0 $0x1  }
0x13: {  	[smem:$0x3FB7] =	sst s0;
	s0 =	simm.s32 @!p1 $0x0  }
0x14: {  	s2 =	sld [smem:$0x3F9B];
	s0 =	simm.s32 @p1 $0x1  }
0x15: {  	[smem:$0x3FB8] =	sst s0;
	s0 =	simm.s32 @!p2 $0x0  }
0x16: {  	s3 =	sld [smem:$0x3FDB];
	s0 =	simm.s32 @p2 $0x1  }
0x17: {  	s4 =	simm.s32 $0x1BF5;
	[smem:$0x3FBA] =	sst s0  }
0x18: {  	s0 =	sld [smem:$0x3F9D];
	_ =	swait.ge [sflag:s4], $0x0  }
0x19: {  	s7 =	sld [smem:$0x3F9E]  }
0x1a: {  	s8 =	sadd.s32 $0xFFFFE003, lr  }
0x1b: {  	s9 =	sadd.s32 $0xFFFFFEF7, lr;
	s5 =	simm.s32 $0xFFFFFFFF;
	p2 =	slt.u32 s8, $0xFFFFF086  }
0x1c: {  	p1 =	slt.u32 s9, $0xF7A;
	s5 =	simm.s32 @!p2 $0x0  }
0x1d: {  	s5 =	simm.s32 @p1 $0x1;
	p0 =	seq.s32 s7, s2  }
0x1e: {  	s7 =	smul.u32 @!p0 $0xF7A, s2;
	p2 =	seq.s32 @!p0 s5, $0x0  }
0x1f: {  	s9 =	smul.u32 $0xF7A, s1;
	s8 =	simm.s32 @!p0 $0x1BF5;
	p2 =	por !p2, p0  }
0x20: {  	[sflag:s8] =	ssyncset.s32 @!p0 $0xFFFFF086;
	s6 =	sadd.s32 @!p0 s3, s7;
	s7 =	simm.s32 @!p0 $0x108  }
0x21: {  	s3 =	sadd.s32 s3, s9;
	s6 =	sadd.s32 @!p0 $0x88, s6;
	s7 =	simm.s32 @p2 $0x1082  }
0x22: {  	[simem:s7], [sflag:s8] =	dma.local @!p0 [hbm:s6], $0xF7A  }
0x23: {  	s9 =	sor.u32 $0xD0000000, s2;
	s6 =	simm.s32 $0x108;
	_ =	swait.ge @!p0 [sflag:s8], $0x0  }
0x24: {  	s3 =	sadd.s32 $0x88, s3;
	s6 =	simm.s32 @!p1 $0x1082;
	[sflag:s4] =	ssyncset.s32 $0xFFFFF086  }
0x25: {  	[simem:s6], [sflag:s4] =	dma.local [hbm:s3], $0xF7A  }
0x26: {  	[smem:$0x3F9E] =	sst s1;
	(tag) =	ssettag s2;
	_ =	strace s9  }
0x27: {  	s1 =	sld [smem:$0x3FAE]  }
0x28: {  	s2 =	sld [smem:$0x3FAF]  }
0x29: {  	s4 =	sld [smem:$0x3FB1]  }
0x2a: {  	p0 =	seq.s32 s5, $0x0;
	s5 =	sld [smem:$0x3FB2]  }
0x2b: {  	s6 =	sld [smem:$0x3FB3]  }
0x2c: {  	s7 =	sld [smem:$0x3FB4]  }
0x2d: {  	s3 =	simm.s32 $0x108;
	s8 =	sld [smem:$0x3FB5]  }
0x2e: {  	s3 =	simm.s32 @!p0 $0x1082;
	s9 =	sld [smem:$0x3FB6]  }
0x2f: {  	lr =	sadd.s32 s0, s3;
	s0 =	sld [smem:$0x3FAD]  }
0x30: {  	s3 =	sld [smem:$0x3FB0]  }
0x31: {  	[smem:$0x3FB9] =	sst s10  }
0x32: {  	s10 =	sld [smem:$0x3FB7];
	_ =	sdelay $0x3  }
0x33: {  	p0 =	seq.s32 s10, $0x1;
	s10 =	sld [smem:$0x3FB9];
	_ =	sdelay $0x3  }
0x34: {  	[smem:$0x3FB9] =	sst s10  }
0x35: {  	s10 =	sld [smem:$0x3FB8];
	_ =	sdelay $0x3  }
0x36: {  	p1 =	seq.s32 s10, $0x1;
	s10 =	sld [smem:$0x3FB9];
	_ =	sdelay $0x3  }
0x37: {  	[smem:$0x3FB9] =	sst s10  }
0x38: {  	s10 =	sld [smem:$0x3FBA]  }
0x39: {  	_ = 	snop;
	(pc) =	sbr.ind lr, $3  }
0x3a: {  	_ = 	snop  }
0x3b: {  	_ = 	snop  }
0x3c: {  	p2 =	seq.s32 s10, $0x1;
	s10 =	sld [smem:$0x3FB9]  }
0x3d: {  	_ =	shalt  }
0x3e: {  	_ =	shalt  }
0x3f: {  	_ =	shalt  }
0x40: {  	_ =	shalt  }
0x41: {  	_ =	shalt  }
0x42: {  	_ =	shalt  }
0x43: {  	_ =	shalt  }
0x44: {  	_ =	shalt  }
0x45: {  	_ =	shalt  }
0x46: {  	_ =	shalt  }
0x47: {  	_ =	shalt  }
0x48: {  	_ =	shalt  }
0x49: {  	_ =	shalt  }
0x4a: {  	_ =	shalt  }
0x4b: {  	_ =	shalt  }
0x4c: {  	_ =	shalt  }
0x4d: {  	_ =	shalt  }
0x4e: {  	_ =	shalt  }
0x4f: {  	_ =	shalt  }
0x50: {  	_ =	shalt  }
0x51: {  	_ =	shalt  }
0x52: {  	_ =	shalt  }
0x53: {  	_ =	shalt  }
0x54: {  	_ =	shalt  }
0x55: {  	_ =	shalt  }
0x56: {  	_ =	shalt  }
0x57: {  	_ =	shalt  }
0x58: {  	_ =	shalt  }
0x59: {  	_ =	shalt  }
0x5a: {  	_ =	shalt  }
0x5b: {  	_ =	shalt  }
0x5c: {  	_ =	shalt  }
0x5d: {  	_ =	shalt  }
0x5e: {  	_ =	shalt  }
0x5f: {  	_ =	shalt  }
0x60: {  	_ =	shalt  }
0x61: {  	_ =	shalt  }
0x62: {  	_ =	shalt  }
0x63: {  	_ =	shalt  }
0x64: {  	_ =	shalt  }
0x65: {  	_ =	shalt  }
0x66: {  	_ =	shalt  }
0x67: {  	_ =	shalt  }
0x68: {  	_ =	shalt  }
0x69: {  	_ =	shalt  }
0x6a: {  	_ =	shalt  }
0x6b: {  	_ =	shalt  }
0x6c: {  	_ =	shalt  }
0x6d: {  	_ =	shalt  }
0x6e: {  	_ =	shalt  }
0x6f: {  	_ =	shalt  }
0x70: {  	_ =	shalt  }
0x71: {  	_ =	shalt  }
0x72: {  	_ =	shalt  }
0x73: {  	_ =	shalt  }
0x74: {  	_ =	shalt  }
0x75: {  	_ =	shalt  }
0x76: {  	_ =	shalt  }
0x77: {  	_ =	shalt  }
0x78: {  	_ =	shalt  }
0x79: {  	_ =	shalt  }
0x7a: {  	_ =	shalt  }
0x7b: {  	_ =	shalt  }
0x7c: {  	_ =	shalt  }
0x7d: {  	_ =	shalt  }
0x7e: {  	_ =	shalt  }
0x7f: {  	_ =	shalt  }
0x80: {  	_ =	shalt  }
0x81: {  	_ =	shalt  }
0x82: {  	_ =	shalt  }
0x83: {  	_ =	shalt  }
0x84: {  	_ =	shalt  }
0x85: {  	_ =	shalt  }
0x86: {  	_ =	shalt  }
0x87: {  	_ =	shalt  }
.Lfunc_end0:
.L_simem_size_0:
called_computation_lowered:
.L_overlay_start_0:
0x88: {  	s2 =	sld [smem:$0x3FD9]  }
0x89: {  	s3 =	sld [smem:$0x3FFE];
	_ =	sdelay $0x1  }
0x8a: {  	s1 =	srdreg.scid  }
0x8b: {  	s0 =	sand.u32 $0x1, s1  }
0x8c: {  	s17 =	sshll.u32 s0, $0xA;
	s2 =	sadd.s32 s3, s2  }
0x8d: {  	s2 =	sadd.s32 s2, s17  }
0x8e: {  	[smem:$0x3FC5] =	sst s2  }
0x8f: {  	_ = 	snop  }
0x90: {  	s2 =	sld [smem:$0x3FC9];
	(tm) =	ssettm $0x1  }
0x91: {  	s18 =	sld [smem:$0x3FFB];
	_ =	sdelay $0x3  }
0x92: {  	_ =	strace s18  }
0x93: {  	s3 =	sld [smem:$0x3FFC];
	_ =	sdelay $0x3  }
0x94: {  	_ =	strace s3  }
0x95: {  	s3 =	sld [smem:$0x3FFD];
	_ =	sdelay $0x3  }
0x96: {  	_ =	strace s3  }
0x97: {  	_ =	strace $0x8FFFFFFF  }
0x98: {  	s19 =	sld [smem:$0x3FDB];
	_ =	sdelay $0x1  }
0x99: {  	s4 =	simm.s32 $_scs_section_size  }
0x9a: {  	s5 =	simm.s32 $_size__tile_overlayer_lowered;
	s6 =	simm.s32 $_tile_overlayer_lowered  }
0x9b: {  	s22 =	simm.s32 $0x1BFF;
	s21 =	sshll.u32 s6, $0x1;
	s3 =	sadd.s32 s4, s19  }
0x9c: {  	s7 =	simm.s32 $0x0;
	s20 =	sshll.u32 s5, $0x1;
	s5 =	sadd.s32 s21, s3  }
0x9d: {  	[timem:s7], [sflag:s22] =	dma.local [hbm:s5], s20  }
0x9e: {  	_ =	swait.ge [sflag:s22], s20  }
0x9f: {  	s4 =	ssub.s32 $0x0, s20;
	[sflag:s22] =	ssyncset.done $0x0  }
0xa0: {  	[sflag:s22] =	ssyncadd.s32 s4;
	_ =	sdelay $0x1  }
0xa1: {  	s23 =	simm.s32 $0x1B8B  }
0xa2: {  	_ =	swait.ge [sflag:s23], $0x1  }
0xa3: {  	[sflag:s23] =	ssyncset.done $0x0  }
0xa4: {  	s25 =	simm.s32 $0x1B8E;
	s24 =	sld [smem:$0x3FFE];
	[sflag:s23] =	ssyncadd.s32 $0xFFFFFFFF  }
0xa5: {  	s26 =	simm.s32 $execute0_lowered;
	[smem:$0x3FD2] =	sst s25  }
0xa6: {  	s5 =	sshll.u32 s26, $0x1;
	_ =	strace $0x80000046;
	[dreg:$0x1] =	wrdreg $0xFFFFFFFF  }
0xa7: {  	s28 =	simm.s32 $_size_execute0_lowered;
	s3 =	sadd.s32 s3, s5;
	[dreg:$0x0] =	wrdreg $0x0  }
0xa8: {  	s5 =	sshll.u32 s28, $0x1;
	[dreg:$0x2] =	wrdreg s3  }
0xa9: {  	[dreg:$0x3] =	wrdreg s5  }
0xaa: {  	[dreg:$0x4] =	wrdreg $0xC0  }
0xab: {  	_ =	task [dreg:s7], $0x5FFFF  }
0xac: {  	[dreg:$0x1] =	wrdreg $0xFFFFFFFF  }
0xad: {  	[dreg:$0x0] =	wrdreg $0x60  }
0xae: {  	[dreg:$0x2] =	wrdreg s2  }
0xaf: {  	[dreg:$0x3] =	wrdreg s24  }
0xb0: {  	[dreg:$0x4] =	wrdreg $0x109800  }
0xb1: {  	[dreg:$0x5] =	wrdreg $0x9  }
0xb2: {  	_ =	task.clear_ibuf [dreg:s7], $0x6FFFF;
	_ =	strace $0x90000046  }
0xb3: {  	s29 =	simm.s32 $0x9;
	_ =	strace $0x80000048  }
0xb4: {  	_ =	swait.ge [sflag:s29], $0x1  }
0xb5: {  	[sflag:s29] =	ssyncadd.s32 $0xFFFFFFFF  }
0xb6: {  	_ =	strace $0x90000048  }
0xb7: {  	_ =	sfence  }
0xb8: {  	s30 =	sld [smem:$0x0];
	_ =	sdelay $0x2  }
0xb9: {  	s31 =	sshll.u32 s1, $0xD;
	s1 =	sshrl.u32 s1, $0x2  }
0xba: {  	s3 =	sand.u32 $0x4000, s31;
	s1 =	sadd.s32 s1, s30  }
0xbb: {  	s0 =	sor.u32 s3, s0;
	s1 =	sshll.u32 s1, $0x11  }
0xbc: {  	s0 =	sor.u32 s1, s0  }
0xbd: {  	s0 =	sadd.s32 $0x8F2B, s0  }
0xbe: {  	[sflag:s0] =	ssyncadd.remote.s32 $0x1  }
0xbf: {  	_ =	sfence.sel $0xFFFF  }
0xc0: {  	[dreg:$0x0] =	wrdreg $0xFFFFFFFF;
	(pc) =	sbr.abs _section_cstart, $3  }
0xc1: {  	[dreg:$0x1] =	wrdreg $0xFFFFFFFF  }
0xc2: {  	_ =	task.clear_ibuf [dreg:s7], $0x2FFFF;
	_ =	strace $0x9FFFFFFF  }
0xc3: {  	(tm) =	ssettm $0x7FFFFFFF  }
tec
execute0_lowered:
.L_overlay_start_1:
0x0: {  	(tag) =	ssettag $0x1  }
0x1: {  	s7 =	rddreg [dreg:$0x0]  }
0x2: {  	s5 =	rddreg [dreg:$0x1]  }
0x3: {  	s1 =	rddreg [dreg:$0x2]  }
0x4: {  	s0 =	rddreg [dreg:$0x3];
	s2 =	simm.s32 $0x0;
	s3 =	srdreg.scid  }
0x5: {  	s10 =	stileid.u32;
	s13 =	simm.s32 $0x1;
	s14 =	simm.s32 $0x80  }
0x6: {  	s15 =	simm.s32 $0x10880;
	s16 =	simm.s32 $0x10900;
	s17 =	simm.s32 $0x4000  }
0x7: {  	s18 =	simm.s32 $0x2;
	s19 =	simm.s32 $0xC000;
	s21 =	simm.s32 $0x0  }
0x8: {  	[smem:$0x7FF] =	sst s2;
	s6 =	sand.u32 $0x1, s3;
	s8 =	sshll.u32 s10, $0x9  }
0x9: {  	s3 =	sadd.s32 $0xE00, s5;
	p0 =	sne.s32 s10, $0x0;
	s10 =	simm.s32 $0x8000  }
0xa: {  	vm1 =	vcmask $0x70C;
	vm2 =	vcmask $0xB10;
	_ =	strace $0x80000047;
	s4 =	sshll.u32 s6, $0xD;
	s9 =	sshll.u32 s6, $0x8  }
0xb: {  	vm3 =	vcmask $0xF14;
	vm4 =	vcmask $0x1318;
	vm5 =	vcmask $0x171C;
	s6 =	ssub.s32 $0x2, s6;
	s20 =	sshrl.u32 @!p0 s1, $0x3;
	s4 =	sor.u32 s8, s4  }
0xc: {  	vm6 =	vcmask $0x1B20;
	vm7 =	vcmask $0x1F24;
	vm8 =	vcmask $0x2328;
	s30 =	sadd.s32 s9, s5;
	s31 =	sshrl.u32 s6, $0x1;
	s5 =	sor.u32 $0x100, s4  }
0xd: {  	vm9 =	vcmask $0x272C;
	vm10 =	vcmask $0x2B30;
	vm11 =	vcmask $0x2F34;
	s11 =	sshll.u32 s4, $0x4;
	s9 =	ssub.s32 s6, s31;
	s8 =	sadd.s32 $0x1000, s30  }
0xe: {  	vm12 =	vcmask $0x3338;
	vm13 =	vcmask $0x373C;
	vm14 =	vmmov $0x7fff;
	s12 =	sshll.u32 s5, $0x4;
	s6 =	sadd.s32 s7, s11;
	s9 =	smax.u32 s9, $0x1  }
0xf: {  	v0 =	vimm.f32 $0.0e+00;
	v1 =	vlaneseq.u32;
	v2 =	vimm.s32 $0x0;
	s11 =	simm.s32 $0x10800;
	s7 =	sadd.s32 s7, s12;
	s12 =	simm.s32 $0x3  }
.LBB2_1:
0x10: {  	[tilespmem:s2], [sflag:$0x1] =	stream.linear.gather [hbm4b:s6+s2], $0x8000, $0x38;
	[tilespmem:$0x10A00] =	vst v63  }
0x11: {  	_ = 	snop  }
0x12: {  	[tilespmem:s10], [sflag:$0x2] =	stream.linear.gather [hbm4b:s7+s2], $0x8000, $0x38;
	[tilespmem:$0x10A00] =	vst v63  }
0x13: {  	_ = 	snop  }
0x14: {  	[tilespmem:s11], [sflag:$0x3] =	stream.linear.gather [hbm4b:s3+s2], $0x80, $0x38;
	[tilespmem:$0x10A00] =	vst v63  }
0x15: {  	_ =	swait.ge [sflag:s12], $0x80  }
0x16: {  	[sflag:s12] =	ssyncset.done $0x0  }
0x17: {  	[sflag:s12] =	ssyncadd.s32 $0xFFFFFF80  }
0x18: {  	[tilespmem:$0x10000] =	vst v0  }
0x19: {  	[tilespmem:$0x10080] =	vst v0  }
0x1a: {  	[tilespmem:$0x10100] =	vst v0  }
0x1b: {  	[tilespmem:$0x10180] =	vst v0  }
0x1c: {  	[tilespmem:$0x10200] =	vst v0  }
0x1d: {  	[tilespmem:$0x10280] =	vst v0  }
0x1e: {  	[tilespmem:$0x10300] =	vst v0  }
0x1f: {  	[tilespmem:$0x10380] =	vst v0  }
0x20: {  	[tilespmem:$0x10400] =	vst v0  }
0x21: {  	[tilespmem:$0x10480] =	vst v0  }
0x22: {  	[tilespmem:$0x10500] =	vst v0  }
0x23: {  	[tilespmem:$0x10580] =	vst v0  }
0x24: {  	[tilespmem:$0x10600] =	vst v0  }
0x25: {  	[tilespmem:$0x10680] =	vst v0  }
0x26: {  	[tilespmem:$0x10700] =	vst v0  }
0x27: {  	[tilespmem:$0x10780] =	vst v0  }
0x28: {  	[tilespmem:$0x10010] =	vst v0  }
0x29: {  	[tilespmem:$0x10090] =	vst v0  }
0x2a: {  	[tilespmem:$0x10110] =	vst v0  }
0x2b: {  	[tilespmem:$0x10190] =	vst v0  }
0x2c: {  	[tilespmem:$0x10210] =	vst v0  }
0x2d: {  	[tilespmem:$0x10290] =	vst v0  }
0x2e: {  	[tilespmem:$0x10310] =	vst v0  }
0x2f: {  	[tilespmem:$0x10390] =	vst v0  }
0x30: {  	[tilespmem:$0x10410] =	vst v0  }
0x31: {  	[tilespmem:$0x10490] =	vst v0  }
0x32: {  	[tilespmem:$0x10510] =	vst v0  }
0x33: {  	[tilespmem:$0x10590] =	vst v0  }
0x34: {  	[tilespmem:$0x10610] =	vst v0  }
0x35: {  	[tilespmem:$0x10690] =	vst v0  }
0x36: {  	[tilespmem:$0x10710] =	vst v0  }
0x37: {  	[tilespmem:$0x10790] =	vst v0  }
0x38: {  	[tilespmem:$0x10020] =	vst v0  }
0x39: {  	[tilespmem:$0x100A0] =	vst v0  }
0x3a: {  	[tilespmem:$0x10120] =	vst v0  }
0x3b: {  	[tilespmem:$0x101A0] =	vst v0  }
0x3c: {  	[tilespmem:$0x10220] =	vst v0  }
0x3d: {  	[tilespmem:$0x102A0] =	vst v0  }
0x3e: {  	[tilespmem:$0x10320] =	vst v0  }
0x3f: {  	[tilespmem:$0x103A0] =	vst v0  }
0x40: {  	[tilespmem:$0x10420] =	vst v0  }
0x41: {  	[tilespmem:$0x104A0] =	vst v0  }
0x42: {  	[tilespmem:$0x10520] =	vst v0  }
0x43: {  	[tilespmem:$0x105A0] =	vst v0  }
0x44: {  	[tilespmem:$0x10620] =	vst v0  }
0x45: {  	[tilespmem:$0x106A0] =	vst v0  }
0x46: {  	[tilespmem:$0x10720] =	vst v0  }
0x47: {  	[tilespmem:$0x107A0] =	vst v0  }
0x48: {  	[tilespmem:$0x10030] =	vst v0  }
0x49: {  	[tilespmem:$0x100B0] =	vst v0  }
0x4a: {  	[tilespmem:$0x10130] =	vst v0  }
0x4b: {  	[tilespmem:$0x101B0] =	vst v0  }
0x4c: {  	[tilespmem:$0x10230] =	vst v0  }
0x4d: {  	[tilespmem:$0x102B0] =	vst v0  }
0x4e: {  	[tilespmem:$0x10330] =	vst v0  }
0x4f: {  	[tilespmem:$0x103B0] =	vst v0  }
0x50: {  	[tilespmem:$0x10430] =	vst v0  }
0x51: {  	[tilespmem:$0x104B0] =	vst v0  }
0x52: {  	[tilespmem:$0x10530] =	vst v0  }
0x53: {  	[tilespmem:$0x105B0] =	vst v0  }
0x54: {  	[tilespmem:$0x10630] =	vst v0  }
0x55: {  	[tilespmem:$0x106B0] =	vst v0  }
0x56: {  	[tilespmem:$0x10730] =	vst v0  }
0x57: {  	[tilespmem:$0x107B0] =	vst v0  }
0x58: {  	[tilespmem:$0x10040] =	vst v0  }
0x59: {  	[tilespmem:$0x100C0] =	vst v0  }
0x5a: {  	[tilespmem:$0x10140] =	vst v0  }
0x5b: {  	[tilespmem:$0x101C0] =	vst v0  }
0x5c: {  	[tilespmem:$0x10240] =	vst v0  }
0x5d: {  	[tilespmem:$0x102C0] =	vst v0  }
0x5e: {  	[tilespmem:$0x10340] =	vst v0  }
0x5f: {  	[tilespmem:$0x103C0] =	vst v0  }
0x60: {  	[tilespmem:$0x10440] =	vst v0  }
0x61: {  	[tilespmem:$0x104C0] =	vst v0  }
0x62: {  	[tilespmem:$0x10540] =	vst v0  }
0x63: {  	[tilespmem:$0x105C0] =	vst v0  }
0x64: {  	[tilespmem:$0x10640] =	vst v0  }
0x65: {  	[tilespmem:$0x106C0] =	vst v0  }
0x66: {  	[tilespmem:$0x10740] =	vst v0  }
0x67: {  	[tilespmem:$0x107C0] =	vst v0  }
0x68: {  	[tilespmem:$0x10050] =	vst v0  }
0x69: {  	[tilespmem:$0x100D0] =	vst v0  }
0x6a: {  	[tilespmem:$0x10150] =	vst v0  }
0x6b: {  	[tilespmem:$0x101D0] =	vst v0  }
0x6c: {  	[tilespmem:$0x10250] =	vst v0  }
0x6d: {  	[tilespmem:$0x102D0] =	vst v0  }
0x6e: {  	[tilespmem:$0x10350] =	vst v0  }
0x6f: {  	[tilespmem:$0x103D0] =	vst v0  }
0x70: {  	[tilespmem:$0x10450] =	vst v0  }
0x71: {  	[tilespmem:$0x104D0] =	vst v0  }
0x72: {  	[tilespmem:$0x10550] =	vst v0  }
0x73: {  	[tilespmem:$0x105D0] =	vst v0  }
0x74: {  	[tilespmem:$0x10650] =	vst v0  }
0x75: {  	[tilespmem:$0x106D0] =	vst v0  }
0x76: {  	[tilespmem:$0x10750] =	vst v0  }
0x77: {  	[tilespmem:$0x107D0] =	vst v0  }
0x78: {  	[tilespmem:$0x10060] =	vst v0;
	v3 =	vld [tilespmem:$0x10800]  }
0x79: {  	[tilespmem:$0x100E0] =	vst v0  }
0x7a: {  	[tilespmem:$0x10160] =	vst v0  }
0x7b: {  	[tilespmem:$0x101E0] =	vst v0  }
0x7c: {  	vm0 =	vcmask $0x308;
	[tilespmem:$0x10260] =	vst v0  }
0x7d: {  	[tilespmem:$0x102E0] =	vst v0;
	v4 =	vsel vm0, $0x0, v3  }
0x7e: {  	[tilespmem:$0x10360] =	vst v0;
	(xrf0) =	vadd.scan.msk.s32 $0xffff, v4;
	v4 =	vsel vm1, $0x0, v3  }
0x7f: {  	[tilespmem:$0x103E0] =	vst v0;
	(xrf0) =	vadd.scan.msk.s32 $0xffff, v4;
	v4 =	vsel vm2, $0x0, v3  }
0x80: {  	[tilespmem:$0x10460] =	vst v0;
	(xrf0) =	vadd.scan.msk.s32 $0xffff, v4;
	v4 =	vsel vm3, $0x0, v3  }
0x81: {  	[tilespmem:$0x104E0] =	vst v0;
	(xrf0) =	vadd.scan.msk.s32 $0xffff, v4;
	v4 =	vsel vm4, $0x0, v3  }
0x82: {  	[tilespmem:$0x10560] =	vst v0;
	(xrf0) =	vadd.scan.msk.s32 $0xffff, v4;
	v4 =	vsel vm5, $0x0, v3  }
0x83: {  	[tilespmem:$0x105E0] =	vst v0;
	(xrf0) =	vadd.scan.msk.s32 $0xffff, v4;
	v4 =	vsel vm6, $0x0, v3  }
0x84: {  	[tilespmem:$0x10660] =	vst v0;
	v5, _, _ =	vpop (xrf0);
	(xrf0) =	vadd.scan.msk.s32 $0xffff, v4;
	v4 =	vsel vm7, $0x0, v3  }
0x85: {  	[tilespmem:$0x106E0] =	vst v0;
	v6, _, _ =	vpop (xrf0);
	(xrf0) =	vadd.scan.msk.s32 $0xffff, v4;
	v4 =	vsel vm8, $0x0, v3  }
0x86: {  	[tilespmem:$0x10760] =	vst v0;
	v7, _, _ =	vpop (xrf0);
	(xrf0) =	vadd.scan.msk.s32 $0xffff, v4;
	v4 =	vsel vm9, $0x0, v3  }
0x87: {  	[tilespmem:$0x107E0] =	vst v0;
	v8, _, _ =	vpop (xrf0);
	(xrf0) =	vadd.scan.msk.s32 $0xffff, v4;
	v4 =	vsel vm10, $0x0, v3  }
0x88: {  	[tilespmem:$0x10070] =	vst v0;
	v9, _, _ =	vpop (xrf0);
	(xrf0) =	vadd.scan.msk.s32 $0xffff, v4;
	v4 =	vsel vm11, $0x0, v3  }
0x89: {  	[tilespmem:$0x100F0] =	vst v0;
	v10, _, _ =	vpop (xrf0);
	(xrf0) =	vadd.scan.msk.s32 $0xffff, v4;
	v4 =	vsel vm12, $0x0, v3  }
0x8a: {  	[tilespmem:$0x10170] =	vst v0;
	v11, _, _ =	vpop (xrf0);
	(xrf0) =	vadd.scan.msk.s32 $0xffff, v4;
	v4 =	vsel vm13, $0x0, v3  }
0x8b: {  	[tilespmem:$0x101F0] =	vst v0;
	v3 =	vsel vm14, $0x0, v3  }
0x8c: {  	[tilespmem:$0x10270] =	vst v0;
	v14 =	vbroadcast v5, $0xF;
	v18, _, _ =	vpop (xrf0);
	(xrf0) =	vadd.scan.msk.s32 $0xffff, v4  }
0x8d: {  	[tilespmem:$0x102F0] =	vst v0;
	v17 =	vbroadcast v6, $0xF;
	v15 =	vbroadcast v7, $0xF;
	v4, _, _ =	vpop (xrf0);
	(xrf0) =	vadd.scan.msk.s32 $0xffff, v3  }
0x8e: {  	[tilespmem:$0x10370] =	vst v0;
	v16 =	vbroadcast v8, $0xF;
	v12 =	vbroadcast v9, $0xF;
	v3, _, _ =	vpop (xrf0)  }
0x8f: {  	[tilespmem:$0x103F0] =	vst v0;
	v13 =	vbroadcast v10, $0xF;
	v10 =	vbroadcast v11, $0xF;
	v5, _, _ =	vpop (xrf0)  }
0x90: {  	s22 =	sadd.s32 $0x0, s4;
	[tilespmem:$0x10470] =	vst v0;
	v11 =	vbroadcast v18, $0xF;
	v7 =	vbroadcast v4, $0xF;
	v6, _, _ =	vpop (xrf0)  }
0x91: {  	v20 =	vor.u32 s22, v1;
	[tilespmem:$0x104F0] =	vst v0;
	v9 =	vbroadcast v3, $0xF;
	v5 =	vbroadcast v5, $0xF;
	v4, _, _ =	vpop (xrf0)  }
0x92: {  	[tilespmem:$0x10570] =	vst v0;
	vm15 =	vge.s32 v20, v14;
	v8 =	vbroadcast v6, $0xF;
	v18, _, _ =	vpop (xrf0);
	v3 =	vbroadcast v4, $0xF  }
0x93: {  	[tilespmem:$0x105F0] =	vst v0;
	v4, _, _ =	vpop (xrf0);
	v6 =	vbroadcast v18, $0xF;
	v18 =	vsel vm15, $0x1, v2;
	vm15 =	vge.s32 v20, v17  }
0x94: {  	[tilespmem:$0x10670] =	vst v0;
	v4 =	vbroadcast v4, $0xF;
	v19 =	vsel vm15, $0x1, v2;
	vm15 =	vge.s32 v20, v15  }
0x95: {  	[tilespmem:$0x106F0] =	vst v0;
	v18 =	vadd.s32 v19, v18;
	v19 =	vsel vm15, $0x1, v2;
	vm15 =	vge.s32 v20, v16  }
0x96: {  	[tilespmem:$0x10770] =	vst v0;
	v18 =	vadd.s32 v19, v18;
	v19 =	vsel vm15, $0x1, v2;
	vm15 =	vge.s32 v20, v12  }
0x97: {  	s22 =	simm.s32 @!p0 $0x10000;
	[tilespmem:$0x107F0] =	vst v0;
	v18 =	vadd.s32 v19, v18;
	v19 =	vsel vm15, $0x1, v2;
	vm15 =	vge.s32 v20, v13  }
0x98: {  	[spmem:s1] =	stream.linear.scatter @!p0 [tilespmem:s22], [sflag:$0x3], $0x800, $0x38;
	v18 =	vadd.s32 v19, v18;
	v19 =	vsel vm15, $0x1, v2;
	vm15 =	vge.s32 v20, v10;
	[tilespmem:$0x10A00] =	vst v63  }
0x99: {  	s22 =	simm.s32 @!p0 $0x3;
	v18 =	vadd.s32 v19, v18;
	v19 =	vsel vm15, $0x1, v2;
	vm15 =	vge.s32 v20, v11  }
0x9a: {  	_ =	swait.ge @!p0 [sflag:s22], $0x800;
	v18 =	vadd.s32 v19, v18;
	v19 =	vsel vm15, $0x1, v2;
	vm15 =	vge.s32 v20, v7  }
0x9b: {  	[sflag:s22] =	ssyncset.done @!p0 $0x0;
	v18 =	vadd.s32 v19, v18;
	v19 =	vsel vm15, $0x1, v2;
	vm15 =	vge.s32 v20, v9  }
0x9c: {  	[sflag:s22] =	ssyncadd.s32 @!p0 $0xFFFFF800;
	v18 =	vadd.s32 v19, v18;
	v19 =	vsel vm15, $0x1, v2;
	vm15 =	vge.s32 v20, v5  }
0x9d: {  	[bflag:$0x0] =	sbarrier.arrive $0xFFFF;
	v18 =	vadd.s32 v19, v18;
	v19 =	vsel vm15, $0x1, v2;
	vm15 =	vge.s32 v20, v8  }
0x9e: {  	s23 =	simm.s32 $0x40;
	s28 =	sadd.s32 $0x10, s4;
	_ =	swait.ge [sflag:s13], $0x8000;
	v18 =	vadd.s32 v19, v18;
	v19 =	vsel vm15, $0x1, v2;
	vm15 =	vge.s32 v20, v3  }
0x9f: {  	s25 =	simm.s32 $0x80;
	s26 =	sand.u32 $0x200, s2;
	[sflag:s13] =	ssyncset.done $0x0;
	v18 =	vadd.s32 v19, v18;
	v19 =	vsel vm15, $0x1, v2;
	vm15 =	vge.s32 v20, v6  }
0xa0: {  	s24 =	simm.s32 $0x0;
	s22 =	simm.s32 $0x10;
	[sflag:s13] =	ssyncadd.s32 $0xFFFF8000;
	v18 =	vadd.s32 v19, v18;
	v19 =	vsel vm15, $0x1, v2;
	vm15 =	vge.s32 v20, v4  }
.LBB2_2:
0xa1: {  	p1 =	sne.s32 s25, $0x3C0;
	v20 =	vor.u32 s28, v1;
	v18 =	vadd.s32 v19, v18;
	v19 =	vsel vm15, $0x1, v2;
	s24 =	sand.u32 $0x70, s24;
	s26 =	sshrl.u32 s26, $0x2  }
0xa2: {  	s29 =	smov.u32 s23;
	vm15 =	vge.s32 v20, v14;
	vm0 =	vge.s32 v20, v17;
	v18 =	vadd.s32 v19, v18;
	s26 =	sor.u32 s24, s26;
	s24 =	smov.u32 s22  }
0xa3: {  	s23 =	smov.u32 s25;
	v19 =	vsel vm15, $0x1, v2;
	v21 =	vsel vm0, $0x1, v2;
	vm0 =	vge.s32 v20, v15;
	[tilespmem:s26+$0x10880] =	vst v18  }
0xa4: {  	v18 =	vadd.s32 v21, v19;
	v19 =	vsel vm0, $0x1, v2;
	vm0 =	vge.s32 v20, v16  }
0xa5: {  	v18 =	vadd.s32 v19, v18;
	v19 =	vsel vm0, $0x1, v2;
	vm0 =	vge.s32 v20, v12  }
0xa6: {  	v18 =	vadd.s32 v19, v18;
	v19 =	vsel vm0, $0x1, v2;
	vm0 =	vge.s32 v20, v13  }
0xa7: {  	v18 =	vadd.s32 v19, v18;
	v19 =	vsel vm0, $0x1, v2;
	vm0 =	vge.s32 v20, v10  }
0xa8: {  	v18 =	vadd.s32 v19, v18;
	v19 =	vsel vm0, $0x1, v2;
	vm0 =	vge.s32 v20, v11  }
0xa9: {  	v18 =	vadd.s32 v19, v18;
	v19 =	vsel vm0, $0x1, v2;
	vm0 =	vge.s32 v20, v7  }
0xaa: {  	v18 =	vadd.s32 v19, v18;
	v19 =	vsel vm0, $0x1, v2;
	vm0 =	vge.s32 v20, v9  }
.Ltmp0:
0xab: {  	v18 =	vadd.s32 v19, v18;
	v19 =	vsel vm0, $0x1, v2;
	vm0 =	vge.s32 v20, v5;
	(pc) =	sbr.rel @p1 .LBB2_2-.Ltmp0, $4  }
0xac: {  	v18 =	vadd.s32 v19, v18;
	v19 =	vsel vm0, $0x1, v2;
	vm0 =	vge.s32 v20, v8  }
0xad: {  	v18 =	vadd.s32 v19, v18;
	v19 =	vsel vm0, $0x1, v2;
	vm0 =	vge.s32 v20, v3  }
0xae: {  	s22 =	sadd.s32 $0x10, s22;
	v18 =	vadd.s32 v19, v18;
	v19 =	vsel vm0, $0x1, v2;
	vm0 =	vge.s32 v20, v6  }
0xaf: {  	s25 =	sadd.s32 $0x40, s25;
	s28 =	sadd.s32 s22, s4;
	vm15 =	vge.s32 v20, v4;
	s26 =	sand.u32 $0x200, s29;
	v18 =	vadd.s32 v19, v18;
	v19 =	vsel vm0, $0x1, v2  }
0xb0: {  	v20 =	vor.u32 s28, v1;
	v18 =	vadd.s32 v19, v18;
	v19 =	vsel vm15, $0x1, v2  }
0xb1: {  	vm0 =	vge.s32 v20, v14;
	vm15 =	vge.s32 v20, v17;
	v18 =	vadd.s32 v19, v18  }
0xb2: {  	v19 =	vsel vm0, $0x1, v2;
	v21 =	vsel vm15, $0x1, v2;
	vm0 =	vge.s32 v20, v15  }
0xb3: {  	v19 =	vadd.s32 v21, v19;
	v51 =	vsel vm0, $0x1, v2;
	vm0 =	vge.s32 v20, v16  }
0xb4: {  	v19 =	vadd.s32 v51, v19;
	v52 =	vsel vm0, $0x1, v2;
	vm0 =	vge.s32 v20, v12  }
0xb5: {  	v19 =	vadd.s32 v52, v19;
	v53 =	vsel vm0, $0x1, v2;
	vm0 =	vge.s32 v20, v13  }
0xb6: {  	v19 =	vadd.s32 v53, v19;
	v54 =	vsel vm0, $0x1, v2;
	vm0 =	vge.s32 v20, v10  }
0xb7: {  	v19 =	vadd.s32 v54, v19;
	v55 =	vsel vm0, $0x1, v2;
	vm0 =	vge.s32 v20, v11  }
0xb8: {  	v19 =	vadd.s32 v55, v19;
	v56 =	vsel vm0, $0x1, v2;
	vm0 =	vge.s32 v20, v7  }
0xb9: {  	v19 =	vadd.s32 v56, v19;
	v57 =	vsel vm0, $0x1, v2;
	vm0 =	vge.s32 v20, v9  }
0xba: {  	v19 =	vadd.s32 v57, v19;
	v58 =	vsel vm0, $0x1, v2;
	vm0 =	vge.s32 v20, v5  }
0xbb: {  	v19 =	vadd.s32 v58, v19;
	v59 =	vsel vm0, $0x1, v2;
	vm0 =	vge.s32 v20, v8  }
0xbc: {  	v19 =	vadd.s32 v59, v19;
	v60 =	vsel vm0, $0x1, v2;
	vm0 =	vge.s32 v20, v3  }
0xbd: {  	s24 =	sand.u32 $0x70, s24;
	v19 =	vadd.s32 v60, v19;
	v61 =	vsel vm0, $0x1, v2;
	vm0 =	vge.s32 v20, v6  }
0xbe: {  	s25 =	sshrl.u32 s26, $0x2;
	s23 =	sand.u32 $0x200, s23;
	s31 =	sadd.s32 $0x0, s5;
	v19 =	vadd.s32 v61, v19;
	v62 =	vsel vm0, $0x1, v2;
	vm0 =	vge.s32 v20, v4  }
0xbf: {  	s22 =	sand.u32 $0x70, s22;
	s24 =	sor.u32 s24, s25;
	s23 =	sshrl.u32 s23, $0x2;
	v63 =	vor.u32 s31, v1;
	v19 =	vadd.s32 v62, v19;
	v20 =	vsel vm0, $0x1, v2  }
0xc0: {  	[tilespmem:s24+$0x10880] =	vst v18;
	s22 =	sor.u32 s22, s23;
	vm15 =	vge.s32 v63, v17;
	vm0 =	vge.s32 v63, v14;
	v18 =	vadd.s32 v20, v19  }
0xc1: {  	v19 =	vsel vm15, $0x1, v2;
	[tilespmem:s22+$0x10880] =	vst v18;
	v18 =	vsel vm0, $0x1, v2;
	vm0 =	vge.s32 v63, v15  }
0xc2: {  	s22 =	simm.s32 $0x0;
	v18 =	vadd.s32 v19, v18;
	v19 =	vsel vm0, $0x1, v2;
	vm0 =	vge.s32 v63, v16  }
0xc3: {  	[spmem:s1] =	stream.indirect.scatter.add.f32 [tilespmem:s22], [sflag:$0x3], $0x80, s15, s14, $0xb8;
	v18 =	vadd.s32 v19, v18;
	v19 =	vsel vm0, $0x1, v2;
	vm0 =	vge.s32 v63, v12;
	[tilespmem:$0x10A00] =	vst v63  }
0xc4: {  	_ =	swait.ge [sflag:s12], $0x4000;
	v18 =	vadd.s32 v19, v18;
	v19 =	vsel vm0, $0x1, v2;
	vm0 =	vge.s32 v63, v13  }
0xc5: {  	[sflag:s12] =	ssyncset.done $0x0;
	v18 =	vadd.s32 v19, v18;
	v19 =	vsel vm0, $0x1, v2;
	vm0 =	vge.s32 v63, v10  }
0xc6: {  	[sflag:s12] =	ssyncadd.s32 $0xFFFFC000;
	v18 =	vadd.s32 v19, v18;
	v19 =	vsel vm0, $0x1, v2;
	vm0 =	vge.s32 v63, v11  }
0xc7: {  	[spmem:s1] =	stream.indirect.scatter.add.f32 [tilespmem:s17], [sflag:$0x3], $0x80, s16, s14, $0xb8;
	v18 =	vadd.s32 v19, v18;
	v19 =	vsel vm0, $0x1, v2;
	vm0 =	vge.s32 v63, v7;
	[tilespmem:$0x10A00] =	vst v63  }
0xc8: {  	_ =	swait.ge [sflag:s12], $0x4000;
	v18 =	vadd.s32 v19, v18;
	v19 =	vsel vm0, $0x1, v2;
	vm0 =	vge.s32 v63, v9  }
0xc9: {  	[sflag:s12] =	ssyncset.done $0x0;
	v18 =	vadd.s32 v19, v18;
	v19 =	vsel vm0, $0x1, v2;
	vm0 =	vge.s32 v63, v5  }
0xca: {  	[sflag:s12] =	ssyncadd.s32 $0xFFFFC000;
	v18 =	vadd.s32 v19, v18;
	v19 =	vsel vm0, $0x1, v2;
	vm0 =	vge.s32 v63, v8  }
0xcb: {  	s28 =	sadd.s32 $0x10, s5;
	_ =	swait.ge [sflag:s18], $0x8000;
	v18 =	vadd.s32 v19, v18;
	v19 =	vsel vm0, $0x1, v2;
	vm0 =	vge.s32 v63, v3  }
0xcc: {  	s25 =	simm.s32 $0x80;
	s24 =	simm.s32 $0x40;
	[sflag:s18] =	ssyncset.done $0x0;
	v18 =	vadd.s32 v19, v18;
	v19 =	vsel vm0, $0x1, v2;
	vm0 =	vge.s32 v63, v6  }
0xcd: {  	s23 =	simm.s32 $0x10;
	vm15 =	vge.s32 v63, v4;
	s26 =	sand.u32 $0x200, s22;
	[sflag:s18] =	ssyncadd.s32 $0xFFFF8000;
	v18 =	vadd.s32 v19, v18;
	v19 =	vsel vm0, $0x1, v2  }
.LBB2_4:
0xce: {  	p1 =	sne.s32 s25, $0x3C0;
	v20 =	vor.u32 s28, v1;
	v18 =	vadd.s32 v19, v18;
	v19 =	vsel vm15, $0x1, v2;
	s22 =	sand.u32 $0x70, s22;
	s26 =	sshrl.u32 s26, $0x2  }
0xcf: {  	s29 =	smov.u32 s24;
	vm0 =	vge.s32 v20, v14;
	vm15 =	vge.s32 v20, v17;
	v18 =	vadd.s32 v19, v18;
	s26 =	sor.u32 s22, s26;
	s22 =	smov.u32 s23  }
0xd0: {  	s24 =	smov.u32 s25;
	v19 =	vsel vm0, $0x1, v2;
	v21 =	vsel vm15, $0x1, v2;
	vm0 =	vge.s32 v20, v15;
	[tilespmem:s26+$0x10880] =	vst v18  }
0xd1: {  	v18 =	vadd.s32 v21, v19;
	v19 =	vsel vm0, $0x1, v2;
	vm0 =	vge.s32 v20, v16  }
0xd2: {  	v18 =	vadd.s32 v19, v18;
	v19 =	vsel vm0, $0x1, v2;
	vm0 =	vge.s32 v20, v12  }
0xd3: {  	v18 =	vadd.s32 v19, v18;
	v19 =	vsel vm0, $0x1, v2;
	vm0 =	vge.s32 v20, v13  }
0xd4: {  	v18 =	vadd.s32 v19, v18;
	v19 =	vsel vm0, $0x1, v2;
	vm0 =	vge.s32 v20, v10  }
0xd5: {  	v18 =	vadd.s32 v19, v18;
	v19 =	vsel vm0, $0x1, v2;
	vm0 =	vge.s32 v20, v11  }
0xd6: {  	v18 =	vadd.s32 v19, v18;
	v19 =	vsel vm0, $0x1, v2;
	vm0 =	vge.s32 v20, v7  }
0xd7: {  	v18 =	vadd.s32 v19, v18;
	v19 =	vsel vm0, $0x1, v2;
	vm0 =	vge.s32 v20, v9  }
.Ltmp1:
0xd8: {  	v18 =	vadd.s32 v19, v18;
	v19 =	vsel vm0, $0x1, v2;
	vm0 =	vge.s32 v20, v5;
	(pc) =	sbr.rel @p1 .LBB2_4-.Ltmp1, $4  }
0xd9: {  	v18 =	vadd.s32 v19, v18;
	v19 =	vsel vm0, $0x1, v2;
	vm0 =	vge.s32 v20, v8  }
0xda: {  	v18 =	vadd.s32 v19, v18;
	v19 =	vsel vm0, $0x1, v2;
	vm0 =	vge.s32 v20, v3  }
0xdb: {  	s23 =	sadd.s32 $0x10, s23;
	v18 =	vadd.s32 v19, v18;
	v19 =	vsel vm0, $0x1, v2;
	vm0 =	vge.s32 v20, v6  }
0xdc: {  	s25 =	sadd.s32 $0x40, s25;
	s28 =	sadd.s32 s23, s5;
	vm15 =	vge.s32 v20, v4;
	s26 =	sand.u32 $0x200, s29;
	v18 =	vadd.s32 v19, v18;
	v19 =	vsel vm0, $0x1, v2  }
0xdd: {  	v20 =	vor.u32 s28, v1;
	v18 =	vadd.s32 v19, v18  }
0xde: {  	v49 =	vsel vm15, $0x1, v2;
	vm0 =	vge.s32 v20, v14;
	vm15 =	vge.s32 v20, v17  }
0xdf: {  	v14 =	vsel vm0, $0x1, v2;
	v17 =	vsel vm15, $0x1, v2;
	vm0 =	vge.s32 v20, v15  }
0xe0: {  	v14 =	vadd.s32 v17, v14;
	v15 =	vsel vm0, $0x1, v2;
	vm0 =	vge.s32 v20, v16  }
0xe1: {  	v14 =	vadd.s32 v15, v14;
	v50 =	vsel vm0, $0x1, v2;
	vm0 =	vge.s32 v20, v12  }
0xe2: {  	v51 =	vadd.s32 v50, v14;
	v52 =	vsel vm0, $0x1, v2;
	vm0 =	vge.s32 v20, v13  }
0xe3: {  	v12 =	vadd.s32 v52, v51;
	v13 =	vsel vm0, $0x1, v2;
	vm0 =	vge.s32 v20, v10  }
0xe4: {  	v53 =	vadd.s32 v13, v12;
	v54 =	vsel vm0, $0x1, v2;
	vm0 =	vge.s32 v20, v11  }
0xe5: {  	v10 =	vadd.s32 v54, v53;
	v11 =	vsel vm0, $0x1, v2;
	vm0 =	vge.s32 v20, v7  }
0xe6: {  	v55 =	vadd.s32 v11, v10;
	v56 =	vsel vm0, $0x1, v2;
	vm0 =	vge.s32 v20, v9  }
0xe7: {  	v7 =	vadd.s32 v56, v55;
	v9 =	vsel vm0, $0x1, v2;
	vm0 =	vge.s32 v20, v5  }
0xe8: {  	v57 =	vadd.s32 v9, v7;
	v58 =	vsel vm0, $0x1, v2;
	vm0 =	vge.s32 v20, v8  }
0xe9: {  	v5 =	vadd.s32 v58, v57;
	v59 =	vsel vm0, $0x1, v2;
	vm0 =	vge.s32 v20, v3  }
0xea: {  	v3 =	vadd.s32 v59, v5;
	v60 =	vsel vm0, $0x1, v2;
	vm0 =	vge.s32 v20, v6  }
0xeb: {  	s22 =	sand.u32 $0x70, s22;
	s25 =	sshrl.u32 s26, $0x2;
	s24 =	sand.u32 $0x200, s24;
	v3 =	vadd.s32 v60, v3;
	v61 =	vsel vm0, $0x1, v2;
	vm0 =	vge.s32 v20, v4  }
0xec: {  	s23 =	sand.u32 $0x70, s23;
	v62 =	vadd.s32 v49, v18;
	s22 =	sor.u32 s22, s25;
	s24 =	sshrl.u32 s24, $0x2;
	v3 =	vadd.s32 v61, v3;
	v63 =	vsel vm0, $0x1, v2  }
0xed: {  	[tilespmem:s22+$0x10880] =	vst v62;
	s31 =	sor.u32 s23, s24;
	v3 =	vadd.s32 v63, v3  }
0xee: {  	[tilespmem:s31+$0x10880] =	vst v3  }
0xef: {  	[spmem:s1] =	stream.indirect.scatter.add.f32 [tilespmem:s10], [sflag:$0x3], $0x80, s15, s14, $0xb8;
	[tilespmem:$0x10A00] =	vst v63  }
0xf0: {  	_ =	swait.ge [sflag:s12], $0x4000  }
0xf1: {  	[sflag:s12] =	ssyncset.done $0x0  }
0xf2: {  	[sflag:s12] =	ssyncadd.s32 $0xFFFFC000  }
0xf3: {  	[spmem:s1] =	stream.indirect.scatter.add.f32 [tilespmem:s19], [sflag:$0x3], $0x80, s16, s14, $0xb8;
	[tilespmem:$0x10A00] =	vst v63  }
0xf4: {  	_ =	swait.ge [sflag:s12], $0x4000  }
0xf5: {  	[sflag:s12] =	ssyncset.done $0x0  }
0xf6: {  	s21 =	sadd.s32 $0x1, s21;
	[sflag:s12] =	ssyncadd.s32 $0xFFFFC000  }
0xf7: {  	p1 =	sne.s32 s21, s9;
	s22 =	simm.s32 @!p0 $0x1C03;
	[bflag:$0x0] =	sbarrier.arrive $0xFFFF  }
0xf8: {  	[hbm:s8], [sflag:s22] =	dma.local @!p0 [spmem:s20], $0x100  }
.Ltmp2:
0xf9: {  	_ = 	snop;
	(pc) =	sbr.rel @p1 .LBB2_1-.Ltmp2, $4  }
0xfa: {  	s22 =	simm.s32 @!p0 $0x3  }
0xfb: {  	_ =	swait.ge @!p0 [sflag:s22], $0x100  }
0xfc: {  	[sflag:s22] =	ssyncset.done @!p0 $0x0  }
0xfd: {  	[sflag:s22] =	ssyncadd.s32 @!p0 $0xFFFFFF00  }
0xfe: {  	_ =	sfence.sel $0x180000  }
0xff: {  	[bflag:$0x0] =	sbarrier.arrive $0xFFFF  }
0x100: {  	_ =	strace $0x90000047  }
0x101: {  	s0 =	sadd.s32 @!p0 $0x100000, s0;
	[bflag:$0x2] =	sbarrier.arrive $0xFFFF  }
0x102: {  	[sflag:s0] =	ssyncadd.tile.s32 @!p0 $0x1;
	_ =	shalt  }
.Lfunc_end2:
_tile_overlayer_lowered:
.L_overlay_start_2:
0x103: {  	(tag) =	ssettag $0x2  }
0x104: {  	s0 =	rddreg [dreg:$0x0];
	s2 =	stileid.u32  }
0x105: {  	s1 =	rddreg [dreg:$0x1];
	p0 =	sne.s32 s2, $0x0  }
0x106: {  	s3 =	rddreg [dreg:$0x2];
	[bflag:$0x3] =	sbarrier.arrive $0xFFFF;
	s2 =	simm.s32 @!p0 $0x1C03  }
0x107: {  	[timem:s3], [sflag:s2] =	dma.local @!p0 [hbm:s0], s1  }
0x108: {  	s0 =	simm.s32 @!p0 $0x3  }
0x109: {  	_ =	swait.ge @!p0 [sflag:s0], s1  }
0x10a: {  	s1 =	ssub.s32 @!p0 $0x0, s1;
	[sflag:s0] =	ssyncset.done @!p0 $0x0  }
0x10b: {  	[sflag:s0] =	ssyncadd.s32 @!p0 s1  }
0x10c: {  	[bflag:$0x3] =	sbarrier.arrive $0xFFFF  }
0x10d: {  	_ =	shalt  }

// kernel: kernel.8.cloned.1.call-start
scs
__scs_entry_jumppad:
0x0: {  	(pc) =	sbr.rel $0x88, $3  }
0x1: {  	(tag) =	ssettag $0x0;
	lr =	simm.s32 $0x1  }
0x2: {  	[smem:$0x3F9E] =	sst lr;
	_ =	strace $0xD0000000  }
0x3: {  	_ = 	snop  }
0x4: {  	_ = 	snop  }
0x5: {  	_ = 	snop  }
0x6: {  	_ = 	snop  }
0x7: {  	_ = 	snop  }
__scs_overlays_trampoline_lowered:
0x8: {  	[smem:$0x3FAD] =	sst s0  }
0x9: {  	[smem:$0x3FAE] =	sst s1  }
0xa: {  	[smem:$0x3FAF] =	sst s2  }
0xb: {  	[smem:$0x3FB0] =	sst s3  }
0xc: {  	[smem:$0x3FB1] =	sst s4  }
0xd: {  	[smem:$0x3FB2] =	sst s5  }
0xe: {  	[smem:$0x3FB3] =	sst s6  }
0xf: {  	[smem:$0x3FB4] =	sst s7  }
0x10: {  	[smem:$0x3FB5] =	sst s8  }
0x11: {  	[smem:$0x3FB6] =	sst s9;
	s0 =	simm.s32 @!p0 $0x0  }
0x12: {  	s1 =	sld [smem:$0x3F9C];
	s0 =	simm.s32 @p0 $0x1  }
0x13: {  	[smem:$0x3FB7] =	sst s0;
	s0 =	simm.s32 @!p1 $0x0  }
0x14: {  	s2 =	sld [smem:$0x3F9B];
	s0 =	simm.s32 @p1 $0x1  }
0x15: {  	[smem:$0x3FB8] =	sst s0;
	s0 =	simm.s32 @!p2 $0x0  }
0x16: {  	s3 =	sld [smem:$0x3FDB];
	s0 =	simm.s32 @p2 $0x1  }
0x17: {  	s4 =	simm.s32 $0x1BF5;
	[smem:$0x3FBA] =	sst s0  }
0x18: {  	s0 =	sld [smem:$0x3F9D];
	_ =	swait.ge [sflag:s4], $0x0  }
0x19: {  	s7 =	sld [smem:$0x3F9E]  }
0x1a: {  	s8 =	sadd.s32 $0xFFFFE003, lr  }
0x1b: {  	s9 =	sadd.s32 $0xFFFFFEF7, lr;
	s5 =	simm.s32 $0xFFFFFFFF;
	p2 =	slt.u32 s8, $0xFFFFF086  }
0x1c: {  	p1 =	slt.u32 s9, $0xF7A;
	s5 =	simm.s32 @!p2 $0x0  }
0x1d: {  	s5 =	simm.s32 @p1 $0x1;
	p0 =	seq.s32 s7, s2  }
0x1e: {  	s7 =	smul.u32 @!p0 $0xF7A, s2;
	p2 =	seq.s32 @!p0 s5, $0x0  }
0x1f: {  	s9 =	smul.u32 $0xF7A, s1;
	s8 =	simm.s32 @!p0 $0x1BF5;
	p2 =	por !p2, p0  }
0x20: {  	[sflag:s8] =	ssyncset.s32 @!p0 $0xFFFFF086;
	s6 =	sadd.s32 @!p0 s3, s7;
	s7 =	simm.s32 @!p0 $0x108  }
0x21: {  	s3 =	sadd.s32 s3, s9;
	s6 =	sadd.s32 @!p0 $0x88, s6;
	s7 =	simm.s32 @p2 $0x1082  }
0x22: {  	[simem:s7], [sflag:s8] =	dma.local @!p0 [hbm:s6], $0xF7A  }
0x23: {  	s9 =	sor.u32 $0xD0000000, s2;
	s6 =	simm.s32 $0x108;
	_ =	swait.ge @!p0 [sflag:s8], $0x0  }
0x24: {  	s3 =	sadd.s32 $0x88, s3;
	s6 =	simm.s32 @!p1 $0x1082;
	[sflag:s4] =	ssyncset.s32 $0xFFFFF086  }
0x25: {  	[simem:s6], [sflag:s4] =	dma.local [hbm:s3], $0xF7A  }
0x26: {  	[smem:$0x3F9E] =	sst s1;
	(tag) =	ssettag s2;
	_ =	strace s9  }
0x27: {  	s1 =	sld [smem:$0x3FAE]  }
0x28: {  	s2 =	sld [smem:$0x3FAF]  }
0x29: {  	s4 =	sld [smem:$0x3FB1]  }
0x2a: {  	p0 =	seq.s32 s5, $0x0;
	s5 =	sld [smem:$0x3FB2]  }
0x2b: {  	s6 =	sld [smem:$0x3FB3]  }
0x2c: {  	s7 =	sld [smem:$0x3FB4]  }
0x2d: {  	s3 =	simm.s32 $0x108;
	s8 =	sld [smem:$0x3FB5]  }
0x2e: {  	s3 =	simm.s32 @!p0 $0x1082;
	s9 =	sld [smem:$0x3FB6]  }
0x2f: {  	lr =	sadd.s32 s0, s3;
	s0 =	sld [smem:$0x3FAD]  }
0x30: {  	s3 =	sld [smem:$0x3FB0]  }
0x31: {  	[smem:$0x3FB9] =	sst s10  }
0x32: {  	s10 =	sld [smem:$0x3FB7];
	_ =	sdelay $0x3  }
0x33: {  	p0 =	seq.s32 s10, $0x1;
	s10 =	sld [smem:$0x3FB9];
	_ =	sdelay $0x3  }
0x34: {  	[smem:$0x3FB9] =	sst s10  }
0x35: {  	s10 =	sld [smem:$0x3FB8];
	_ =	sdelay $0x3  }
0x36: {  	p1 =	seq.s32 s10, $0x1;
	s10 =	sld [smem:$0x3FB9];
	_ =	sdelay $0x3  }
0x37: {  	[smem:$0x3FB9] =	sst s10  }
0x38: {  	s10 =	sld [smem:$0x3FBA]  }
0x39: {  	_ = 	snop;
	(pc) =	sbr.ind lr, $3  }
0x3a: {  	_ = 	snop  }
0x3b: {  	_ = 	snop  }
0x3c: {  	p2 =	seq.s32 s10, $0x1;
	s10 =	sld [smem:$0x3FB9]  }
0x3d: {  	_ =	shalt  }
0x3e: {  	_ =	shalt  }
0x3f: {  	_ =	shalt  }
0x40: {  	_ =	shalt  }
0x41: {  	_ =	shalt  }
0x42: {  	_ =	shalt  }
0x43: {  	_ =	shalt  }
0x44: {  	_ =	shalt  }
0x45: {  	_ =	shalt  }
0x46: {  	_ =	shalt  }
0x47: {  	_ =	shalt  }
0x48: {  	_ =	shalt  }
0x49: {  	_ =	shalt  }
0x4a: {  	_ =	shalt  }
0x4b: {  	_ =	shalt  }
0x4c: {  	_ =	shalt  }
0x4d: {  	_ =	shalt  }
0x4e: {  	_ =	shalt  }
0x4f: {  	_ =	shalt  }
0x50: {  	_ =	shalt  }
0x51: {  	_ =	shalt  }
0x52: {  	_ =	shalt  }
0x53: {  	_ =	shalt  }
0x54: {  	_ =	shalt  }
0x55: {  	_ =	shalt  }
0x56: {  	_ =	shalt  }
0x57: {  	_ =	shalt  }
0x58: {  	_ =	shalt  }
0x59: {  	_ =	shalt  }
0x5a: {  	_ =	shalt  }
0x5b: {  	_ =	shalt  }
0x5c: {  	_ =	shalt  }
0x5d: {  	_ =	shalt  }
0x5e: {  	_ =	shalt  }
0x5f: {  	_ =	shalt  }
0x60: {  	_ =	shalt  }
0x61: {  	_ =	shalt  }
0x62: {  	_ =	shalt  }
0x63: {  	_ =	shalt  }
0x64: {  	_ =	shalt  }
0x65: {  	_ =	shalt  }
0x66: {  	_ =	shalt  }
0x67: {  	_ =	shalt  }
0x68: {  	_ =	shalt  }
0x69: {  	_ =	shalt  }
0x6a: {  	_ =	shalt  }
0x6b: {  	_ =	shalt  }
0x6c: {  	_ =	shalt  }
0x6d: {  	_ =	shalt  }
0x6e: {  	_ =	shalt  }
0x6f: {  	_ =	shalt  }
0x70: {  	_ =	shalt  }
0x71: {  	_ =	shalt  }
0x72: {  	_ =	shalt  }
0x73: {  	_ =	shalt  }
0x74: {  	_ =	shalt  }
0x75: {  	_ =	shalt  }
0x76: {  	_ =	shalt  }
0x77: {  	_ =	shalt  }
0x78: {  	_ =	shalt  }
0x79: {  	_ =	shalt  }
0x7a: {  	_ =	shalt  }
0x7b: {  	_ =	shalt  }
0x7c: {  	_ =	shalt  }
0x7d: {  	_ =	shalt  }
0x7e: {  	_ =	shalt  }
0x7f: {  	_ =	shalt  }
0x80: {  	_ =	shalt  }
0x81: {  	_ =	shalt  }
0x82: {  	_ =	shalt  }
0x83: {  	_ =	shalt  }
0x84: {  	_ =	shalt  }
0x85: {  	_ =	shalt  }
0x86: {  	_ =	shalt  }
0x87: {  	_ =	shalt  }
.Lfunc_end0:
.L_simem_size_0:
called_computation.1_lowered:
.L_overlay_start_0:
0x88: {  	s2 =	sld [smem:$0x3FD9]  }
0x89: {  	s3 =	sld [smem:$0x3FFE];
	_ =	sdelay $0x1  }
0x8a: {  	s1 =	srdreg.scid  }
0x8b: {  	s0 =	sand.u32 $0x1, s1  }
0x8c: {  	s17 =	sshll.u32 s0, $0xA;
	s2 =	sadd.s32 s3, s2  }
0x8d: {  	s2 =	sadd.s32 s2, s17  }
0x8e: {  	[smem:$0x3FC5] =	sst s2  }
0x8f: {  	_ = 	snop  }
0x90: {  	s2 =	sld [smem:$0x3FC9]  }
0x91: {  	s18 =	sld [smem:$0x3FC7]  }
0x92: {  	s4 =	sld [smem:$0x3FD0];
	(tm) =	ssettm $0x1  }
0x93: {  	s5 =	sld [smem:$0x3FFB];
	_ =	sdelay $0x3  }
0x94: {  	_ =	strace s5  }
0x95: {  	s5 =	sld [smem:$0x3FFC];
	_ =	sdelay $0x3  }
0x96: {  	_ =	strace s5  }
0x97: {  	s5 =	sld [smem:$0x3FFD];
	_ =	sdelay $0x3  }
0x98: {  	_ =	strace s5  }
0x99: {  	_ =	strace $0x8FFFFFFF  }
0x9a: {  	s19 =	sld [smem:$0x3FDB];
	_ =	sdelay $0x1  }
0x9b: {  	s6 =	simm.s32 $_scs_section_size  }
0x9c: {  	s7 =	simm.s32 $_size__tile_overlayer_lowered;
	s8 =	simm.s32 $_tile_overlayer_lowered  }
0x9d: {  	s22 =	simm.s32 $0x1BFF;
	s21 =	sshll.u32 s8, $0x1;
	s5 =	sadd.s32 s6, s19  }
0x9e: {  	s9 =	simm.s32 $0x0;
	s20 =	sshll.u32 s7, $0x1;
	s7 =	sadd.s32 s21, s5  }
0x9f: {  	[timem:s9], [sflag:s22] =	dma.local [hbm:s7], s20  }
0xa0: {  	_ =	swait.ge [sflag:s22], s20  }
0xa1: {  	s6 =	ssub.s32 $0x0, s20;
	[sflag:s22] =	ssyncset.done $0x0  }
0xa2: {  	[sflag:s22] =	ssyncadd.s32 s6;
	_ =	sdelay $0x1  }
0xa3: {  	s23 =	simm.s32 $0x1B8B  }
0xa4: {  	_ =	swait.ge [sflag:s23], $0x1  }
0xa5: {  	[sflag:s23] =	ssyncset.done $0x0  }
0xa6: {  	s25 =	simm.s32 $0x1B8E;
	s24 =	sld [smem:$0x3FFE];
	[sflag:s23] =	ssyncadd.s32 $0xFFFFFFFF  }
0xa7: {  	s26 =	simm.s32 $execute0_lowered;
	[smem:$0x3FD2] =	sst s25  }
0xa8: {  	s7 =	sshll.u32 s26, $0x1;
	_ =	strace $0x80000049;
	[dreg:$0x1] =	wrdreg $0xFFFFFFFF  }
0xa9: {  	s28 =	simm.s32 $_size_execute0_lowered;
	s5 =	sadd.s32 s5, s7;
	[dreg:$0x0] =	wrdreg $0x0  }
0xaa: {  	s7 =	sshll.u32 s28, $0x1;
	[dreg:$0x2] =	wrdreg s5  }
0xab: {  	[dreg:$0x3] =	wrdreg s7  }
0xac: {  	[dreg:$0x4] =	wrdreg $0xC0  }
0xad: {  	_ =	task [dreg:s9], $0x5FFFF  }
0xae: {  	[dreg:$0x1] =	wrdreg $0xFFFFFFFF  }
0xaf: {  	[dreg:$0x0] =	wrdreg $0x60  }
0xb0: {  	[dreg:$0x2] =	wrdreg s2  }
0xb1: {  	[dreg:$0x3] =	wrdreg s24  }
0xb2: {  	[dreg:$0x4] =	wrdreg s18  }
0xb3: {  	[dreg:$0x5] =	wrdreg s4  }
0xb4: {  	[dreg:$0x6] =	wrdreg $0x161800  }
0xb5: {  	[dreg:$0x7] =	wrdreg $0x9  }
0xb6: {  	_ =	task.clear_ibuf [dreg:s9], $0x8FFFF;
	_ =	strace $0x90000049  }
0xb7: {  	s29 =	simm.s32 $0x9;
	_ =	strace $0x8000004B  }
0xb8: {  	_ =	swait.ge [sflag:s29], $0x1  }
0xb9: {  	[sflag:s29] =	ssyncadd.s32 $0xFFFFFFFF  }
0xba: {  	_ =	strace $0x9000004B  }
0xbb: {  	_ =	sfence  }
0xbc: {  	s30 =	sld [smem:$0x0];
	_ =	sdelay $0x2  }
0xbd: {  	s31 =	sshll.u32 s1, $0xD;
	s1 =	sshrl.u32 s1, $0x2  }
0xbe: {  	s3 =	sand.u32 $0x4000, s31;
	s1 =	sadd.s32 s1, s30  }
0xbf: {  	s0 =	sor.u32 s3, s0;
	s1 =	sshll.u32 s1, $0x11  }
0xc0: {  	s0 =	sor.u32 s1, s0  }
0xc1: {  	s0 =	sadd.s32 $0x8F2B, s0  }
0xc2: {  	[sflag:s0] =	ssyncadd.remote.s32 $0x1  }
0xc3: {  	_ =	sfence.sel $0xFFFF  }
0xc4: {  	[dreg:$0x0] =	wrdreg $0xFFFFFFFF;
	(pc) =	sbr.abs _section_cstart, $3  }
0xc5: {  	[dreg:$0x1] =	wrdreg $0xFFFFFFFF  }
0xc6: {  	_ =	task.clear_ibuf [dreg:s9], $0x2FFFF;
	_ =	strace $0x9FFFFFFF  }
0xc7: {  	(tm) =	ssettm $0x7FFFFFFF  }
tec
execute0_lowered:
.L_overlay_start_1:
0x0: {  	(tag) =	ssettag $0x1  }
0x1: {  	s0 =	rddreg [dreg:$0x0]  }
0x2: {  	s1 =	rddreg [dreg:$0x1]  }
0x3: {  	s2 =	rddreg [dreg:$0x3];
	s4 =	simm.s32 $0x0  }
0x4: {  	[smem:$0x7FF] =	sst s4  }
0x5: {  	s7 =	rddreg [dreg:$0x4];
	v0 =	vimm.s32 $0x0;
	_ =	strace $0x8000004A  }
0x6: {  	(xrf0) =	vadd.scan.msk.s32 $0xffff, v0;
	_ =	sdelay $0x4  }
0x7: {  	s3 =	srdreg.scid  }
0x8: {  	s8 =	stileid.u32;
	s30 =	simm.s32 $0x0;
	s9 =	sadd.s32 $0xE00, s1;
	v0, _, _ =	vpop (xrf0)  }
0x9: {  	s3 =	sand.u32 $0x1, s3;
	s13 =	sadd.s32 $0x1000, s1;
	[dreg:$0x6] =	wrdreg s9;
	(v2sf) =	vpush v0, $0xF  }
0xa: {  	s1 =	sadd.s32 $0x1200, s1;
	s11 =	sshll.u32 s8, $0x7;
	[dreg:$0x7] =	wrdreg s13  }
0xb: {  	s6 =	sshll.u32 s8, $0xA;
	[dreg:$0x8] =	wrdreg s1;
	s17 =	sor.u32 $0x10, s11  }
0xc: {  	s23 =	sadd.s32 $0x1, s8;
	s18 =	sor.u32 $0x20, s11;
	[dreg:$0xb] =	wrdreg s17  }
0xd: {  	s24 =	sadd.s32 $0xFFFFFFF1, s8;
	s19 =	sor.u32 $0x30, s11;
	[dreg:$0xc] =	wrdreg s18  }
0xe: {  	s5 =	sshll.u32 s3, $0xE;
	s20 =	sor.u32 $0x40, s11;
	[dreg:$0xd] =	wrdreg s19  }
0xf: {  	s14 =	ssub.s32 $0x2, s3;
	s21 =	sor.u32 $0x50, s11;
	[dreg:$0xe] =	wrdreg s20  }
0x10: {  	s22 =	sor.u32 $0x60, s11;
	s25 =	sadd.s32 s11, s7;
	[dreg:$0xf] =	wrdreg s21  }
0x11: {  	s29 =	sor.u32 s6, s5;
	s16 =	sshrl.u32 s14, $0x1;
	[dreg:$0x10] =	wrdreg s22  }
0x12: {  	s19 =	sor.u32 $0x70, s11;
	[dreg:$0x11] =	wrdreg s25;
	s22 =	sadd.s32 $0x1000, s0  }
0x13: {  	s5 =	simm.s32 $0x3;
	s15 =	sshll.u32 s29, $0x4;
	s28 =	ssub.s32 $0x0, s29  }
.Ltmp0:
0x14: {  	s31 =	sor.u32 $0x80, s29;
	[dreg:$0x13] =	wrdreg s28;
	(pc) =	sbr.rel .LBB2_1-.Ltmp0, $4  }
0x15: {  	s1 =	ssub.s32 s14, s16;
	s3 =	sadd.s32 s0, s15;
	[dreg:$0x14] =	wrdreg s31  }
0x16: {  	v3 =	vmov s8;
	s26 =	smax.u32 s1, $0x1;
	s0 =	simm.s32 $0x6;
	[dreg:$0x9] =	wrdreg s3  }
0x17: {  	v1 =	vmov s23;
	v2 =	vmov s24;
	s1 =	simm.s32 $0x4;
	s3 =	sadd.s32 $0x800, s3;
	[dreg:$0x12] =	wrdreg s26;
	v0 =	vlaneseq.u32  }
0x18: {  	s26 =	simm.s32 $0x16080;
	[dreg:$0xa] =	wrdreg s3;
	vm0 =	veq.s32 v3, v0;
	vm1 =	veq.s32 v2, v0;
	vm2 =	veq.s32 v1, v0;
	s20 =	spop (v2sf)  }
.LBB2_14:
0x19: {  	_ =	swait.ge [sflag:s5], $0x4000  }
0x1a: {  	[sflag:s5] =	ssyncset.done $0x0  }
0x1b: {  	[sflag:s5] =	ssyncadd.s32 $0xFFFFC000  }
0x1c: {  	_ =	swait.ge [sflag:s1], $0x4000  }
0x1d: {  	s30 =	sadd.s32 $0x1, s30;
	s3 =	rddreg [dreg:$0x12]  }
0x1e: {  	p0 =	sne.s32 s30, s3  }
.Ltmp1:
0x1f: {  	_ = 	snop;
	(pc) =	sbr.rel @!p0 .LBB2_15-.Ltmp1, $3  }
0x20: {  	_ =	sdelay $0x1  }
0x21: {  	[sflag:s1] =	ssyncset.done $0x0  }
0x22: {  	[sflag:s1] =	ssyncadd.s32 $0xFFFFC000  }
.LBB2_1:
0x23: {  	s3 =	rddreg [dreg:$0x9]  }
0x24: {  	[tilespmem:s4], [sflag:$0x1] =	stream.linear.gather [hbm4b:s3+s4], $0x4000, $0x38;
	[tilespmem:$0x16200] =	vst v63  }
0x25: {  	s31 =	rddreg [dreg:$0xa];
	s6 =	simm.s32 $0x4000  }
0x26: {  	[tilespmem:s6], [sflag:$0x2] =	stream.linear.gather [hbm4b:s31+s4], $0x4000, $0x38;
	[tilespmem:$0x16200] =	vst v63  }
0x27: {  	s7 =	rddreg [dreg:$0x2];
	s8 =	simm.s32 $0x12080  }
0x28: {  	[tilespmem:s8], [sflag:$0x4] =	stream.linear.gather [hbm4b:s7+s4], $0x4000, $0x38;
	[tilespmem:$0x16200] =	vst v63  }
0x29: {  	s9 =	rddreg [dreg:$0x7];
	s10 =	simm.s32 $0x10880  }
0x2a: {  	[tilespmem:s10], [sflag:$0x3] =	stream.linear.gather [hbm4b:s9+s4], $0x1000, $0x38;
	[tilespmem:$0x16200] =	vst v63  }
0x2b: {  	s12 =	rddreg [dreg:$0x8];
	s13 =	simm.s32 $0x11880  }
0x2c: {  	[tilespmem:s13], [sflag:$0x5] =	stream.linear.gather [hbm4b:s12+s4], $0x800, $0x38;
	[tilespmem:$0x16200] =	vst v63  }
0x2d: {  	s14 =	rddreg [dreg:$0x6];
	s15 =	simm.s32 $0x10800  }
0x2e: {  	[tilespmem:s15], [sflag:$0x6] =	stream.linear.gather [hbm4b:s14+s4], $0x80, $0x38;
	[tilespmem:$0x16200] =	vst v63  }
0x2f: {  	_ =	swait.ge [sflag:s0], $0x80  }
0x30: {  	[sflag:s0] =	ssyncset.done $0x0  }
0x31: {  	[sflag:s0] =	ssyncadd.s32 $0xFFFFFF80  }
0x32: {  	_ =	swait.ge [sflag:s5], $0x1000  }
0x33: {  	[sflag:s5] =	ssyncset.done $0x0  }
0x34: {  	[sflag:s5] =	ssyncadd.s32 $0xFFFFF000  }
0x35: {  	_ =	swait.ge [sflag:s1], $0x4000  }
0x36: {  	[sflag:s1] =	ssyncset.done $0x0  }
0x37: {  	s16 =	simm.s32 $0x5;
	[sflag:s1] =	ssyncadd.s32 $0xFFFFC000  }
0x38: {  	_ =	swait.ge [sflag:s16], $0x800  }
0x39: {  	[sflag:s16] =	ssyncset.done $0x0  }
0x3a: {  	[sflag:s16] =	ssyncadd.s32 $0xFFFFF800  }
0x3b: {  	v1 =	vld [tilespmem:$0x10800]  }
0x3c: {  	v2 =	vld [tilespmem:$0x10810];
	_ =	sdelay $0x3  }
0x3d: {  	v3 =	vnsel vm2, $0x0, v1  }
0x3e: {  	v2 =	vnsel vm1, $0x0, v2;
	(xrf0) =	vadd.scan.msk.s32 $0xffff, v3  }
0x3f: {  	v1 =	vnsel vm0, $0x0, v1;
	(xrf0) =	vadd.scan.msk.s32 $0xffff, v2  }
0x40: {  	(xrf0) =	vadd.scan.msk.s32 $0xffff, v1;
	_ =	sdelay $0x3  }
0x41: {  	v1, _, _ =	vpop (xrf0)  }
0x42: {  	v2, _, _ =	vpop (xrf0);
	(v2sf) =	vpush v1, $0xF  }
0x43: {  	(v2sf) =	vpush v2, $0xF;
	v1, _, _ =	vpop (xrf0)  }
0x44: {  	(v2sf) =	vpush v1, $0xF;
	_ =	sdelay $0xa  }
0x45: {  	s8 =	rddreg [dreg:$0xb]  }
0x46: {  	v4 =	vld [tilespmem:s8+$0x10880]  }
0x47: {  	v5 =	vld [tilespmem:s11+$0x11090];
	s17 =	spop (v2sf)  }
0x48: {  	s21 =	rddreg [dreg:$0xc];
	v6 =	vld [tilespmem:s8+$0x11880];
	s18 =	spop (v2sf)  }
0x49: {  	v7 =	vld [tilespmem:s21+$0x10880];
	s7 =	spop (v2sf)  }
0x4a: {  	v8 =	vld [tilespmem:s11+$0x110A0];
	s7 =	sadd.s32 s7, s20  }
0x4b: {  	s23 =	rddreg [dreg:$0xd];
	v9 =	vld [tilespmem:s21+$0x11880];
	s3 =	ssub.s32 s17, s7  }
0x4c: {  	v10 =	vld [tilespmem:s23+$0x10880];
	s3 =	sadd.s32 s18, s3  }
0x4d: {  	v12 =	vld [tilespmem:s11+$0x110B0];
	s3 =	scvt.s32.f32 s3  }
0x4e: {  	s24 =	rddreg [dreg:$0xe];
	v13 =	vld [tilespmem:s23+$0x11880]  }
0x4f: {  	v14 =	vld [tilespmem:s24+$0x10880];
	v11 =	vmov s3  }
0x50: {  	s25 =	rddreg [dreg:$0xf];
	v15 =	vld [tilespmem:s11+$0x110C0];
	v11 =	vmax.f32 v11, $1.000000000e+00  }
0x51: {  	v16 =	vld [tilespmem:s25+$0x10880];
	v11 =	vbroadcast v11, $0x0  }
0x52: {  	v17 =	vld [tilespmem:s11+$0x110D0]  }
0x53: {  	v2 =	vld [tilespmem:s11+$0x11080];
	(erf) = vrcp.f32 v11  }
0x54: {  	v1 =	vld [tilespmem:s11+$0x10880]  }
0x55: {  	v18 =	vld [tilespmem:s25+$0x11880]  }
0x56: {  	s28 =	rddreg [dreg:$0x10];
	v3 =	vld [tilespmem:s11+$0x11880]  }
0x57: {  	v19 =	vld [tilespmem:s28+$0x10880]  }
0x58: {  	v4 =	vadd.f32 v5, v4;
	v5 =	vld [tilespmem:s19+$0x10880]  }
0x59: {  	v1 =	vadd.f32 v2, v1;
	v2 =	vld [tilespmem:s11+$0x110E0]  }
0x5a: {  	v11 =	vld [tilespmem:s24+$0x11880]  }
0x5b: {  	v1 =	vadd.f32 v3, v1;
	v3 =	vadd.f32 v8, v7;
	v7 =	vld [tilespmem:s11+$0x110F0]  }
0x5c: {  	v4 =	vadd.f32 v6, v4;
	v6 =	vadd.f32 v12, v10;
	v8 =	vld [tilespmem:s28+$0x11880];
	v10 =	vpop (erf)  }
0x5d: {  	v12 =	vld [tilespmem:s19+$0x11880];
	v3 =	vadd.f32 v9, v3;
	v9 =	vadd.f32 v15, v14;
	v1 =	vmul.f32 v10, v1  }
0x5e: {  	v6 =	vadd.f32 v13, v6;
	v13 =	vadd.f32 v17, v16;
	v4 =	vmul.f32 v10, v4  }
0x5f: {  	v2 =	vadd.f32 v2, v19;
	v9 =	vadd.f32 v11, v9;
	[tilespmem:$0x16080] =	vst v1;
	v1 =	vmul.f32 v10, v3  }
0x60: {  	v5 =	vadd.f32 v7, v5;
	v3 =	vadd.f32 v18, v13;
	[tilespmem:$0x16090] =	vst v4;
	v4 =	vmul.f32 v10, v6  }
0x61: {  	v2 =	vadd.f32 v8, v2;
	[tilespmem:$0x160A0] =	vst v1;
	v1 =	vmul.f32 v10, v9  }
0x62: {  	v5 =	vadd.f32 v12, v5;
	[tilespmem:$0x160B0] =	vst v4;
	v3 =	vmul.f32 v10, v3  }
0x63: {  	[tilespmem:$0x160C0] =	vst v1;
	v1 =	vmul.f32 v10, v2  }
0x64: {  	[tilespmem:$0x160D0] =	vst v3;
	v2 =	vmul.f32 v10, v5  }
0x65: {  	[tilespmem:$0x160E0] =	vst v1  }
0x66: {  	s3 =	simm.s32 $0x12100;
	[tilespmem:$0x160F0] =	vst v2  }
0x67: {  	s31 =	simm.s32 $0x1;
	v16 =	vld [tilespmem:s3+$0x0]  }
0x68: {  	v1 =	vmov s31;
	v2 =	vmov s4;
	v15 =	vld [tilespmem:s3+$0x10]  }
0x69: {  	v13 =	vld [tilespmem:s3+$0x20];
	v2 =	vand.u32 $0xFFFFFFFE, v2  }
0x6a: {  	v10 =	vld [tilespmem:s3+$0x30];
	v12 =	vbroadcast v2, $0x0  }
0x6b: {  	v14 =	vimm.f32 $0.0e+00;
	v8 =	vimm.f32 $0.0e+00;
	v9 =	vld [tilespmem:s3+$0x40]  }
0x6c: {  	v11 =	vimm.f32 $0.0e+00;
	v6 =	vimm.f32 $0.0e+00;
	v4 =	vimm.f32 $0.0e+00;
	v7 =	vld [tilespmem:s3+$0x50]  }
0x6d: {  	s6 =	simm.s32 $0x2;
	v5 =	vimm.f32 $0.0e+00;
	v3 =	vimm.f32 $0.0e+00;
	v2 =	vimm.f32 $0.0e+00;
	v1 =	vld.idx.msk [tilespmem:v1+s26+$0x0], $0xffff  }
.LBB2_2:
0x6e: {  	p0 =	slt.u32 s6, $0x7E;
	v17 =	vld [tilespmem:s3+$0xFFFFFF80]  }
0x6f: {  	v18 =	vld [tilespmem:s3+$0xFFFFFF90]  }
0x70: {  	v19 =	vmov s6;
	v20 =	vld.idx.msk [tilespmem:v12+s26+$0x0], $0xffff  }
0x71: {  	v12 =	vand.u32 $0xFFFFFFFE, v19;
	v19 =	vld [tilespmem:s3+$0xFFFFFFA0]  }
0x72: {  	v12 =	vbroadcast v12, $0x0;
	v21 =	vld [tilespmem:s3+$0xFFFFFFB0]  }
0x73: {  	v23 =	vmul.f32 v16, v1;
	v24 =	vmul.f32 v15, v1;
	v22 =	vld [tilespmem:s3+$0xFFFFFFC0]  }
0x74: {  	v25 =	vmul.f32 v13, v1;
	v10 =	vmul.f32 v10, v1;
	v15 =	vld [tilespmem:s3+$0xFFFFFFD0]  }
0x75: {  	v26 =	vmul.f32 v9, v1;
	v27 =	vmul.f32 v7, v1;
	v13 =	vld [tilespmem:s3+$0xFFFFFFE0]  }
0x76: {  	s7 =	sadd.s32 $0x1, s6;
	v7 =	vmul.f32 v17, v20;
	v9 =	vmul.f32 v18, v20;
	v17 =	vld [tilespmem:s3+$0xFFFFFFF0]  }
0x77: {  	v18 =	vmov s7;
	v19 =	vmul.f32 v19, v20;
	v21 =	vmul.f32 v21, v20;
	v28 =	vld [tilespmem:s3+$0x60]  }
0x78: {  	v7 =	vadd.f32 v7, v14;
	v9 =	vadd.f32 v9, v11;
	v22 =	vmul.f32 v22, v20;
	v29 =	vld [tilespmem:s3+$0x70];
	s3 =	sadd.s32 $0x100, s3  }
0x79: {  	v8 =	vadd.f32 v19, v8;
	v16 =	vld [tilespmem:s3+$0x0];
	v6 =	vadd.f32 v21, v6;
	v19 =	vmul.f32 v15, v20  }
0x7a: {  	v14 =	vadd.f32 v23, v7;
	v11 =	vadd.f32 v24, v9;
	v15 =	vld [tilespmem:s3+$0x10];
	v21 =	vmul.f32 v13, v20  }
.Ltmp2:
0x7b: {  	v8 =	vadd.f32 v25, v8;
	v13 =	vld [tilespmem:s3+$0x20];
	v7 =	vmul.f32 v17, v20;
	v6 =	vadd.f32 v10, v6;
	(pc) =	sbr.rel @p0 .LBB2_2-.Ltmp2, $4  }
0x7c: {  	v5 =	vadd.f32 v22, v5;
	v4 =	vadd.f32 v19, v4;
	v10 =	vld [tilespmem:s3+$0x30];
	v17 =	vmul.f32 v28, v1  }
0x7d: {  	v3 =	vadd.f32 v21, v3;
	v9 =	vld [tilespmem:s3+$0x40];
	v2 =	vadd.f32 v7, v2;
	v19 =	vmul.f32 v29, v1  }
0x7e: {  	v5 =	vadd.f32 v26, v5;
	v4 =	vadd.f32 v27, v4;
	v7 =	vld [tilespmem:s3+$0x50]  }
0x7f: {  	s6 =	sadd.s32 $0x2, s6;
	v3 =	vadd.f32 v17, v3;
	v1 =	vld.idx.msk [tilespmem:v18+s26+$0x0], $0xffff;
	v2 =	vadd.f32 v19, v2  }
0x80: {  	_ =	sdelay $0x2  }
0x81: {  	v17 =	vld [tilespmem:s3+$0xFFFFFF80]  }
0x82: {  	v12 =	vld.idx.msk [tilespmem:v12+s26+$0x0], $0xffff;
	_ =	sdelay $0x4  }
0x83: {  	v17 =	vmul.f32 v17, v12;
	_ =	sdelay $0x1  }
0x84: {  	v16 =	vmul.f32 v16, v1;
	v14 =	vadd.f32 v17, v14;
	_ =	sdelay $0x1  }
0x85: {  	v14 =	vadd.f32 v16, v14;
	_ =	sdelay $0x1  }
0x86: {  	v14 =	vsub.f32 $0.0e+00, v14;
	_ =	sdelay $0x1  }
0x87: {  	v38 =	vld [tilespmem:s3+$0xFFFFFF90];
	v14 =	vmul.f32 $1.442695020e+00, v14;
	_ =	sdelay $0x1  }
0x88: {  	(erf) = vpow2.f32 v14;
	_ =	sdelay $0x2  }
0x89: {  	v39 =	vmul.f32 v38, v12;
	_ =	sdelay $0x1  }
0x8a: {  	v15 =	vmul.f32 v15, v1;
	v11 =	vadd.f32 v39, v11;
	_ =	sdelay $0x1  }
0x8b: {  	v11 =	vadd.f32 v15, v11;
	_ =	sdelay $0x1  }
0x8c: {  	v11 =	vsub.f32 $0.0e+00, v11;
	v40 =	vpop (erf)  }
0x8d: {  	v14 =	vadd.f32 $1.000000000e+00, v40  }
0x8e: {  	v41 =	vld [tilespmem:s3+$0xFFFFFFA0];
	v11 =	vmul.f32 $1.442695020e+00, v11  }
0x8f: {  	(erf) = vrcp.f32 v14  }
0x90: {  	(erf) = vpow2.f32 v11;
	_ =	sdelay $0x2  }
0x91: {  	v42 =	vmul.f32 v41, v12;
	_ =	sdelay $0x1  }
0x92: {  	v13 =	vmul.f32 v13, v1;
	v8 =	vadd.f32 v42, v8;
	_ =	sdelay $0x1  }
0x93: {  	v8 =	vadd.f32 v13, v8  }
0x94: {  	v43 =	vpop (erf)  }
0x95: {  	v8 =	vsub.f32 $0.0e+00, v8;
	v44 =	vpop (erf)  }
0x96: {  	v13 =	vadd.f32 $1.000000000e+00, v44  }
0x97: {  	v45 =	vld [tilespmem:s3+$0xFFFFFFB0];
	v8 =	vmul.f32 $1.442695020e+00, v8  }
0x98: {  	(erf) = vrcp.f32 v13  }
0x99: {  	(erf) = vpow2.f32 v8;
	_ =	sdelay $0x2  }
0x9a: {  	v46 =	vmul.f32 v45, v12;
	_ =	sdelay $0x1  }
0x9b: {  	v10 =	vmul.f32 v10, v1;
	v6 =	vadd.f32 v46, v6;
	_ =	sdelay $0x1  }
0x9c: {  	v6 =	vadd.f32 v10, v6  }
0x9d: {  	v47 =	vpop (erf)  }
0x9e: {  	v6 =	vsub.f32 $0.0e+00, v6;
	v48 =	vpop (erf)  }
0x9f: {  	v10 =	vadd.f32 $1.000000000e+00, v48  }
0xa0: {  	v49 =	vld [tilespmem:s3+$0xFFFFFFC0];
	v6 =	vmul.f32 $1.442695020e+00, v6  }
0xa1: {  	(erf) = vrcp.f32 v10  }
0xa2: {  	(erf) = vpow2.f32 v6;
	_ =	sdelay $0x2  }
0xa3: {  	v50 =	vmul.f32 v49, v12;
	_ =	sdelay $0x1  }
0xa4: {  	v9 =	vmul.f32 v9, v1;
	v5 =	vadd.f32 v50, v5;
	_ =	sdelay $0x1  }
0xa5: {  	v5 =	vadd.f32 v9, v5  }
0xa6: {  	v51 =	vpop (erf)  }
0xa7: {  	v5 =	vsub.f32 $0.0e+00, v5;
	v52 =	vpop (erf)  }
0xa8: {  	v9 =	vadd.f32 $1.000000000e+00, v52  }
0xa9: {  	v53 =	vld [tilespmem:s3+$0xFFFFFFD0];
	v5 =	vmul.f32 $1.442695020e+00, v5  }
0xaa: {  	(erf) = vrcp.f32 v9  }
0xab: {  	(erf) = vpow2.f32 v5;
	_ =	sdelay $0x2  }
0xac: {  	v54 =	vmul.f32 v53, v12;
	_ =	sdelay $0x1  }
0xad: {  	v7 =	vmul.f32 v7, v1;
	v4 =	vadd.f32 v54, v4;
	_ =	sdelay $0x1  }
0xae: {  	v4 =	vadd.f32 v7, v4  }
0xaf: {  	v55 =	vpop (erf)  }
0xb0: {  	v4 =	vsub.f32 $0.0e+00, v4;
	v56 =	vpop (erf)  }
0xb1: {  	v7 =	vadd.f32 $1.000000000e+00, v56  }
0xb2: {  	v57 =	vld [tilespmem:s3+$0xFFFFFFE0];
	v4 =	vmul.f32 $1.442695020e+00, v4  }
0xb3: {  	(erf) = vrcp.f32 v7  }
0xb4: {  	v58 =	vld [tilespmem:s3+$0x60];
	(erf) = vpow2.f32 v4;
	_ =	sdelay $0x2  }
0xb5: {  	v59 =	vmul.f32 v57, v12;
	_ =	sdelay $0x1  }
0xb6: {  	v3 =	vadd.f32 v59, v3;
	v7 =	vmul.f32 v58, v1;
	_ =	sdelay $0x1  }
0xb7: {  	v3 =	vadd.f32 v7, v3  }
0xb8: {  	v60 =	vpop (erf)  }
0xb9: {  	v3 =	vsub.f32 $0.0e+00, v3;
	v61 =	vpop (erf)  }
0xba: {  	v62 =	vld [tilespmem:s3+$0xFFFFFFF0];
	v7 =	vadd.f32 $1.000000000e+00, v61  }
0xbb: {  	v3 =	vmul.f32 $1.442695020e+00, v3  }
0xbc: {  	(erf) = vrcp.f32 v7  }
0xbd: {  	v63 =	vld [tilespmem:s3+$0x70];
	(erf) = vpow2.f32 v3;
	_ =	sdelay $0x1  }
0xbe: {  	v3 =	vmul.f32 v62, v12;
	_ =	sdelay $0x1  }
0xbf: {  	v2 =	vadd.f32 v3, v2  }
0xc0: {  	v1 =	vmul.f32 v63, v1;
	_ =	sdelay $0x1  }
0xc1: {  	v1 =	vadd.f32 v1, v2  }
0xc2: {  	v2 =	vpop (erf)  }
0xc3: {  	v1 =	vsub.f32 $0.0e+00, v1;
	v3 =	vpop (erf)  }
0xc4: {  	v3 =	vadd.f32 $1.000000000e+00, v3  }
0xc5: {  	v1 =	vmul.f32 $1.442695020e+00, v1  }
0xc6: {  	(erf) = vrcp.f32 v3  }
0xc7: {  	(erf) = vpow2.f32 v1;
	_ =	sdelay $0x7  }
0xc8: {  	v1 =	vpop (erf)  }
0xc9: {  	v3 =	vpop (erf)  }
0xca: {  	v3 =	vadd.f32 $1.000000000e+00, v3;
	_ =	sdelay $0x1  }
0xcb: {  	(erf) = vrcp.f32 v3;
	_ =	sdelay $0x2  }
0xcc: {  	[tilespmem:$0x16100] =	vst v43  }
0xcd: {  	[tilespmem:$0x16110] =	vst v47  }
0xce: {  	[tilespmem:$0x16120] =	vst v51  }
0xcf: {  	[tilespmem:$0x16130] =	vst v55  }
0xd0: {  	[tilespmem:$0x16140] =	vst v60  }
0xd1: {  	[tilespmem:$0x16150] =	vst v2  }
0xd2: {  	[tilespmem:$0x16160] =	vst v1;
	v1 =	vpop (erf)  }
0xd3: {  	s24 =	rddreg [dreg:$0x11];
	s6 =	simm.s32 $0x16100;
	[tilespmem:$0x16170] =	vst v1  }
0xd4: {  	[spmem:s24] =	stream.linear.scatter [tilespmem:s6], [sflag:$0x6], $0x80, $0x38;
	[tilespmem:$0x16200] =	vst v63  }
0xd5: {  	_ =	swait.ge [sflag:s0], $0x80  }
0xd6: {  	[sflag:s0] =	ssyncset.done $0x0  }
0xd7: {  	[sflag:s0] =	ssyncadd.s32 $0xFFFFFF80  }
0xd8: {  	[bflag:$0x0] =	sbarrier.arrive $0xFFFF  }
.Ltmp3:
0xd9: {  	s28 =	simm.s32 $0x10000;
	s25 =	rddreg [dreg:$0x4];
	(pc) =	sbr.rel .LBB2_4-.Ltmp3, $4  }
0xda: {  	[tilespmem:s28], [sflag:$0x6] =	stream.linear.gather [spmem:s25], $0x800, $0x38;
	[tilespmem:$0x16200] =	vst v63  }
0xdb: {  	s31 =	simm.s32 $0x0;
	_ =	swait.ge [sflag:s0], $0x800  }
0xdc: {  	p0 =	por $0x0, $0x0;
	[sflag:s0] =	ssyncset.done $0x0;
	s25 =	rddreg [dreg:$0x14]  }
0xdd: {  	s8 =	smov.u32 s29;
	s24 =	rddreg [dreg:$0x13];
	[sflag:s0] =	ssyncadd.s32 $0xFFFFF800  }
.LBB2_13:
0xde: {  	s3 =	sshll.u32 @p1 s7, $0x4;
	s9 =	simm.s32 @p1 $0x0;
	p3 =	sgt.u32 @p1 s31, $0x5  }
0xdf: {  	s10 =	simm.s32 @p1 $0x8000;
	s6 =	sadd.s32 @p1 s2, s3;
	p4 =	por p3, !p1  }
0xe0: {  	[hbm4b:s6+s9] =	stream.linear.scatter @p1 [tilespmem:s10], [sflag:$0x3], $0x4000, $0x38;
	[tilespmem:$0x16200] =	vst v63  }
0xe1: {  	p5 =	por @p1 $0x0, $0x0;
	s3 =	sadd.s32 @!p4 s3, s22;
	s6 =	simm.s32 @!p4 $0x0  }
0xe2: {  	[tilespmem:s6], [sflag:$0x1] =	stream.linear.gather @!p4 [hbm4b:s3+s6], $0x4000, $0x38;
	[tilespmem:$0x16200] =	vst v63  }
0xe3: {  	p3 =	por !p3, !p1;
	s9 =	simm.s32 @p2 $0xC000;
	p4 =	por @!p4 $0x1, $0x1  }
0xe4: {  	s3 =	sshll.u32 @p2 s7, $0x4;
	p4 =	por @!p3 p5, p5;
	p3 =	slt.u32 @!p1 s31, $0x6  }
0xe5: {  	s7 =	simm.s32 @p2 $0x0;
	s6 =	sadd.s32 @p2 s2, s3;
	p4 =	por @!p1 p3, p3  }
0xe6: {  	[hbm4b:s6+s7] =	stream.linear.scatter @p2 [tilespmem:s9], [sflag:$0x4], $0x4000, $0x38;
	[tilespmem:$0x16200] =	vst v63  }
0xe7: {  	s31 =	sadd.s32 $0x1, s31;
	p1 =	por !p4, !p2  }
0xe8: {  	s3 =	sadd.s32 @!p1 s3, s22;
	s6 =	simm.s32 @!p1 $0x0;
	s7 =	simm.s32 @!p1 $0x4000  }
0xe9: {  	[tilespmem:s7], [sflag:$0x2] =	stream.linear.gather @!p1 [hbm4b:s3+s6], $0x4000, $0x38;
	[tilespmem:$0x16200] =	vst v63  }
0xea: {  	p1 =	sne.s32 s31, $0x8  }
.Ltmp4:
0xeb: {  	_ = 	snop;
	(pc) =	sbr.rel @!p1 .LBB2_14-.Ltmp4, $3  }
0xec: {  	_ =	sdelay $0x1  }
0xed: {  	s24 =	sadd.s32 $0xFFFFFF80, s24  }
0xee: {  	s8 =	sadd.s32 $0x80, s8;
	s25 =	sadd.s32 $0x80, s25;
	p0 =	por !p0, !p0  }
.LBB2_4:
0xef: {  	s3 =	sand.u32 $0x1, s31  }
0xf0: {  	p1 =	seq.s32 s3, $0x0  }
0xf1: {  	s6 =	simm.s32 @p1 $0x1  }
0xf2: {  	p2 =	slt.u32 @p1 s31, $0x2;
	_ =	swait.ge @p1 [sflag:s6], $0x4000  }
0xf3: {  	p3 =	por p2, !p1;
	[sflag:s6] =	ssyncset.done @p1 $0x0  }
0xf4: {  	[sflag:s6] =	ssyncadd.s32 @p1 $0xFFFFC000;
	s6 =	simm.s32 @!p3 $0x3  }
0xf5: {  	_ =	swait.ge @!p3 [sflag:s6], $0x4000  }
0xf6: {  	s7 =	simm.s32 $0x1;
	p4 =	por @p1 $0x0, $0x0;
	[sflag:s6] =	ssyncset.done @!p3 $0x0  }
0xf7: {  	p2 =	por !p2, !p1;
	[sflag:s6] =	ssyncadd.s32 @!p3 $0xFFFFC000;
	p3 =	por @!p3 $0x1, $0x1  }
0xf8: {  	s6 =	simm.s32 @!p1 $0x2;
	p3 =	por @!p2 p4, p4;
	p2 =	sgt.u32 @!p1 s31, $0x1  }
0xf9: {  	s28 =	sshll.u32 s31, $0x7;
	_ =	swait.ge @!p1 [sflag:s6], $0x4000;
	p3 =	por @!p1 p2, p2  }
.Ltmp5:
0xfa: {  	[sflag:s6] =	ssyncset.done @!p1 $0x0;
	p3 =	por !p3, p1;
	(pc) =	sbr.rel .LBB2_5-.Ltmp5, $4  }
0xfb: {  	s7 =	simm.s32 @!p0 $0x0;
	[sflag:s6] =	ssyncadd.s32 @!p1 $0xFFFFC000;
	s6 =	simm.s32 @!p3 $0x4  }
0xfc: {  	s10 =	sshll.u32 s7, $0x7;
	s7 =	sadd.s32 s29, s28;
	_ =	swait.ge @!p3 [sflag:s6], $0x4000  }
0xfd: {  	s21 =	simm.s32 $0x0;
	s9 =	sadd.s32 $0x80, s7;
	[sflag:s6] =	ssyncset.done @!p3 $0x0  }
0xfe: {  	s12 =	sadd.s32 s10, s24;
	p2 =	seq.s32 s3, $0x1;
	[sflag:s6] =	ssyncadd.s32 @!p3 $0xFFFFC000  }
.LBB2_12:
0xff: {  	p3 =	sne.s32 s21, $0x10  }
.Ltmp6:
0x100: {  	_ = 	snop;
	(pc) =	sbr.rel @!p3 .LBB2_13-.Ltmp6, $1  }
0x101: {  	_ =	sdelay $0x3  }
.LBB2_5:
0x102: {  	v1 =	vld [tilespmem:$0x10800];
	_ =	sdelay $0x1  }
0x103: {  	v2 =	vld [tilespmem:$0x10810]  }
0x104: {  	s3 =	smov.u32 s21;
	v3 =	vmov s21;
	s21 =	sadd.s32 $0x1, s21  }
0x105: {  	vm3 =	veq.s32 v3, v0;
	v3 =	vmov s21;
	s6 =	sadd.s32 $0xFFFFFFF1, s3  }
0x106: {  	v4 =	vnsel vm3, $0x0, v1;
	vm3 =	veq.s32 v3, v0;
	v3 =	vmov s6  }
0x107: {  	(xrf0) =	vadd.scan.msk.s32 $0xffff, v4;
	v1 =	vnsel vm3, $0x0, v1;
	vm3 =	veq.s32 v3, v0  }
0x108: {  	(xrf0) =	vadd.scan.msk.s32 $0xffff, v1;
	v1 =	vnsel vm3, $0x0, v2  }
0x109: {  	(xrf0) =	vadd.scan.msk.s32 $0xffff, v1;
	_ =	sdelay $0x3  }
0x10a: {  	v1, _, _ =	vpop (xrf0)  }
0x10b: {  	v2, _, _ =	vpop (xrf0);
	(v2sf) =	vpush v1, $0xF  }
0x10c: {  	(v2sf) =	vpush v2, $0xF;
	v1, _, _ =	vpop (xrf0)  }
0x10d: {  	(v2sf) =	vpush v1, $0xF;
	_ =	sdelay $0xc  }
0x10e: {  	s28 =	spop (v2sf)  }
0x10f: {  	s10 =	spop (v2sf)  }
0x110: {  	s13 =	spop (v2sf)  }
0x111: {  	s23 =	sadd.s32 s10, s13  }
0x112: {  	s14 =	sadd.s32 s20, s28;
	p3 =	sgt.s32 s7, s23;
	s10 =	smov.u32 s23  }
0x113: {  	s6 =	smov.u32 s14;
	s10 =	smov.u32 @p3 s7;
	p3 =	sgt.s32 s7, s14  }
0x114: {  	s6 =	smov.u32 @p3 s7;
	s10 =	smin.u32 s9, s10  }
0x115: {  	p3 =	sge.u32 s6, s10  }
.Ltmp7:
0x116: {  	_ = 	snop;
	(pc) =	sbr.rel @p3 .LBB2_12-.Ltmp7, $1  }
0x117: {  	_ =	sdelay $0x3  }
0x118: {  	s28 =	ssub.s32 s10, s7;
	s13 =	ssub.s32 s6, s7  }
0x119: {  	s6 =	ssub.s32 s28, s13  }
0x11a: {  	s3 =	sshll.u32 s3, $0x7;
	s18 =	sshra.s32 s6, $0x1F  }
0x11b: {  	s15 =	sand.u32 $0x3FFFFF80, s3;
	s3 =	sshrl.u32 s18, $0x1E  }
0x11c: {  	s3 =	sadd.s32 s3, s6  }
0x11d: {  	v1 =	vld [tilespmem:s15+$0x10000];
	s10 =	sand.u32 $0xFFFFFFFC, s3  }
0x11e: {  	v2 =	vld [tilespmem:s15+$0x10010];
	s3 =	sadd.s32 s13, s10  }
0x11f: {  	v3 =	vld [tilespmem:s15+$0x10020];
	p3 =	sge.s32 s13, s3  }
.Ltmp8:
0x120: {  	v4 =	vld [tilespmem:s15+$0x10030];
	(pc) =	sbr.rel @p3 .LBB2_9-.Ltmp8, $4  }
0x121: {  	v5 =	vld [tilespmem:s15+$0x10040]  }
0x122: {  	v8 =	vld [tilespmem:s15+$0x10070]  }
0x123: {  	v6 =	vld [tilespmem:s15+$0x10050]  }
0x124: {  	v7 =	vld [tilespmem:s15+$0x10060]  }
0x125: {  	p3 =	sgt.s32 s8, s14  }
0x126: {  	s14 =	smov.u32 @p3 s8  }
0x127: {  	s14 =	sadd.s32 s14, s12  }
0x128: {  	s14 =	sshll.u32 s14, $0x9  }
0x129: {  	s14 =	sshra.s32 s14, $0x2  }
0x12a: {  	s16 =	sor.u32 $0x70, s14  }
0x12b: {  	v9 =	vld [tilespmem:s16+$0x110];
	_ =	sdelay $0x1  }
0x12c: {  	v10 =	vld [tilespmem:s16+$0x10];
	_ =	sdelay $0x2  }
0x12d: {  	v9 =	vmul.f32 v9, v1  }
0x12e: {  	s15 =	sadd.s32 $0x8070, s14;
	v11 =	vld [tilespmem:s16+$0x90]  }
0x12f: {  	v12 =	vld [tilespmem:s16+$0xFFFFFF90];
	v10 =	vmul.f32 v10, v1;
	[tilespmem:s15+$0x110] =	vst v9  }
0x130: {  	v9 =	vld [tilespmem:s16+$0x120]  }
0x131: {  	[tilespmem:s15+$0x10] =	vst v10  }
0x132: {  	v10 =	vld [tilespmem:s16+$0x20]  }
0x133: {  	v11 =	vmul.f32 v11, v1  }
0x134: {  	v12 =	vmul.f32 v12, v1  }
0x135: {  	[tilespmem:s15+$0x90] =	vst v11;
	v9 =	vmul.f32 v9, v2  }
0x136: {  	[tilespmem:s15+$0xFFFFFF90] =	vst v12;
	v11 =	vld [tilespmem:s16+$0xA0]  }
0x137: {  	v12 =	vld [tilespmem:s16+$0xFFFFFFA0];
	v10 =	vmul.f32 v10, v2;
	[tilespmem:s15+$0x120] =	vst v9  }
0x138: {  	v9 =	vld [tilespmem:s16+$0x130]  }
0x139: {  	[tilespmem:s15+$0x20] =	vst v10  }
0x13a: {  	v10 =	vld [tilespmem:s16+$0x30]  }
0x13b: {  	v11 =	vmul.f32 v11, v2  }
0x13c: {  	v12 =	vmul.f32 v12, v2  }
0x13d: {  	[tilespmem:s15+$0xA0] =	vst v11;
	v9 =	vmul.f32 v9, v3  }
0x13e: {  	[tilespmem:s15+$0xFFFFFFA0] =	vst v12;
	v11 =	vld [tilespmem:s16+$0xB0]  }
0x13f: {  	v12 =	vld [tilespmem:s16+$0xFFFFFFB0];
	v10 =	vmul.f32 v10, v3;
	[tilespmem:s15+$0x130] =	vst v9  }
0x140: {  	v9 =	vld [tilespmem:s16+$0x140]  }
0x141: {  	s17 =	sadd.s32 $0x4, s13;
	[tilespmem:s15+$0x30] =	vst v10  }
0x142: {  	p4 =	slt.s32 s17, s3;
	v10 =	vld [tilespmem:s16+$0x40]  }
.Ltmp9:
0x143: {  	v11 =	vmul.f32 v11, v3;
	(pc) =	sbr.rel @!p4 .LBB2_8-.Ltmp9, $4  }
0x144: {  	v12 =	vmul.f32 v12, v3  }
0x145: {  	[tilespmem:s15+$0xB0] =	vst v11;
	v9 =	vmul.f32 v9, v4  }
0x146: {  	[tilespmem:s15+$0xFFFFFFB0] =	vst v12;
	v13 =	vld [tilespmem:s16+$0xC0]  }
0x147: {  	p3 =	por $0x0, $0x0;
	s14 =	sadd.s32 $0x200, s16;
	v14 =	vld [tilespmem:s16+$0xFFFFFFC0];
	v15 =	vmul.f32 v10, v4;
	[tilespmem:s15+$0x140] =	vst v9  }
0x148: {  	_ =	sdelay $0x1  }
0x149: {  	v9 =	vld [tilespmem:s14+$0x110]  }
0x14a: {  	v10 =	vld [tilespmem:s16+$0x150]  }
0x14b: {  	v12 =	vld [tilespmem:s14+$0x10];
	v11 =	vmul.f32 v14, v4  }
0x14c: {  	v14 =	vld [tilespmem:s14+$0x90]  }
0x14d: {  	v13 =	vmul.f32 v13, v4;
	[tilespmem:s15+$0xFFFFFFC0] =	vst v11;
	v11 =	vld [tilespmem:s14+$0xFFFFFF90]  }
0x14e: {  	[tilespmem:s15+$0x40] =	vst v15;
	v9 =	vmul.f32 v9, v1;
	v15 =	vld [tilespmem:s16+$0xFFFFFFD0]  }
0x14f: {  	s13 =	sadd.s32 $0x200, s15;
	[tilespmem:s15+$0xC0] =	vst v13;
	v13 =	vld [tilespmem:s16+$0x50];
	v10 =	vmul.f32 v10, v5  }
0x150: {  	v12 =	vmul.f32 v12, v1;
	[tilespmem:s13+$0x110] =	vst v9;
	v9 =	vld [tilespmem:s16+$0xD0]  }
0x151: {  	[tilespmem:s15+$0x150] =	vst v10;
	v16 =	vld [tilespmem:s14+$0x120];
	v14 =	vmul.f32 v14, v1  }
0x152: {  	[tilespmem:s13+$0x10] =	vst v12;
	v10 =	vmul.f32 v11, v1;
	v11 =	vld [tilespmem:s16+$0x160]  }
0x153: {  	v12 =	vld [tilespmem:s14+$0x20];
	[tilespmem:s13+$0x90] =	vst v14;
	v14 =	vmul.f32 v15, v5  }
0x154: {  	v13 =	vmul.f32 v13, v5;
	[tilespmem:s13+$0xFFFFFF90] =	vst v10;
	v10 =	vld [tilespmem:s14+$0xA0]  }
0x155: {  	v9 =	vmul.f32 v9, v5;
	v15 =	vld [tilespmem:s14+$0xFFFFFFA0];
	[tilespmem:s15+$0xFFFFFFD0] =	vst v14  }
0x156: {  	[tilespmem:s15+$0x50] =	vst v13;
	v14 =	vmul.f32 v16, v2;
	v16 =	vld [tilespmem:s16+$0xFFFFFFE0]  }
0x157: {  	v13 =	vld [tilespmem:s16+$0x60];
	[tilespmem:s15+$0xD0] =	vst v9;
	v9 =	vmul.f32 v11, v6  }
0x158: {  	v11 =	vmul.f32 v12, v2;
	[tilespmem:s13+$0x120] =	vst v14;
	v12 =	vld [tilespmem:s16+$0xE0]  }
0x159: {  	v14 =	vld [tilespmem:s14+$0x130];
	v10 =	vmul.f32 v10, v2;
	[tilespmem:s15+$0x160] =	vst v9  }
0x15a: {  	[tilespmem:s13+$0x20] =	vst v11;
	v9 =	vmul.f32 v15, v2;
	v11 =	vld [tilespmem:s16+$0x170]  }
0x15b: {  	v15 =	vld [tilespmem:s14+$0x30];
	[tilespmem:s13+$0xA0] =	vst v10;
	v10 =	vmul.f32 v16, v6  }
0x15c: {  	v13 =	vmul.f32 v13, v6;
	[tilespmem:s13+$0xFFFFFFA0] =	vst v9;
	v9 =	vld [tilespmem:s14+$0xB0]  }
0x15d: {  	v16 =	vld [tilespmem:s14+$0xFFFFFFB0];
	[tilespmem:s15+$0xFFFFFFE0] =	vst v10;
	v10 =	vmul.f32 v12, v6  }
0x15e: {  	[tilespmem:s15+$0x60] =	vst v13;
	v12 =	vmul.f32 v14, v3;
	v14 =	vld [tilespmem:s16+$0xFFFFFFF0]  }
0x15f: {  	v17 =	vld [tilespmem:s16+$0x70];
	[tilespmem:s15+$0xE0] =	vst v10;
	v10 =	vmul.f32 v11, v7  }
0x160: {  	v11 =	vmul.f32 v15, v3;
	[tilespmem:s13+$0x130] =	vst v12;
	v12 =	vld [tilespmem:s16+$0xF0]  }
0x161: {  	v15 =	vld [tilespmem:s14+$0x140];
	v9 =	vmul.f32 v9, v3;
	[tilespmem:s15+$0x170] =	vst v10  }
0x162: {  	s17 =	sadd.s32 $0x4, s17;
	[tilespmem:s13+$0x30] =	vst v11;
	v10 =	vmul.f32 v16, v3;
	v11 =	vld [tilespmem:s16+$0x180]  }
0x163: {  	p4 =	slt.s32 s17, s3;
	v16 =	vld [tilespmem:s14+$0x40];
	[tilespmem:s13+$0xB0] =	vst v9;
	v9 =	vmul.f32 v14, v7  }
.Ltmp10:
0x164: {  	v17 =	vmul.f32 v17, v7;
	[tilespmem:s13+$0xFFFFFFB0] =	vst v10;
	v13 =	vld [tilespmem:s14+$0xC0];
	(pc) =	sbr.rel @!p4 .LBB2_17-.Ltmp10, $4  }
0x165: {  	v14 =	vld [tilespmem:s14+$0xFFFFFFC0];
	[tilespmem:s15+$0xFFFFFFF0] =	vst v9;
	v12 =	vmul.f32 v12, v7  }
0x166: {  	[tilespmem:s15+$0x70] =	vst v17;
	v18 =	vmul.f32 v15, v4;
	v10 =	vld [tilespmem:s16+$0x0]  }
0x167: {  	v9 =	vld [tilespmem:s16+$0x80];
	[tilespmem:s15+$0xF0] =	vst v12;
	v12 =	vmul.f32 v11, v8  }
0x168: {  	s18 =	sadd.s32 $0x200, s14;
	p3 =	por $0x1, $0x1;
	v15 =	vmul.f32 v16, v4;
	[tilespmem:s13+$0x140] =	vst v18;
	v11 =	vld [tilespmem:s16+$0x100]  }
.LBB2_18:
0x169: {  	v16 =	vld [tilespmem:s18+$0x110];
	v13 =	vmul.f32 v13, v4;
	[tilespmem:s15+$0x180] =	vst v12  }
0x16a: {  	s17 =	sadd.s32 $0x4, s17;
	v12 =	vmul.f32 v14, v4;
	[tilespmem:s13+$0x40] =	vst v15;
	v14 =	vld [tilespmem:s14+$0x150]  }
0x16b: {  	p4 =	slt.s32 s17, s3;
	v15 =	vld [tilespmem:s18+$0x10];
	[tilespmem:s13+$0xC0] =	vst v13;
	v10 =	vmul.f32 v10, v8  }
0x16c: {  	v13 =	vld [tilespmem:s18+$0x90];
	[tilespmem:s13+$0xFFFFFFC0] =	vst v12;
	v9 =	vmul.f32 v9, v8  }
0x16d: {  	v12 =	vld [tilespmem:s18+$0xFFFFFF90];
	[tilespmem:s15+$0x0] =	vst v10;
	v10 =	vmul.f32 v11, v8  }
0x16e: {  	v11 =	vmul.f32 v16, v1;
	v16 =	vld [tilespmem:s14+$0xFFFFFFD0];
	[tilespmem:s15+$0x80] =	vst v9  }
0x16f: {  	v9 =	vld [tilespmem:s14+$0x50];
	v14 =	vmul.f32 v14, v5;
	[tilespmem:s15+$0x100] =	vst v10;
	s15 =	smov.u32 s13;
	s13 =	sadd.s32 $0x200, s13  }
0x170: {  	v10 =	vmul.f32 v15, v1;
	[tilespmem:s13+$0x110] =	vst v11;
	v11 =	vld [tilespmem:s14+$0xD0]  }
0x171: {  	v13 =	vmul.f32 v13, v1;
	v15 =	vld [tilespmem:s18+$0x120];
	[tilespmem:s15+$0x150] =	vst v14  }
0x172: {  	v12 =	vmul.f32 v12, v1;
	[tilespmem:s13+$0x10] =	vst v10;
	v10 =	vld [tilespmem:s14+$0x160]  }
0x173: {  	v14 =	vld [tilespmem:s18+$0x20];
	[tilespmem:s13+$0x90] =	vst v13;
	v13 =	vmul.f32 v16, v5  }
0x174: {  	[tilespmem:s13+$0xFFFFFF90] =	vst v12;
	v12 =	vld [tilespmem:s18+$0xA0];
	v9 =	vmul.f32 v9, v5  }
0x175: {  	v16 =	vld [tilespmem:s18+$0xFFFFFFA0];
	[tilespmem:s15+$0xFFFFFFD0] =	vst v13;
	v11 =	vmul.f32 v11, v5  }
0x176: {  	v13 =	vmul.f32 v15, v2;
	v15 =	vld [tilespmem:s14+$0xFFFFFFE0];
	[tilespmem:s15+$0x50] =	vst v9  }
0x177: {  	v9 =	vld [tilespmem:s14+$0x60];
	[tilespmem:s15+$0xD0] =	vst v11;
	v10 =	vmul.f32 v10, v6  }
0x178: {  	v11 =	vmul.f32 v14, v2;
	[tilespmem:s13+$0x120] =	vst v13;
	v13 =	vld [tilespmem:s14+$0xE0]  }
0x179: {  	v12 =	vmul.f32 v12, v2;
	v14 =	vld [tilespmem:s18+$0x130];
	[tilespmem:s15+$0x160] =	vst v10  }
0x17a: {  	v10 =	vmul.f32 v16, v2;
	[tilespmem:s13+$0x20] =	vst v11;
	v11 =	vld [tilespmem:s14+$0x170]  }
0x17b: {  	v16 =	vld [tilespmem:s18+$0x30];
	[tilespmem:s13+$0xA0] =	vst v12;
	v12 =	vmul.f32 v15, v6  }
0x17c: {  	[tilespmem:s13+$0xFFFFFFA0] =	vst v10;
	v10 =	vld [tilespmem:s18+$0xB0];
	v9 =	vmul.f32 v9, v6  }
0x17d: {  	v15 =	vld [tilespmem:s18+$0xFFFFFFB0];
	[tilespmem:s15+$0xFFFFFFE0] =	vst v12;
	v12 =	vmul.f32 v13, v6  }
0x17e: {  	v13 =	vmul.f32 v14, v3;
	v14 =	vld [tilespmem:s14+$0xFFFFFFF0];
	[tilespmem:s15+$0x60] =	vst v9  }
0x17f: {  	v9 =	vld [tilespmem:s14+$0x70];
	[tilespmem:s15+$0xE0] =	vst v12;
	v11 =	vmul.f32 v11, v7  }
0x180: {  	v12 =	vmul.f32 v16, v3;
	[tilespmem:s13+$0x130] =	vst v13;
	v16 =	vld [tilespmem:s14+$0xF0]  }
0x181: {  	v10 =	vmul.f32 v10, v3;
	v17 =	vld [tilespmem:s18+$0x140];
	[tilespmem:s15+$0x170] =	vst v11  }
0x182: {  	v11 =	vmul.f32 v15, v3;
	[tilespmem:s13+$0x30] =	vst v12;
	v12 =	vld [tilespmem:s14+$0x180]  }
0x183: {  	v15 =	vld [tilespmem:s18+$0x40];
	[tilespmem:s13+$0xB0] =	vst v10;
	v10 =	vmul.f32 v14, v7  }
.Ltmp11:
0x184: {  	[tilespmem:s13+$0xFFFFFFB0] =	vst v11;
	v13 =	vld [tilespmem:s18+$0xC0];
	v9 =	vmul.f32 v9, v7;
	(pc) =	sbr.rel @p4 .LBB2_18-.Ltmp11, $4  }
0x185: {  	v14 =	vld [tilespmem:s18+$0xFFFFFFC0];
	[tilespmem:s15+$0xFFFFFFF0] =	vst v10;
	v11 =	vmul.f32 v16, v7  }
0x186: {  	v16 =	vmul.f32 v17, v4;
	v10 =	vld [tilespmem:s14+$0x0];
	[tilespmem:s15+$0x70] =	vst v9  }
0x187: {  	v9 =	vld [tilespmem:s14+$0x80];
	[tilespmem:s15+$0xF0] =	vst v11;
	v12 =	vmul.f32 v12, v8  }
0x188: {  	v15 =	vmul.f32 v15, v4;
	[tilespmem:s13+$0x140] =	vst v16;
	v11 =	vld [tilespmem:s14+$0x100];
	s14 =	smov.u32 s18;
	s18 =	sadd.s32 $0x200, s18  }
0x189: {  	s17 =	smov.u32 s15;
	s15 =	smov.u32 s13;
	s16 =	smov.u32 s14  }
.LBB2_20:
0x18a: {  	v14 =	vmul.f32 v14, v4;
	_ =	sdelay $0x1  }
0x18b: {  	v13 =	vmul.f32 v13, v4;
	v16 =	vld [tilespmem:s16+$0x150];
	[tilespmem:s15+$0xFFFFFFC0] =	vst v14  }
0x18c: {  	[tilespmem:s15+$0x40] =	vst v15;
	v14 =	vld [tilespmem:s16+$0xFFFFFFD0]  }
0x18d: {  	v56 =	vld [tilespmem:s16+$0x50];
	[tilespmem:s15+$0xC0] =	vst v13  }
0x18e: {  	v57 =	vld [tilespmem:s16+$0xD0];
	_ =	sdelay $0x1  }
0x18f: {  	v16 =	vmul.f32 v16, v5  }
0x190: {  	v14 =	vmul.f32 v14, v5  }
0x191: {  	v13 =	vmul.f32 v56, v5;
	[tilespmem:s15+$0x150] =	vst v16  }
0x192: {  	v16 =	vld [tilespmem:s16+$0x160];
	v58 =	vmul.f32 v57, v5;
	[tilespmem:s15+$0xFFFFFFD0] =	vst v14  }
0x193: {  	[tilespmem:s15+$0x50] =	vst v13;
	v59 =	vld [tilespmem:s16+$0xFFFFFFE0]  }
0x194: {  	v13 =	vld [tilespmem:s16+$0x60];
	[tilespmem:s15+$0xD0] =	vst v58  }
0x195: {  	v14 =	vld [tilespmem:s16+$0xE0];
	_ =	sdelay $0x1  }
0x196: {  	v16 =	vmul.f32 v16, v6  }
0x197: {  	v15 =	vmul.f32 v59, v6  }
0x198: {  	v13 =	vmul.f32 v13, v6;
	[tilespmem:s15+$0x160] =	vst v16  }
0x199: {  	v16 =	vld [tilespmem:s16+$0x170];
	v14 =	vmul.f32 v14, v6;
	[tilespmem:s15+$0xFFFFFFE0] =	vst v15  }
0x19a: {  	[tilespmem:s15+$0x60] =	vst v13;
	v15 =	vld [tilespmem:s16+$0xFFFFFFF0]  }
0x19b: {  	v13 =	vld [tilespmem:s16+$0x70];
	[tilespmem:s15+$0xE0] =	vst v14  }
0x19c: {  	v14 =	vld [tilespmem:s16+$0xF0];
	_ =	sdelay $0x1  }
0x19d: {  	v16 =	vmul.f32 v16, v7  }
0x19e: {  	v15 =	vmul.f32 v15, v7  }
0x19f: {  	v13 =	vmul.f32 v13, v7;
	[tilespmem:s15+$0x170] =	vst v16  }
0x1a0: {  	v60 =	vld [tilespmem:s16+$0x180];
	v14 =	vmul.f32 v14, v7;
	[tilespmem:s15+$0xFFFFFFF0] =	vst v15  }
0x1a1: {  	[tilespmem:s15+$0x70] =	vst v13;
	v61 =	vld [tilespmem:s16+$0x0]  }
0x1a2: {  	v10 =	vmul.f32 @p3 v10, v8;
	v62 =	vld [tilespmem:s16+$0x80];
	[tilespmem:s15+$0xF0] =	vst v14  }
0x1a3: {  	[tilespmem:s17+$0x180] =	vst @p3 v12;
	v9 =	vmul.f32 @p3 v9, v8;
	v63 =	vld [tilespmem:s16+$0x100]  }
0x1a4: {  	[tilespmem:s17+$0x0] =	vst @p3 v10;
	v10 =	vmul.f32 @p3 v11, v8  }
0x1a5: {  	[tilespmem:s17+$0x80] =	vst @p3 v9;
	v9 =	vmul.f32 v60, v8  }
0x1a6: {  	[tilespmem:s17+$0x100] =	vst @p3 v10;
	v10 =	vmul.f32 v61, v8  }
0x1a7: {  	[tilespmem:s15+$0x180] =	vst v9;
	v9 =	vmul.f32 v62, v8  }
0x1a8: {  	[tilespmem:s15+$0x0] =	vst v10;
	v10 =	vmul.f32 v63, v8  }
0x1a9: {  	[tilespmem:s15+$0x80] =	vst v9  }
0x1aa: {  	[tilespmem:s15+$0x100] =	vst v10  }
.LBB2_9:
0x1ab: {  	p3 =	sge.s32 s3, s28  }
.Ltmp12:
0x1ac: {  	_ = 	snop;
	(pc) =	sbr.rel @p3 .LBB2_12-.Ltmp12, $1  }
0x1ad: {  	_ =	sdelay $0x3  }
0x1ae: {  	p3 =	sgt.s32 s8, s23  }
0x1af: {  	s23 =	smov.u32 @p3 s8  }
0x1b0: {  	s13 =	smov.u32 s25;
	p3 =	slt.s32 s23, s25  }
0x1b1: {  	s13 =	smov.u32 @p3 s23  }
0x1b2: {  	s3 =	ssub.s32 s6, s10;
	s23 =	sadd.s32 s13, s12  }
0x1b3: {  	s6 =	ssub.s32 s23, s3  }
0x1b4: {  	s6 =	sshll.u32 s6, $0x9  }
0x1b5: {  	s28 =	sshra.s32 s6, $0x2  }
0x1b6: {  	s6 =	sor.u32 $0x40, s28;
	s10 =	sadd.s32 $0x8040, s28  }
.LBB2_11:
0x1b7: {  	v9 =	vld [tilespmem:s6+$0xFFFFFFC0];
	_ =	sdelay $0x4  }
0x1b8: {  	v9 =	vmul.f32 v9, v1;
	_ =	sdelay $0x1  }
0x1b9: {  	[tilespmem:s10+$0xFFFFFFC0] =	vst v9  }
0x1ba: {  	v9 =	vld [tilespmem:s6+$0xFFFFFFD0];
	_ =	sdelay $0x4  }
0x1bb: {  	v9 =	vmul.f32 v9, v2;
	_ =	sdelay $0x1  }
0x1bc: {  	[tilespmem:s10+$0xFFFFFFD0] =	vst v9  }
0x1bd: {  	v9 =	vld [tilespmem:s6+$0xFFFFFFE0];
	_ =	sdelay $0x4  }
0x1be: {  	v9 =	vmul.f32 v9, v3;
	_ =	sdelay $0x1  }
0x1bf: {  	[tilespmem:s10+$0xFFFFFFE0] =	vst v9  }
0x1c0: {  	v9 =	vld [tilespmem:s6+$0xFFFFFFF0];
	_ =	sdelay $0x4  }
0x1c1: {  	v9 =	vmul.f32 v9, v4;
	_ =	sdelay $0x1  }
0x1c2: {  	[tilespmem:s10+$0xFFFFFFF0] =	vst v9  }
0x1c3: {  	v9 =	vld [tilespmem:s6+$0x0];
	_ =	sdelay $0x4  }
0x1c4: {  	v9 =	vmul.f32 v9, v5;
	_ =	sdelay $0x1  }
0x1c5: {  	[tilespmem:s10+$0x0] =	vst v9  }
0x1c6: {  	v9 =	vld [tilespmem:s6+$0x10];
	_ =	sdelay $0x4  }
0x1c7: {  	v9 =	vmul.f32 v9, v6;
	_ =	sdelay $0x1  }
0x1c8: {  	[tilespmem:s10+$0x10] =	vst v9  }
0x1c9: {  	v9 =	vld [tilespmem:s6+$0x20];
	_ =	sdelay $0x4  }
0x1ca: {  	v9 =	vmul.f32 v9, v7;
	_ =	sdelay $0x1  }
0x1cb: {  	[tilespmem:s10+$0x20] =	vst v9  }
0x1cc: {  	v9 =	vld [tilespmem:s6+$0x30];
	_ =	sdelay $0x1  }
0x1cd: {  	p3 =	sne.s32 s3, $0x1  }
.Ltmp13:
0x1ce: {  	_ = 	snop;
	(pc) =	sbr.rel @p3 .LBB2_11-.Ltmp13, $3  }
0x1cf: {  	_ = 	snop  }
0x1d0: {  	v9 =	vmul.f32 v9, v8;
	_ =	sdelay $0x1  }
0x1d1: {  	s3 =	sadd.s32 $0xFFFFFFFF, s3;
	s6 =	sadd.s32 $0x80, s6;
	[tilespmem:s10+$0x30] =	vst v9;
	s10 =	sadd.s32 $0x80, s10  }
.Ltmp14:
0x1d2: {  	_ = 	snop;
	(pc) =	sbr.rel .LBB2_12-.Ltmp14, $1  }
0x1d3: {  	_ =	sdelay $0x3  }
.LBB2_8:
.Ltmp15:
0x1d4: {  	(pc) =	sbr.rel .LBB2_20-.Ltmp15, $2  }
0x1d5: {  	_ =	sdelay $0x2  }
0x1d6: {  	_ = 	snop  }
.LBB2_17:
.Ltmp16:
0x1d7: {  	(pc) =	sbr.rel .LBB2_20-.Ltmp16, $2  }
0x1d8: {  	_ =	sdelay $0x2  }
0x1d9: {  	s17 =	smov.u32 s15;
	s15 =	smov.u32 s13;
	s16 =	smov.u32 s14  }
.LBB2_15:
0x1da: {  	_ =	sfence.sel $0x180000  }
0x1db: {  	[bflag:$0x0] =	sbarrier.arrive $0xFFFF  }
0x1dc: {  	_ =	strace $0x9000004A  }
0x1dd: {  	s0 =	stileid.u32;
	[bflag:$0x2] =	sbarrier.arrive $0xFFFF  }
0x1de: {  	p0 =	sne.s32 s0, $0x0;
	s0 =	rddreg [dreg:$0x5]  }
0x1df: {  	s0 =	sadd.s32 @!p0 $0x100000, s0  }
0x1e0: {  	[sflag:s0] =	ssyncadd.tile.s32 @!p0 $0x1;
	_ =	shalt  }
.Lfunc_end2:
_tile_overlayer_lowered:
.L_overlay_start_2:
0x1e1: {  	(tag) =	ssettag $0x2  }
0x1e2: {  	s0 =	rddreg [dreg:$0x0];
	s2 =	stileid.u32  }
0x1e3: {  	s1 =	rddreg [dreg:$0x1];
	p0 =	sne.s32 s2, $0x0  }
0x1e4: {  	s3 =	rddreg [dreg:$0x2];
	[bflag:$0x3] =	sbarrier.arrive $0xFFFF;
	s2 =	simm.s32 @!p0 $0x1C06  }
0x1e5: {  	[timem:s3], [sflag:s2] =	dma.local @!p0 [hbm:s0], s1  }
0x1e6: {  	s0 =	simm.s32 @!p0 $0x6  }
0x1e7: {  	_ =	swait.ge @!p0 [sflag:s0], s1  }
0x1e8: {  	s1 =	ssub.s32 @!p0 $0x0, s1;
	[sflag:s0] =	ssyncset.done @!p0 $0x0  }
0x1e9: {  	[sflag:s0] =	ssyncadd.s32 @!p0 s1  }
0x1ea: {  	[bflag:$0x3] =	sbarrier.arrive $0xFFFF  }
0x1eb: {  	_ =	shalt  }

</sc_bundles>
